<compile_context>
chip_gen: v7x
topology: tpu7x:2x2x1
jax: 0.10.2.dev20260603
libtpu: 0.0.44.dev20260713+nightly
codegen_flags: <defaults>
</compile_context>

<pallas_src>
import functools

import jax
import jax.numpy as jnp
from jax import lax
from jax.experimental import pallas as pl
from jax.experimental.pallas import tpu as pltpu
from jax.experimental.pallas import tpu_sc as plsc

NC, NS, L = 2, 16, 16
NW = NC * NS

MC = 3456
G = 8




def _round_mult(v):
    y = v * jnp.float32(65537.0)
    return y - (y - v)

def _sc_body(B, N, MSC, WPB, MS,
             px_hbm, py_hbm, pz_hbm, gx_hbm, gy_hbm, gz_hbm,
             row_hbm, col_hbm,
             px_v, py_v, pz_v, gx_v, gy_v, gz_v, rowvec_v, col_v):
    nchunks = MS // L
    group_sizes = [G] * (nchunks // G)
    if nchunks % G:
        group_sizes.append(nchunks % G)
    wid = lax.axis_index("s") * NC + lax.axis_index("c")
    b = wid // WPB
    ms = (wid % WPB) * MS

    pltpu.sync_copy(px_hbm.at[pl.ds(b * N, N)], px_v)
    pltpu.sync_copy(py_hbm.at[pl.ds(b * N, N)], py_v)
    pltpu.sync_copy(pz_hbm.at[pl.ds(b * N, N)], pz_v)
    goff = b * MSC + ms
    pltpu.sync_copy(gx_hbm.at[pl.ds(goff, MS)], gx_v)
    pltpu.sync_copy(gy_hbm.at[pl.ds(goff, MS)], gy_v)
    pltpu.sync_copy(gz_hbm.at[pl.ds(goff, MS)], gz_v)

    gbase = 0
    for grp, GS in enumerate(group_sizes):
        base = gbase
        gbase += GS * L
        gxr = [gx_v[pl.ds(base + c * L, L)] for c in range(GS)]
        gyr = [gy_v[pl.ds(base + c * L, L)] for c in range(GS)]
        gzr = [gz_v[pl.ds(base + c * L, L)] for c in range(GS)]
        sq2 = [gxr[c] * gxr[c] + gyr[c] * gyr[c] + gzr[c] * gzr[c]
               for c in range(GS)]
        gx = [_round_mult(gxr[c]) for c in range(GS)]
        gy = [_round_mult(gyr[c]) for c in range(GS)]
        gz = [_round_mult(gzr[c]) for c in range(GS)]
        init = tuple(jnp.full((L,), jnp.inf, jnp.float32) for _ in range(GS))

        def nb_body(nb, cmins, grp=grp, GS=GS, gx=gx, gy=gy, gz=gz, sq2=sq2):
            nb16 = nb * L
            pxv = px_v[pl.ds(nb16, L)]
            pyv = py_v[pl.ds(nb16, L)]
            pzv = pz_v[pl.ds(nb16, L)]
            sq1v = pxv * pxv + pyv * pyv + pzv * pzv
            pxb = _round_mult(pxv)
            pyb = _round_mult(pyv)
            pzb = _round_mult(pzv)
            out = list(cmins)
            for lane in range(L):
                sq1 = sq1v[lane]
                bx = -2.0 * pxb[lane]
                by = -2.0 * pyb[lane]
                bz = -2.0 * pzb[lane]
                rmin = None
                for c in range(GS):
                    t = sq2[c] + gx[c] * bx + gy[c] * by + gz[c] * bz
                    out[c] = jnp.minimum(out[c], t + sq1)
                    rmin = t if rmin is None else jnp.minimum(rmin, t)
                rmin = rmin + sq1
                n = nb16 + lane
                if grp == 0:
                    rowvec_v[0, pl.ds(n * L, L)] = rmin
                else:
                    rowvec_v[0, pl.ds(n * L, L)] = jnp.minimum(
                        rowvec_v[0, pl.ds(n * L, L)], rmin)
            return tuple(out)

        cmins = lax.fori_loop(0, N // L, nb_body, init)
        for c in range(GS):
            col_v[pl.ds(base + c * L, L)] = cmins[c]

    pltpu.sync_copy(rowvec_v, row_hbm.at[pl.ds(wid, 1), :])
    pltpu.sync_copy(col_v, col_hbm.at[pl.ds(b * MSC + ms, MS)])


def _sc_call(predT, gtT_sc):
    B, _, N = predT.shape
    MSC = gtT_sc.shape[2]
    WPB = NW // B
    MS = MSC // WPB
    assert MS * WPB == MSC and MS % L == 0, (MSC, MS)
    mesh = plsc.VectorSubcoreMesh(core_axis_name="c", subcore_axis_name="s")
    f = pl.kernel(
        functools.partial(_sc_body, B, N, MSC, WPB, MS),
        out_type=[
            jax.ShapeDtypeStruct((NW, N * L), jnp.float32),
            jax.ShapeDtypeStruct((B * MSC,), jnp.float32),
        ],
        mesh=mesh,
        scratch_types=[
            pltpu.VMEM((N,), jnp.float32),
            pltpu.VMEM((N,), jnp.float32),
            pltpu.VMEM((N,), jnp.float32),
            pltpu.VMEM((MS,), jnp.float32),
            pltpu.VMEM((MS,), jnp.float32),
            pltpu.VMEM((MS,), jnp.float32),
            pltpu.VMEM((1, N * L), jnp.float32),
            pltpu.VMEM((MS,), jnp.float32),
        ],
    )
    return f(
        predT[:, 0, :].reshape(-1), predT[:, 1, :].reshape(-1),
        predT[:, 2, :].reshape(-1), gtT_sc[:, 0, :].reshape(-1),
        gtT_sc[:, 1, :].reshape(-1), gtT_sc[:, 2, :].reshape(-1),
    )



def _red_body(y_ref, o_ref):
    x = y_ref[...]
    y = jnp.min(x, axis=0)
    y2 = y.reshape(y.shape[0] // 128, 128)
    for k in (8, 4, 2, 1):
        yr = jnp.concatenate([y2[:, k:], y2[:, :k]], axis=1)
        y2 = jnp.minimum(y2, yr)
    csel = jax.lax.broadcasted_iota(jnp.int32, (128, 8), 0)
    rsel = jax.lax.broadcasted_iota(jnp.int32, (128, 8), 1)
    sel = (csel == rsel * 16).astype(jnp.float32)
    z = jax.lax.dot_general(
        y2, sel, (((1,), (0,)), ((), ())), preferred_element_type=jnp.float32
    )
    o_ref[0] = z


def _lane_reduce_call(row_sc, B, N):
    WPB = NW // B
    out = pl.pallas_call(
        _red_body,
        grid=(B,),
        in_specs=[pl.BlockSpec((WPB, N * L), lambda b: (b, 0))],
        out_specs=pl.BlockSpec((1, (N * L) // 128, 8), lambda b: (b, 0, 0)),
        out_shape=jax.ShapeDtypeStruct((B, (N * L) // 128, 8), jnp.float32),
    )(row_sc)
    return out.reshape(B, N)


def _tc_body(p_ref, g_ref, d1_ref, d2_ref):
    i = pl.program_id(1)
    p = p_ref[0]
    g = g_ref[0]
    sq1 = jnp.sum(p * p, axis=0)
    sq2 = jnp.sum(g * g, axis=0)
    pm2 = -2.0 * p
    inner2 = jax.lax.dot_general(
        pm2, g, (((0,), (0,)), ((), ())), preferred_element_type=jnp.float32
    )
    t = inner2 + sq2[None, :]
    u = t + sq1[:, None]
    d1_ref[0, 0, :] = jnp.min(t, axis=1) + sq1
    colmin = jnp.min(u, axis=0)

    @pl.when(i == 0)
    def _():
        d2_ref[0, 0, :] = colmin

    @pl.when(i > 0)
    def _():
        d2_ref[0, 0, :] = jnp.minimum(d2_ref[0, 0, :], colmin)


def _tc_call(predT, gtT_tc):
    B, _, N = predT.shape
    Mtc = gtT_tc.shape[2]
    TN = 1024
    return pl.pallas_call(
        _tc_body,
        grid=(B, N // TN),
        in_specs=[
            pl.BlockSpec((1, 3, TN), lambda b, i: (b, 0, i)),
            pl.BlockSpec((1, 3, Mtc), lambda b, i: (b, 0, 0)),
        ],
        out_specs=[
            pl.BlockSpec((1, 1, TN), lambda b, i: (b, 0, i)),
            pl.BlockSpec((1, 1, Mtc), lambda b, i: (b, 0, 0)),
        ],
        out_shape=[
            jax.ShapeDtypeStruct((B, 1, N), jnp.float32),
            jax.ShapeDtypeStruct((B, 1, Mtc), jnp.float32),
        ],
    )(predT, gtT_tc)


@jax.jit
def kernel(pred, gt):
    B, N, _ = pred.shape
    M = gt.shape[1]
    predT = jnp.swapaxes(pred, 1, 2)
    gtT = jnp.swapaxes(gt, 1, 2)

    parts1 = []
    parts2 = []
    if MC < M:
        row_sc, col_sc = _sc_call(predT, gtT[:, :, MC:])
        parts1.append(_lane_reduce_call(row_sc, B, N))
        parts2.append(col_sc.reshape(B, M - MC))
    if MC > 0:
        d1_tc, d2_tc = _tc_call(predT, gtT[:, :, :MC])
        parts1.append(d1_tc[:, 0, :])
        parts2.insert(0, d2_tc[:, 0, :])

    dist1 = functools.reduce(jnp.minimum, parts1)
    dist2 = jnp.concatenate(parts2, axis=1) if len(parts2) > 1 else parts2[0]
    return jnp.mean(dist1) + jnp.mean(dist2)

# --- scband reference (transcript-rebuilt; emitter-appended) ---
"""Pipeline reference for scband-chamfer-loss-26628797235307 (READ-ONLY COPY).

The authoritative reference and input builder live on the scoring server;
editing this copy changes nothing except your own understanding.
"""

import jax, jax.numpy as jnp
import numpy as np

FORWARD_WEIGHT = 1.0

def setup_inputs(seed: int = 0) -> dict:
    key = jax.random.key(seed)
    k1, k2 = jax.random.split(key)
    pred = jax.random.normal(k1, (4, 4096, 3), dtype=jnp.float32)
    gt = jax.random.normal(k2, (4, 4096, 3), dtype=jnp.float32)
    return {"pred": pred, "gt": gt}

def _nndistance(xyz1, xyz2):
    # squared euclidean pairwise distances: (B, N, M)
    sq1 = jnp.sum(xyz1 * xyz1, axis=-1)  # (B, N)
    sq2 = jnp.sum(xyz2 * xyz2, axis=-1)  # (B, M)
    inner = jnp.einsum('bnd,bmd->bnm', xyz1, xyz2)  # (B, N, M)
    d2 = sq1[:, :, None] + sq2[:, None, :] - 2.0 * inner
    dist1 = jnp.min(d2, axis=2)  # (B, N) pred->gt nearest sq dist
    dist2 = jnp.min(d2, axis=1)  # (B, M) gt->pred nearest sq dist
    return dist1, dist2

def reference(pred, gt):
    # ChamferLoss.forward with threshold=None, percentage=1.0, no masks,
    # forward_weight=1.0, reduction='mean'
    pred2gt, gt2pred = _nndistance(pred, gt)
    pred2gt = jnp.mean(pred2gt, axis=1)  # (B,)
    gt2pred = jnp.mean(gt2pred, axis=1)  # (B,)
    cd_dist = FORWARD_WEIGHT * pred2gt + gt2pred
    cd_loss = jnp.mean(cd_dist)
    return cd_loss

if __name__ == "__main__":
    import jax
    _d = setup_inputs()
    print(jax.jit(kernel)(*tuple(_d.values())))

</pallas_src>

<mosaic_0001>
#map = affine_map<(d0, d1) -> (0)>
#map1 = affine_map<(d0, d1) -> (0, 0)>
module attributes {stable_mosaic.version = 14 : i64} {
  func.func @_sc_body(%arg0: i32, %arg1: i32, %arg2: memref<16384xf32, #tpu.memory_space<hbm>>, %arg3: memref<16384xf32, #tpu.memory_space<hbm>>, %arg4: memref<16384xf32, #tpu.memory_space<hbm>>, %arg5: memref<2560xf32, #tpu.memory_space<hbm>>, %arg6: memref<2560xf32, #tpu.memory_space<hbm>>, %arg7: memref<2560xf32, #tpu.memory_space<hbm>>, %arg8: memref<32x65536xf32, #tpu.memory_space<hbm>>, %arg9: memref<2560xf32, #tpu.memory_space<hbm>>, %arg10: memref<4096xf32, #tpu.memory_space<vmem>>, %arg11: memref<4096xf32, #tpu.memory_space<vmem>>, %arg12: memref<4096xf32, #tpu.memory_space<vmem>>, %arg13: memref<80xf32, #tpu.memory_space<vmem>>, %arg14: memref<80xf32, #tpu.memory_space<vmem>>, %arg15: memref<80xf32, #tpu.memory_space<vmem>>, %arg16: memref<1x65536xf32, #tpu.memory_space<vmem>>, %arg17: memref<80xf32, #tpu.memory_space<vmem>>) attributes {dimension_semantics = [#tpu.dimension_semantics<core_parallel>, #tpu.dimension_semantics<subcore_parallel>], iteration_bounds = array<i64: 2, 16>, scalar_prefetch = 0 : i64, scratch_operands = 8 : i64, tpu.core_type = #tpu.core_type<sc_vector_subcore>, window_params = [{transform_indices = #map}, {transform_indices = #map}, {transform_indices = #map}, {transform_indices = #map}, {transform_indices = #map}, {transform_indices = #map}, {transform_indices = #map1}, {transform_indices = #map}]} {
    %mul3A = arith.constant 2 : i32
    %mul3A_0 = arith.muli %arg1, %mul3A : i32
    %add3A = arith.addi %mul3A_0, %arg0 : i32
    %jit3A = arith.constant 8 : i32
    %div3A = arith.divsi %add3A, %jit3A : i32
    %sign3A = arith.constant 0 : i32
    %sign3A_1 = arith.cmpi sgt, %add3A, %sign3A : i32
    %sign3A_2 = arith.extui %sign3A_1 : i1 to i32
    %sign3A_3 = arith.constant 0 : i32
    %sign3A_4 = arith.cmpi slt, %add3A, %sign3A_3 : i32
    %sign3A_5 = arith.extui %sign3A_4 : i1 to i32
    %sign3A_6 = arith.subi %sign3A_2, %sign3A_5 : i32
    %sign3A_7 = arith.constant 0 : i32
    %sign3A_8 = arith.cmpi sgt, %jit3A, %sign3A_7 : i32
    %sign3A_9 = arith.extui %sign3A_8 : i1 to i32
    %sign3A_10 = arith.constant 0 : i32
    %sign3A_11 = arith.cmpi slt, %jit3A, %sign3A_10 : i32
    %sign3A_12 = arith.extui %sign3A_11 : i1 to i32
    %sign3A_13 = arith.subi %sign3A_9, %sign3A_12 : i32
    %ne3A = arith.cmpi ne, %sign3A_6, %sign3A_13 : i32
    %rem3A = arith.remsi %add3A, %jit3A : i32
    %ne3A_14 = arith.constant 0 : i32
    %ne3A_15 = arith.cmpi ne, %rem3A, %ne3A_14 : i32
    %and3A = arith.andi %ne3A, %ne3A_15 : i1
    %sub3A = arith.constant 1 : i32
    %sub3A_16 = arith.subi %div3A, %sub3A : i32
    %select_n3A = arith.select %and3A, %sub3A_16, %div3A : i32
    %jit3A_17 = arith.constant 8 : i32
    %eq3A = arith.constant 0 : i32
    %eq3A_18 = arith.cmpi eq, %jit3A_17, %eq3A : i32
    %jit3A_19 = arith.constant 1 : i32
    %select_n3A_20 = arith.select %eq3A_18, %jit3A_19, %jit3A_17 : i32
    %rem3A_21 = arith.remsi %add3A, %select_n3A_20 : i32
    %ne3A_22 = arith.constant 0 : i32
    %ne3A_23 = arith.cmpi ne, %rem3A_21, %ne3A_22 : i32
    %lt3A = arith.constant 0 : i32
    %lt3A_24 = arith.cmpi slt, %rem3A_21, %lt3A : i32
    %lt3A_25 = arith.constant 0 : i32
    %lt3A_26 = arith.cmpi slt, %select_n3A_20, %lt3A_25 : i32
    %ne3A_27 = arith.xori %lt3A_24, %lt3A_26 : i1
    %and3A_28 = arith.andi %ne3A_27, %ne3A_23 : i1
    %add3A_29 = arith.addi %rem3A_21, %select_n3A_20 : i32
    %select_n3A_30 = arith.select %and3A_28, %add3A_29, %rem3A_21 : i32
    %mul3A_31 = arith.constant 80 : i32
    %mul3A_32 = arith.muli %select_n3A_30, %mul3A_31 : i32
    %mul3A_33 = arith.constant 4096 : i32
    %mul3A_34 = arith.muli %select_n3A, %mul3A_33 : i32
    "tpu.region"() ({
      %run_scoped3A = tpu.sem_alloc : memref<!tpu.dma_semaphore, #tpu.memory_space<semaphore_mem>>
      %dma_start3A = tpu.memref_slice %arg2[%mul3A_34] : memref<16384xf32, #tpu.memory_space<hbm>> -> memref<4096xf32, #tpu.memory_space<hbm>>
      %dma_start3A_222 = tpu.memref_slice %arg2[%mul3A_34] : memref<16384xf32, #tpu.memory_space<hbm>> -> memref<4096xf32, #tpu.memory_space<hbm>>
      tpu.enqueue_dma source(%dma_start3A_222 : memref<4096xf32, #tpu.memory_space<hbm>>) target(%arg10 : memref<4096xf32, #tpu.memory_space<vmem>>) target_semaphore(%run_scoped3A : memref<!tpu.dma_semaphore, #tpu.memory_space<semaphore_mem>>)
      %dma_wait3A = tpu.memref_slice %arg2[%mul3A_34] : memref<16384xf32, #tpu.memory_space<hbm>> -> memref<4096xf32, #tpu.memory_space<hbm>>
      %dma_wait3A_223 = tpu.memref_slice %arg2[%mul3A_34] : memref<16384xf32, #tpu.memory_space<hbm>> -> memref<4096xf32, #tpu.memory_space<hbm>>
      tpu.wait_dma2 semaphore(%run_scoped3A : memref<!tpu.dma_semaphore, #tpu.memory_space<semaphore_mem>>) src(%dma_wait3A_223 : memref<4096xf32, #tpu.memory_space<hbm>>) dst(%arg10 : memref<4096xf32, #tpu.memory_space<vmem>>)
      tpu.yield
    }) : () -> ()
    %mul3A_35 = arith.constant 4096 : i32
    %mul3A_36 = arith.muli %select_n3A, %mul3A_35 : i32
    "tpu.region"() ({
      %run_scoped3A = tpu.sem_alloc : memref<!tpu.dma_semaphore, #tpu.memory_space<semaphore_mem>>
      %dma_start3A = tpu.memref_slice %arg3[%mul3A_36] : memref<16384xf32, #tpu.memory_space<hbm>> -> memref<4096xf32, #tpu.memory_space<hbm>>
      %dma_start3A_222 = tpu.memref_slice %arg3[%mul3A_36] : memref<16384xf32, #tpu.memory_space<hbm>> -> memref<4096xf32, #tpu.memory_space<hbm>>
      tpu.enqueue_dma source(%dma_start3A_222 : memref<4096xf32, #tpu.memory_space<hbm>>) target(%arg11 : memref<4096xf32, #tpu.memory_space<vmem>>) target_semaphore(%run_scoped3A : memref<!tpu.dma_semaphore, #tpu.memory_space<semaphore_mem>>)
      %dma_wait3A = tpu.memref_slice %arg3[%mul3A_36] : memref<16384xf32, #tpu.memory_space<hbm>> -> memref<4096xf32, #tpu.memory_space<hbm>>
      %dma_wait3A_223 = tpu.memref_slice %arg3[%mul3A_36] : memref<16384xf32, #tpu.memory_space<hbm>> -> memref<4096xf32, #tpu.memory_space<hbm>>
      tpu.wait_dma2 semaphore(%run_scoped3A : memref<!tpu.dma_semaphore, #tpu.memory_space<semaphore_mem>>) src(%dma_wait3A_223 : memref<4096xf32, #tpu.memory_space<hbm>>) dst(%arg11 : memref<4096xf32, #tpu.memory_space<vmem>>)
      tpu.yield
    }) : () -> ()
    %mul3A_37 = arith.constant 4096 : i32
    %mul3A_38 = arith.muli %select_n3A, %mul3A_37 : i32
    "tpu.region"() ({
      %run_scoped3A = tpu.sem_alloc : memref<!tpu.dma_semaphore, #tpu.memory_space<semaphore_mem>>
      %dma_start3A = tpu.memref_slice %arg4[%mul3A_38] : memref<16384xf32, #tpu.memory_space<hbm>> -> memref<4096xf32, #tpu.memory_space<hbm>>
      %dma_start3A_222 = tpu.memref_slice %arg4[%mul3A_38] : memref<16384xf32, #tpu.memory_space<hbm>> -> memref<4096xf32, #tpu.memory_space<hbm>>
      tpu.enqueue_dma source(%dma_start3A_222 : memref<4096xf32, #tpu.memory_space<hbm>>) target(%arg12 : memref<4096xf32, #tpu.memory_space<vmem>>) target_semaphore(%run_scoped3A : memref<!tpu.dma_semaphore, #tpu.memory_space<semaphore_mem>>)
      %dma_wait3A = tpu.memref_slice %arg4[%mul3A_38] : memref<16384xf32, #tpu.memory_space<hbm>> -> memref<4096xf32, #tpu.memory_space<hbm>>
      %dma_wait3A_223 = tpu.memref_slice %arg4[%mul3A_38] : memref<16384xf32, #tpu.memory_space<hbm>> -> memref<4096xf32, #tpu.memory_space<hbm>>
      tpu.wait_dma2 semaphore(%run_scoped3A : memref<!tpu.dma_semaphore, #tpu.memory_space<semaphore_mem>>) src(%dma_wait3A_223 : memref<4096xf32, #tpu.memory_space<hbm>>) dst(%arg12 : memref<4096xf32, #tpu.memory_space<vmem>>)
      tpu.yield
    }) : () -> ()
    %mul3A_39 = arith.constant 640 : i32
    %mul3A_40 = arith.muli %select_n3A, %mul3A_39 : i32
    %add3A_41 = arith.addi %mul3A_40, %mul3A_32 : i32
    "tpu.region"() ({
      %run_scoped3A = tpu.sem_alloc : memref<!tpu.dma_semaphore, #tpu.memory_space<semaphore_mem>>
      %dma_start3A = tpu.memref_slice %arg5[%add3A_41] : memref<2560xf32, #tpu.memory_space<hbm>> -> memref<80xf32, #tpu.memory_space<hbm>>
      %dma_start3A_222 = tpu.memref_slice %arg5[%add3A_41] : memref<2560xf32, #tpu.memory_space<hbm>> -> memref<80xf32, #tpu.memory_space<hbm>>
      tpu.enqueue_dma source(%dma_start3A_222 : memref<80xf32, #tpu.memory_space<hbm>>) target(%arg13 : memref<80xf32, #tpu.memory_space<vmem>>) target_semaphore(%run_scoped3A : memref<!tpu.dma_semaphore, #tpu.memory_space<semaphore_mem>>)
      %dma_wait3A = tpu.memref_slice %arg5[%add3A_41] : memref<2560xf32, #tpu.memory_space<hbm>> -> memref<80xf32, #tpu.memory_space<hbm>>
      %dma_wait3A_223 = tpu.memref_slice %arg5[%add3A_41] : memref<2560xf32, #tpu.memory_space<hbm>> -> memref<80xf32, #tpu.memory_space<hbm>>
      tpu.wait_dma2 semaphore(%run_scoped3A : memref<!tpu.dma_semaphore, #tpu.memory_space<semaphore_mem>>) src(%dma_wait3A_223 : memref<80xf32, #tpu.memory_space<hbm>>) dst(%arg13 : memref<80xf32, #tpu.memory_space<vmem>>)
      tpu.yield
    }) : () -> ()
    "tpu.region"() ({
      %run_scoped3A = tpu.sem_alloc : memref<!tpu.dma_semaphore, #tpu.memory_space<semaphore_mem>>
      %dma_start3A = tpu.memref_slice %arg6[%add3A_41] : memref<2560xf32, #tpu.memory_space<hbm>> -> memref<80xf32, #tpu.memory_space<hbm>>
      %dma_start3A_222 = tpu.memref_slice %arg6[%add3A_41] : memref<2560xf32, #tpu.memory_space<hbm>> -> memref<80xf32, #tpu.memory_space<hbm>>
      tpu.enqueue_dma source(%dma_start3A_222 : memref<80xf32, #tpu.memory_space<hbm>>) target(%arg14 : memref<80xf32, #tpu.memory_space<vmem>>) target_semaphore(%run_scoped3A : memref<!tpu.dma_semaphore, #tpu.memory_space<semaphore_mem>>)
      %dma_wait3A = tpu.memref_slice %arg6[%add3A_41] : memref<2560xf32, #tpu.memory_space<hbm>> -> memref<80xf32, #tpu.memory_space<hbm>>
      %dma_wait3A_223 = tpu.memref_slice %arg6[%add3A_41] : memref<2560xf32, #tpu.memory_space<hbm>> -> memref<80xf32, #tpu.memory_space<hbm>>
      tpu.wait_dma2 semaphore(%run_scoped3A : memref<!tpu.dma_semaphore, #tpu.memory_space<semaphore_mem>>) src(%dma_wait3A_223 : memref<80xf32, #tpu.memory_space<hbm>>) dst(%arg14 : memref<80xf32, #tpu.memory_space<vmem>>)
      tpu.yield
    }) : () -> ()
    "tpu.region"() ({
      %run_scoped3A = tpu.sem_alloc : memref<!tpu.dma_semaphore, #tpu.memory_space<semaphore_mem>>
      %dma_start3A = tpu.memref_slice %arg7[%add3A_41] : memref<2560xf32, #tpu.memory_space<hbm>> -> memref<80xf32, #tpu.memory_space<hbm>>
      %dma_start3A_222 = tpu.memref_slice %arg7[%add3A_41] : memref<2560xf32, #tpu.memory_space<hbm>> -> memref<80xf32, #tpu.memory_space<hbm>>
      tpu.enqueue_dma source(%dma_start3A_222 : memref<80xf32, #tpu.memory_space<hbm>>) target(%arg15 : memref<80xf32, #tpu.memory_space<vmem>>) target_semaphore(%run_scoped3A : memref<!tpu.dma_semaphore, #tpu.memory_space<semaphore_mem>>)
      %dma_wait3A = tpu.memref_slice %arg7[%add3A_41] : memref<2560xf32, #tpu.memory_space<hbm>> -> memref<80xf32, #tpu.memory_space<hbm>>
      %dma_wait3A_223 = tpu.memref_slice %arg7[%add3A_41] : memref<2560xf32, #tpu.memory_space<hbm>> -> memref<80xf32, #tpu.memory_space<hbm>>
      tpu.wait_dma2 semaphore(%run_scoped3A : memref<!tpu.dma_semaphore, #tpu.memory_space<semaphore_mem>>) src(%dma_wait3A_223 : memref<80xf32, #tpu.memory_space<hbm>>) dst(%arg15 : memref<80xf32, #tpu.memory_space<vmem>>)
      tpu.yield
    }) : () -> ()
    %get3A = arith.constant 0 : index
    %get3A_42 = tpu.vector_load %arg13[%get3A] {strides = array<i32>} : memref<80xf32, #tpu.memory_space<vmem>>, vector<16xf32>,
    %get3A_43 = vector.shape_cast %get3A_42 : vector<16xf32> to vector<16xf32>
    %get3A_44 = arith.constant 16 : index
    %get3A_45 = tpu.vector_load %arg13[%get3A_44] {strides = array<i32>} : memref<80xf32, #tpu.memory_space<vmem>>, vector<16xf32>,
    %get3A_46 = vector.shape_cast %get3A_45 : vector<16xf32> to vector<16xf32>
    %get3A_47 = arith.constant 32 : index
    %get3A_48 = tpu.vector_load %arg13[%get3A_47] {strides = array<i32>} : memref<80xf32, #tpu.memory_space<vmem>>, vector<16xf32>,
    %get3A_49 = vector.shape_cast %get3A_48 : vector<16xf32> to vector<16xf32>
    %get3A_50 = arith.constant 48 : index
    %get3A_51 = tpu.vector_load %arg13[%get3A_50] {strides = array<i32>} : memref<80xf32, #tpu.memory_space<vmem>>, vector<16xf32>,
    %get3A_52 = vector.shape_cast %get3A_51 : vector<16xf32> to vector<16xf32>
    %get3A_53 = arith.constant 64 : index
    %get3A_54 = tpu.vector_load %arg13[%get3A_53] {strides = array<i32>} : memref<80xf32, #tpu.memory_space<vmem>>, vector<16xf32>,
    %get3A_55 = vector.shape_cast %get3A_54 : vector<16xf32> to vector<16xf32>
    %get3A_56 = arith.constant 0 : index
    %get3A_57 = tpu.vector_load %arg14[%get3A_56] {strides = array<i32>} : memref<80xf32, #tpu.memory_space<vmem>>, vector<16xf32>,
    %get3A_58 = vector.shape_cast %get3A_57 : vector<16xf32> to vector<16xf32>
    %get3A_59 = arith.constant 16 : index
    %get3A_60 = tpu.vector_load %arg14[%get3A_59] {strides = array<i32>} : memref<80xf32, #tpu.memory_space<vmem>>, vector<16xf32>,
    %get3A_61 = vector.shape_cast %get3A_60 : vector<16xf32> to vector<16xf32>
    %get3A_62 = arith.constant 32 : index
    %get3A_63 = tpu.vector_load %arg14[%get3A_62] {strides = array<i32>} : memref<80xf32, #tpu.memory_space<vmem>>, vector<16xf32>,
    %get3A_64 = vector.shape_cast %get3A_63 : vector<16xf32> to vector<16xf32>
    %get3A_65 = arith.constant 48 : index
    %get3A_66 = tpu.vector_load %arg14[%get3A_65] {strides = array<i32>} : memref<80xf32, #tpu.memory_space<vmem>>, vector<16xf32>,
    %get3A_67 = vector.shape_cast %get3A_66 : vector<16xf32> to vector<16xf32>
    %get3A_68 = arith.constant 64 : index
    %get3A_69 = tpu.vector_load %arg14[%get3A_68] {strides = array<i32>} : memref<80xf32, #tpu.memory_space<vmem>>, vector<16xf32>,
    %get3A_70 = vector.shape_cast %get3A_69 : vector<16xf32> to vector<16xf32>
    %get3A_71 = arith.constant 0 : index
    %get3A_72 = tpu.vector_load %arg15[%get3A_71] {strides = array<i32>} : memref<80xf32, #tpu.memory_space<vmem>>, vector<16xf32>,
    %get3A_73 = vector.shape_cast %get3A_72 : vector<16xf32> to vector<16xf32>
    %get3A_74 = arith.constant 16 : index
    %get3A_75 = tpu.vector_load %arg15[%get3A_74] {strides = array<i32>} : memref<80xf32, #tpu.memory_space<vmem>>, vector<16xf32>,
    %get3A_76 = vector.shape_cast %get3A_75 : vector<16xf32> to vector<16xf32>
    %get3A_77 = arith.constant 32 : index
    %get3A_78 = tpu.vector_load %arg15[%get3A_77] {strides = array<i32>} : memref<80xf32, #tpu.memory_space<vmem>>, vector<16xf32>,
    %get3A_79 = vector.shape_cast %get3A_78 : vector<16xf32> to vector<16xf32>
    %get3A_80 = arith.constant 48 : index
    %get3A_81 = tpu.vector_load %arg15[%get3A_80] {strides = array<i32>} : memref<80xf32, #tpu.memory_space<vmem>>, vector<16xf32>,
    %get3A_82 = vector.shape_cast %get3A_81 : vector<16xf32> to vector<16xf32>
    %get3A_83 = arith.constant 64 : index
    %get3A_84 = tpu.vector_load %arg15[%get3A_83] {strides = array<i32>} : memref<80xf32, #tpu.memory_space<vmem>>, vector<16xf32>,
    %get3A_85 = vector.shape_cast %get3A_84 : vector<16xf32> to vector<16xf32>
    %mul3A_86 = arith.mulf %get3A_43, %get3A_43 : vector<16xf32>
    %mul3A_87 = arith.mulf %get3A_58, %get3A_58 : vector<16xf32>
    %add3A_88 = arith.addf %mul3A_86, %mul3A_87 : vector<16xf32>
    %mul3A_89 = arith.mulf %get3A_73, %get3A_73 : vector<16xf32>
    %add3A_90 = arith.addf %add3A_88, %mul3A_89 : vector<16xf32>
    %mul3A_91 = arith.mulf %get3A_46, %get3A_46 : vector<16xf32>
    %mul3A_92 = arith.mulf %get3A_61, %get3A_61 : vector<16xf32>
    %add3A_93 = arith.addf %mul3A_91, %mul3A_92 : vector<16xf32>
    %mul3A_94 = arith.mulf %get3A_76, %get3A_76 : vector<16xf32>
    %add3A_95 = arith.addf %add3A_93, %mul3A_94 : vector<16xf32>
    %mul3A_96 = arith.mulf %get3A_49, %get3A_49 : vector<16xf32>
    %mul3A_97 = arith.mulf %get3A_64, %get3A_64 : vector<16xf32>
    %add3A_98 = arith.addf %mul3A_96, %mul3A_97 : vector<16xf32>
    %mul3A_99 = arith.mulf %get3A_79, %get3A_79 : vector<16xf32>
    %add3A_100 = arith.addf %add3A_98, %mul3A_99 : vector<16xf32>
    %mul3A_101 = arith.mulf %get3A_52, %get3A_52 : vector<16xf32>
    %mul3A_102 = arith.mulf %get3A_67, %get3A_67 : vector<16xf32>
    %add3A_103 = arith.addf %mul3A_101, %mul3A_102 : vector<16xf32>
    %mul3A_104 = arith.mulf %get3A_82, %get3A_82 : vector<16xf32>
    %add3A_105 = arith.addf %add3A_103, %mul3A_104 : vector<16xf32>
    %mul3A_106 = arith.mulf %get3A_55, %get3A_55 : vector<16xf32>
    %mul3A_107 = arith.mulf %get3A_70, %get3A_70 : vector<16xf32>
    %add3A_108 = arith.addf %mul3A_106, %mul3A_107 : vector<16xf32>
    %mul3A_109 = arith.mulf %get3A_85, %get3A_85 : vector<16xf32>
    %add3A_110 = arith.addf %add3A_108, %mul3A_109 : vector<16xf32>
    %mul3A_111 = arith.constant 6.553700e+04 : f32
    %mul3A_112 = vector.broadcast %mul3A_111 : f32 to vector<16xf32>
    %mul3A_113 = arith.mulf %get3A_43, %mul3A_112 : vector<16xf32>
    %sub3A_114 = arith.subf %mul3A_113, %get3A_43 : vector<16xf32>
    %sub3A_115 = arith.subf %mul3A_113, %sub3A_114 : vector<16xf32>
    %mul3A_116 = arith.constant 6.553700e+04 : f32
    %mul3A_117 = vector.broadcast %mul3A_116 : f32 to vector<16xf32>
    %mul3A_118 = arith.mulf %get3A_46, %mul3A_117 : vector<16xf32>
    %sub3A_119 = arith.subf %mul3A_118, %get3A_46 : vector<16xf32>
    %sub3A_120 = arith.subf %mul3A_118, %sub3A_119 : vector<16xf32>
    %mul3A_121 = arith.constant 6.553700e+04 : f32
    %mul3A_122 = vector.broadcast %mul3A_121 : f32 to vector<16xf32>
    %mul3A_123 = arith.mulf %get3A_49, %mul3A_122 : vector<16xf32>
    %sub3A_124 = arith.subf %mul3A_123, %get3A_49 : vector<16xf32>
    %sub3A_125 = arith.subf %mul3A_123, %sub3A_124 : vector<16xf32>
    %mul3A_126 = arith.constant 6.553700e+04 : f32
    %mul3A_127 = vector.broadcast %mul3A_126 : f32 to vector<16xf32>
    %mul3A_128 = arith.mulf %get3A_52, %mul3A_127 : vector<16xf32>
    %sub3A_129 = arith.subf %mul3A_128, %get3A_52 : vector<16xf32>
    %sub3A_130 = arith.subf %mul3A_128, %sub3A_129 : vector<16xf32>
    %mul3A_131 = arith.constant 6.553700e+04 : f32
    %mul3A_132 = vector.broadcast %mul3A_131 : f32 to vector<16xf32>
    %mul3A_133 = arith.mulf %get3A_55, %mul3A_132 : vector<16xf32>
    %sub3A_134 = arith.subf %mul3A_133, %get3A_55 : vector<16xf32>
    %sub3A_135 = arith.subf %mul3A_133, %sub3A_134 : vector<16xf32>
    %mul3A_136 = arith.constant 6.553700e+04 : f32
    %mul3A_137 = vector.broadcast %mul3A_136 : f32 to vector<16xf32>
    %mul3A_138 = arith.mulf %get3A_58, %mul3A_137 : vector<16xf32>
    %sub3A_139 = arith.subf %mul3A_138, %get3A_58 : vector<16xf32>
    %sub3A_140 = arith.subf %mul3A_138, %sub3A_139 : vector<16xf32>
    %mul3A_141 = arith.constant 6.553700e+04 : f32
    %mul3A_142 = vector.broadcast %mul3A_141 : f32 to vector<16xf32>
    %mul3A_143 = arith.mulf %get3A_61, %mul3A_142 : vector<16xf32>
    %sub3A_144 = arith.subf %mul3A_143, %get3A_61 : vector<16xf32>
    %sub3A_145 = arith.subf %mul3A_143, %sub3A_144 : vector<16xf32>
    %mul3A_146 = arith.constant 6.553700e+04 : f32
    %mul3A_147 = vector.broadcast %mul3A_146 : f32 to vector<16xf32>
    %mul3A_148 = arith.mulf %get3A_64, %mul3A_147 : vector<16xf32>
    %sub3A_149 = arith.subf %mul3A_148, %get3A_64 : vector<16xf32>
    %sub3A_150 = arith.subf %mul3A_148, %sub3A_149 : vector<16xf32>
    %mul3A_151 = arith.constant 6.553700e+04 : f32
    %mul3A_152 = vector.broadcast %mul3A_151 : f32 to vector<16xf32>
    %mul3A_153 = arith.mulf %get3A_67, %mul3A_152 : vector<16xf32>
    %sub3A_154 = arith.subf %mul3A_153, %get3A_67 : vector<16xf32>
    %sub3A_155 = arith.subf %mul3A_153, %sub3A_154 : vector<16xf32>
    %mul3A_156 = arith.constant 6.553700e+04 : f32
    %mul3A_157 = vector.broadcast %mul3A_156 : f32 to vector<16xf32>
    %mul3A_158 = arith.mulf %get3A_70, %mul3A_157 : vector<16xf32>
    %sub3A_159 = arith.subf %mul3A_158, %get3A_70 : vector<16xf32>
    %sub3A_160 = arith.subf %mul3A_158, %sub3A_159 : vector<16xf32>
    %mul3A_161 = arith.constant 6.553700e+04 : f32
    %mul3A_162 = vector.broadcast %mul3A_161 : f32 to vector<16xf32>
    %mul3A_163 = arith.mulf %get3A_73, %mul3A_162 : vector<16xf32>
    %sub3A_164 = arith.subf %mul3A_163, %get3A_73 : vector<16xf32>
    %sub3A_165 = arith.subf %mul3A_163, %sub3A_164 : vector<16xf32>
    %mul3A_166 = arith.constant 6.553700e+04 : f32
    %mul3A_167 = vector.broadcast %mul3A_166 : f32 to vector<16xf32>
    %mul3A_168 = arith.mulf %get3A_76, %mul3A_167 : vector<16xf32>
    %sub3A_169 = arith.subf %mul3A_168, %get3A_76 : vector<16xf32>
    %sub3A_170 = arith.subf %mul3A_168, %sub3A_169 : vector<16xf32>
    %mul3A_171 = arith.constant 6.553700e+04 : f32
    %mul3A_172 = vector.broadcast %mul3A_171 : f32 to vector<16xf32>
    %mul3A_173 = arith.mulf %get3A_79, %mul3A_172 : vector<16xf32>
    %sub3A_174 = arith.subf %mul3A_173, %get3A_79 : vector<16xf32>
    %sub3A_175 = arith.subf %mul3A_173, %sub3A_174 : vector<16xf32>
    %mul3A_176 = arith.constant 6.553700e+04 : f32
    %mul3A_177 = vector.broadcast %mul3A_176 : f32 to vector<16xf32>
    %mul3A_178 = arith.mulf %get3A_82, %mul3A_177 : vector<16xf32>
    %sub3A_179 = arith.subf %mul3A_178, %get3A_82 : vector<16xf32>
    %sub3A_180 = arith.subf %mul3A_178, %sub3A_179 : vector<16xf32>
    %mul3A_181 = arith.constant 6.553700e+04 : f32
    %mul3A_182 = vector.broadcast %mul3A_181 : f32 to vector<16xf32>
    %mul3A_183 = arith.mulf %get3A_85, %mul3A_182 : vector<16xf32>
    %sub3A_184 = arith.subf %mul3A_183, %get3A_85 : vector<16xf32>
    %sub3A_185 = arith.subf %mul3A_183, %sub3A_184 : vector<16xf32>
    %broadcast_in_dim3A = arith.constant 0x7F800000 : f32
    %broadcast_in_dim3A_186 = vector.broadcast %broadcast_in_dim3A : f32 to vector<16xf32>
    %broadcast_in_dim3A_187 = arith.constant 0x7F800000 : f32
    %broadcast_in_dim3A_188 = vector.broadcast %broadcast_in_dim3A_187 : f32 to vector<16xf32>
    %broadcast_in_dim3A_189 = arith.constant 0x7F800000 : f32
    %broadcast_in_dim3A_190 = vector.broadcast %broadcast_in_dim3A_189 : f32 to vector<16xf32>
    %broadcast_in_dim3A_191 = arith.constant 0x7F800000 : f32
    %broadcast_in_dim3A_192 = vector.broadcast %broadcast_in_dim3A_191 : f32 to vector<16xf32>
    %broadcast_in_dim3A_193 = arith.constant 0x7F800000 : f32
    %broadcast_in_dim3A_194 = vector.broadcast %broadcast_in_dim3A_193 : f32 to vector<16xf32>
    %scan3A = arith.constant 0 : i32
    %scan3A_195 = arith.constant 256 : i32
    %scan3A_196 = arith.addi %scan3A, %scan3A_195 : i32
    %scan3A_197 = arith.constant 1 : i32
    %scan3A_198:5 = scf.for %scan3A_222 = %scan3A to %scan3A_196 step %scan3A_197 iter_args(%scan3A_223 = %broadcast_in_dim3A_186, %scan3A_224 = %broadcast_in_dim3A_188, %scan3A_225 = %broadcast_in_dim3A_190, %scan3A_226 = %broadcast_in_dim3A_192, %scan3A_227 = %broadcast_in_dim3A_194) -> (vector<16xf32>, vector<16xf32>, vector<16xf32>, vector<16xf32>, vector<16xf32>)  : i32 {
      %mul3A_228 = arith.constant 16 : i32
      %mul3A_229 = arith.muli %scan3A_222, %mul3A_228 : i32
      %get3A_230 = arith.index_cast %mul3A_229 : i32 to index
      %get3A_231 = tpu.vector_load %arg10[%get3A_230] {strides = array<i32>} : memref<4096xf32, #tpu.memory_space<vmem>>, vector<16xf32>,
      %get3A_232 = vector.shape_cast %get3A_231 : vector<16xf32> to vector<16xf32>
      %get3A_233 = arith.index_cast %mul3A_229 : i32 to index
      %get3A_234 = tpu.vector_load %arg11[%get3A_233] {strides = array<i32>} : memref<4096xf32, #tpu.memory_space<vmem>>, vector<16xf32>,
      %get3A_235 = vector.shape_cast %get3A_234 : vector<16xf32> to vector<16xf32>
      %get3A_236 = arith.index_cast %mul3A_229 : i32 to index
      %get3A_237 = tpu.vector_load %arg12[%get3A_236] {strides = array<i32>} : memref<4096xf32, #tpu.memory_space<vmem>>, vector<16xf32>,
      %get3A_238 = vector.shape_cast %get3A_237 : vector<16xf32> to vector<16xf32>
      %mul3A_239 = arith.mulf %get3A_232, %get3A_232 : vector<16xf32>
      %mul3A_240 = arith.mulf %get3A_235, %get3A_235 : vector<16xf32>
      %add3A_241 = arith.addf %mul3A_239, %mul3A_240 : vector<16xf32>
      %mul3A_242 = arith.mulf %get3A_238, %get3A_238 : vector<16xf32>
      %add3A_243 = arith.addf %add3A_241, %mul3A_242 : vector<16xf32>
      %mul3A_244 = arith.constant 6.553700e+04 : f32
      %mul3A_245 = vector.broadcast %mul3A_244 : f32 to vector<16xf32>
      %mul3A_246 = arith.mulf %get3A_232, %mul3A_245 : vector<16xf32>
      %sub3A_247 = arith.subf %mul3A_246, %get3A_232 : vector<16xf32>
      %sub3A_248 = arith.subf %mul3A_246, %sub3A_247 : vector<16xf32>
      %mul3A_249 = arith.constant 6.553700e+04 : f32
      %mul3A_250 = vector.broadcast %mul3A_249 : f32 to vector<16xf32>
      %mul3A_251 = arith.mulf %get3A_235, %mul3A_250 : vector<16xf32>
      %sub3A_252 = arith.subf %mul3A_251, %get3A_235 : vector<16xf32>
      %sub3A_253 = arith.subf %mul3A_251, %sub3A_252 : vector<16xf32>
      %mul3A_254 = arith.constant 6.553700e+04 : f32
      %mul3A_255 = vector.broadcast %mul3A_254 : f32 to vector<16xf32>
      %mul3A_256 = arith.mulf %get3A_238, %mul3A_255 : vector<16xf32>
      %sub3A_257 = arith.subf %mul3A_256, %get3A_238 : vector<16xf32>
      %sub3A_258 = arith.subf %mul3A_256, %sub3A_257 : vector<16xf32>
      %slice3A = vector.extract_strided_slice %add3A_243 {offsets = [0], sizes = [1], strides = [1]} : vector<16xf32> to vector<1xf32>
      %squeeze3A = vector.extract %slice3A[0] : f32 from vector<1xf32>
      %slice3A_259 = vector.extract_strided_slice %sub3A_248 {offsets = [0], sizes = [1], strides = [1]} : vector<16xf32> to vector<1xf32>
      %squeeze3A_260 = vector.extract %slice3A_259[0] : f32 from vector<1xf32>
      %mul3A_261 = arith.constant -2.000000e+00 : f32
      %mul3A_262 = arith.mulf %mul3A_261, %squeeze3A_260 : f32
      %slice3A_263 = vector.extract_strided_slice %sub3A_253 {offsets = [0], sizes = [1], strides = [1]} : vector<16xf32> to vector<1xf32>
      %squeeze3A_264 = vector.extract %slice3A_263[0] : f32 from vector<1xf32>
      %mul3A_265 = arith.constant -2.000000e+00 : f32
      %mul3A_266 = arith.mulf %mul3A_265, %squeeze3A_264 : f32
      %slice3A_267 = vector.extract_strided_slice %sub3A_258 {offsets = [0], sizes = [1], strides = [1]} : vector<16xf32> to vector<1xf32>
      %squeeze3A_268 = vector.extract %slice3A_267[0] : f32 from vector<1xf32>
      %mul3A_269 = arith.constant -2.000000e+00 : f32
      %mul3A_270 = arith.mulf %mul3A_269, %squeeze3A_268 : f32
      %mul3A_271 = vector.broadcast %mul3A_262 : f32 to vector<16xf32>
      %mul3A_272 = arith.mulf %sub3A_115, %mul3A_271 : vector<16xf32>
      %add3A_273 = arith.addf %add3A_90, %mul3A_272 : vector<16xf32>
      %mul3A_274 = vector.broadcast %mul3A_266 : f32 to vector<16xf32>
      %mul3A_275 = arith.mulf %sub3A_140, %mul3A_274 : vector<16xf32>
      %add3A_276 = arith.addf %add3A_273, %mul3A_275 : vector<16xf32>
      %mul3A_277 = vector.broadcast %mul3A_270 : f32 to vector<16xf32>
      %mul3A_278 = arith.mulf %sub3A_165, %mul3A_277 : vector<16xf32>
      %add3A_279 = arith.addf %add3A_276, %mul3A_278 : vector<16xf32>
      %add3A_280 = vector.broadcast %squeeze3A : f32 to vector<16xf32>
      %add3A_281 = arith.addf %add3A_279, %add3A_280 : vector<16xf32>
      %min3A = arith.minimumf %scan3A_223, %add3A_281 : vector<16xf32>
      %mul3A_282 = vector.broadcast %mul3A_262 : f32 to vector<16xf32>
      %mul3A_283 = arith.mulf %sub3A_120, %mul3A_282 : vector<16xf32>
      %add3A_284 = arith.addf %add3A_95, %mul3A_283 : vector<16xf32>
      %mul3A_285 = vector.broadcast %mul3A_266 : f32 to vector<16xf32>
      %mul3A_286 = arith.mulf %sub3A_145, %mul3A_285 : vector<16xf32>
      %add3A_287 = arith.addf %add3A_284, %mul3A_286 : vector<16xf32>
      %mul3A_288 = vector.broadcast %mul3A_270 : f32 to vector<16xf32>
      %mul3A_289 = arith.mulf %sub3A_170, %mul3A_288 : vector<16xf32>
      %add3A_290 = arith.addf %add3A_287, %mul3A_289 : vector<16xf32>
      %add3A_291 = vector.broadcast %squeeze3A : f32 to vector<16xf32>
      %add3A_292 = arith.addf %add3A_290, %add3A_291 : vector<16xf32>
      %min3A_293 = arith.minimumf %scan3A_224, %add3A_292 : vector<16xf32>
      %min3A_294 = arith.minimumf %add3A_279, %add3A_290 : vector<16xf32>
      %mul3A_295 = vector.broadcast %mul3A_262 : f32 to vector<16xf32>
      %mul3A_296 = arith.mulf %sub3A_125, %mul3A_295 : vector<16xf32>
      %add3A_297 = arith.addf %add3A_100, %mul3A_296 : vector<16xf32>
      %mul3A_298 = vector.broadcast %mul3A_266 : f32 to vector<16xf32>
      %mul3A_299 = arith.mulf %sub3A_150, %mul3A_298 : vector<16xf32>
      %add3A_300 = arith.addf %add3A_297, %mul3A_299 : vector<16xf32>
      %mul3A_301 = vector.broadcast %mul3A_270 : f32 to vector<16xf32>
      %mul3A_302 = arith.mulf %sub3A_175, %mul3A_301 : vector<16xf32>
      %add3A_303 = arith.addf %add3A_300, %mul3A_302 : vector<16xf32>
      %add3A_304 = vector.broadcast %squeeze3A : f32 to vector<16xf32>
      %add3A_305 = arith.addf %add3A_303, %add3A_304 : vector<16xf32>
      %min3A_306 = arith.minimumf %scan3A_225, %add3A_305 : vector<16xf32>
      %min3A_307 = arith.minimumf %min3A_294, %add3A_303 : vector<16xf32>
      %mul3A_308 = vector.broadcast %mul3A_262 : f32 to vector<16xf32>
      %mul3A_309 = arith.mulf %sub3A_130, %mul3A_308 : vector<16xf32>
      %add3A_310 = arith.addf %add3A_105, %mul3A_309 : vector<16xf32>
      %mul3A_311 = vector.broadcast %mul3A_266 : f32 to vector<16xf32>
      %mul3A_312 = arith.mulf %sub3A_155, %mul3A_311 : vector<16xf32>
      %add3A_313 = arith.addf %add3A_310, %mul3A_312 : vector<16xf32>
      %mul3A_314 = vector.broadcast %mul3A_270 : f32 to vector<16xf32>
      %mul3A_315 = arith.mulf %sub3A_180, %mul3A_314 : vector<16xf32>
      %add3A_316 = arith.addf %add3A_313, %mul3A_315 : vector<16xf32>
      %add3A_317 = vector.broadcast %squeeze3A : f32 to vector<16xf32>
      %add3A_318 = arith.addf %add3A_316, %add3A_317 : vector<16xf32>
      %min3A_319 = arith.minimumf %scan3A_226, %add3A_318 : vector<16xf32>
      %min3A_320 = arith.minimumf %min3A_307, %add3A_316 : vector<16xf32>
      %mul3A_321 = vector.broadcast %mul3A_262 : f32 to vector<16xf32>
      %mul3A_322 = arith.mulf %sub3A_135, %mul3A_321 : vector<16xf32>
      %add3A_323 = arith.addf %add3A_110, %mul3A_322 : vector<16xf32>
      %mul3A_324 = vector.broadcast %mul3A_266 : f32 to vector<16xf32>
      %mul3A_325 = arith.mulf %sub3A_160, %mul3A_324 : vector<16xf32>
      %add3A_326 = arith.addf %add3A_323, %mul3A_325 : vector<16xf32>
      %mul3A_327 = vector.broadcast %mul3A_270 : f32 to vector<16xf32>
      %mul3A_328 = arith.mulf %sub3A_185, %mul3A_327 : vector<16xf32>
      %add3A_329 = arith.addf %add3A_326, %mul3A_328 : vector<16xf32>
      %add3A_330 = vector.broadcast %squeeze3A : f32 to vector<16xf32>
      %add3A_331 = arith.addf %add3A_329, %add3A_330 : vector<16xf32>
      %min3A_332 = arith.minimumf %scan3A_227, %add3A_331 : vector<16xf32>
      %min3A_333 = arith.minimumf %min3A_320, %add3A_329 : vector<16xf32>
      %add3A_334 = vector.broadcast %squeeze3A : f32 to vector<16xf32>
      %add3A_335 = arith.addf %min3A_333, %add3A_334 : vector<16xf32>
      %add3A_336 = arith.constant 0 : i32
      %add3A_337 = arith.addi %mul3A_229, %add3A_336 : i32
      %mul3A_338 = arith.constant 16 : i32
      %mul3A_339 = arith.muli %add3A_337, %mul3A_338 : i32
      %swap3A_340 = arith.constant 0 : i32
      %swap3A_341 = arith.index_cast %swap3A_340 : i32 to index
      %swap3A_342 = arith.index_cast %mul3A_339 : i32 to index
      %swap3A_343 = tpu.vector_load %arg16[%swap3A_341, %swap3A_342] {strides = array<i32>} : memref<1x65536xf32, #tpu.memory_space<vmem>>, vector<1x16xf32>,
      %swap3A_344 = vector.shape_cast %swap3A_343 : vector<1x16xf32> to vector<16xf32>
      %swap3A_345 = vector.shape_cast %add3A_335 : vector<16xf32> to vector<1x16xf32>
      tpu.vector_store %arg16[%swap3A_341, %swap3A_342], %swap3A_345 {strides = array<i32>} : memref<1x65536xf32, #tpu.memory_space<vmem>>, vector<1x16xf32>,
      %slice3A_346 = vector.extract_strided_slice %add3A_243 {offsets = [1], sizes = [1], strides = [1]} : vector<16xf32> to vector<1xf32>
      %squeeze3A_347 = vector.extract %slice3A_346[0] : f32 from vector<1xf32>
      %slice3A_348 = vector.extract_strided_slice %sub3A_248 {offsets = [1], sizes = [1], strides = [1]} : vector<16xf32> to vector<1xf32>
      %squeeze3A_349 = vector.extract %slice3A_348[0] : f32 from vector<1xf32>
      %mul3A_350 = arith.constant -2.000000e+00 : f32
      %mul3A_351 = arith.mulf %mul3A_350, %squeeze3A_349 : f32
      %slice3A_352 = vector.extract_strided_slice %sub3A_253 {offsets = [1], sizes = [1], strides = [1]} : vector<16xf32> to vector<1xf32>
      %squeeze3A_353 = vector.extract %slice3A_352[0] : f32 from vector<1xf32>
      %mul3A_354 = arith.constant -2.000000e+00 : f32
      %mul3A_355 = arith.mulf %mul3A_354, %squeeze3A_353 : f32
      %slice3A_356 = vector.extract_strided_slice %sub3A_258 {offsets = [1], sizes = [1], strides = [1]} : vector<16xf32> to vector<1xf32>
      %squeeze3A_357 = vector.extract %slice3A_356[0] : f32 from vector<1xf32>
      %mul3A_358 = arith.constant -2.000000e+00 : f32
      %mul3A_359 = arith.mulf %mul3A_358, %squeeze3A_357 : f32
      %mul3A_360 = vector.broadcast %mul3A_351 : f32 to vector<16xf32>
      %mul3A_361 = arith.mulf %sub3A_115, %mul3A_360 : vector<16xf32>
      %add3A_362 = arith.addf %add3A_90, %mul3A_361 : vector<16xf32>
      %mul3A_363 = vector.broadcast %mul3A_355 : f32 to vector<16xf32>
      %mul3A_364 = arith.mulf %sub3A_140, %mul3A_363 : vector<16xf32>
      %add3A_365 = arith.addf %add3A_362, %mul3A_364 : vector<16xf32>
      %mul3A_366 = vector.broadcast %mul3A_359 : f32 to vector<16xf32>
      %mul3A_367 = arith.mulf %sub3A_165, %mul3A_366 : vector<16xf32>
      %add3A_368 = arith.addf %add3A_365, %mul3A_367 : vector<16xf32>
      %add3A_369 = vector.broadcast %squeeze3A_347 : f32 to vector<16xf32>
      %add3A_370 = arith.addf %add3A_368, %add3A_369 : vector<16xf32>
      %min3A_371 = arith.minimumf %min3A, %add3A_370 : vector<16xf32>
      %mul3A_372 = vector.broadcast %mul3A_351 : f32 to vector<16xf32>
      %mul3A_373 = arith.mulf %sub3A_120, %mul3A_372 : vector<16xf32>
      %add3A_374 = arith.addf %add3A_95, %mul3A_373 : vector<16xf32>
      %mul3A_375 = vector.broadcast %mul3A_355 : f32 to vector<16xf32>
      %mul3A_376 = arith.mulf %sub3A_145, %mul3A_375 : vector<16xf32>
      %add3A_377 = arith.addf %add3A_374, %mul3A_376 : vector<16xf32>
      %mul3A_378 = vector.broadcast %mul3A_359 : f32 to vector<16xf32>
      %mul3A_379 = arith.mulf %sub3A_170, %mul3A_378 : vector<16xf32>
      %add3A_380 = arith.addf %add3A_377, %mul3A_379 : vector<16xf32>
      %add3A_381 = vector.broadcast %squeeze3A_347 : f32 to vector<16xf32>
      %add3A_382 = arith.addf %add3A_380, %add3A_381 : vector<16xf32>
      %min3A_383 = arith.minimumf %min3A_293, %add3A_382 : vector<16xf32>
      %min3A_384 = arith.minimumf %add3A_368, %add3A_380 : vector<16xf32>
      %mul3A_385 = vector.broadcast %mul3A_351 : f32 to vector<16xf32>
      %mul3A_386 = arith.mulf %sub3A_125, %mul3A_385 : vector<16xf32>
      %add3A_387 = arith.addf %add3A_100, %mul3A_386 : vector<16xf32>
      %mul3A_388 = vector.broadcast %mul3A_355 : f32 to vector<16xf32>
      %mul3A_389 = arith.mulf %sub3A_150, %mul3A_388 : vector<16xf32>
      %add3A_390 = arith.addf %add3A_387, %mul3A_389 : vector<16xf32>
      %mul3A_391 = vector.broadcast %mul3A_359 : f32 to vector<16xf32>
      %mul3A_392 = arith.mulf %sub3A_175, %mul3A_391 : vector<16xf32>
      %add3A_393 = arith.addf %add3A_390, %mul3A_392 : vector<16xf32>
      %add3A_394 = vector.broadcast %squeeze3A_347 : f32 to vector<16xf32>
      %add3A_395 = arith.addf %add3A_393, %add3A_394 : vector<16xf32>
      %min3A_396 = arith.minimumf %min3A_306, %add3A_395 : vector<16xf32>
      %min3A_397 = arith.minimumf %min3A_384, %add3A_393 : vector<16xf32>
      %mul3A_398 = vector.broadcast %mul3A_351 : f32 to vector<16xf32>
      %mul3A_399 = arith.mulf %sub3A_130, %mul3A_398 : vector<16xf32>
      %add3A_400 = arith.addf %add3A_105, %mul3A_399 : vector<16xf32>
      %mul3A_401 = vector.broadcast %mul3A_355 : f32 to vector<16xf32>
      %mul3A_402 = arith.mulf %sub3A_155, %mul3A_401 : vector<16xf32>
      %add3A_403 = arith.addf %add3A_400, %mul3A_402 : vector<16xf32>
      %mul3A_404 = vector.broadcast %mul3A_359 : f32 to vector<16xf32>
      %mul3A_405 = arith.mulf %sub3A_180, %mul3A_404 : vector<16xf32>
      %add3A_406 = arith.addf %add3A_403, %mul3A_405 : vector<16xf32>
      %add3A_407 = vector.broadcast %squeeze3A_347 : f32 to vector<16xf32>
      %add3A_408 = arith.addf %add3A_406, %add3A_407 : vector<16xf32>
      %min3A_409 = arith.minimumf %min3A_319, %add3A_408 : vector<16xf32>
      %min3A_410 = arith.minimumf %min3A_397, %add3A_406 : vector<16xf32>
      %mul3A_411 = vector.broadcast %mul3A_351 : f32 to vector<16xf32>
      %mul3A_412 = arith.mulf %sub3A_135, %mul3A_411 : vector<16xf32>
      %add3A_413 = arith.addf %add3A_110, %mul3A_412 : vector<16xf32>
      %mul3A_414 = vector.broadcast %mul3A_355 : f32 to vector<16xf32>
      %mul3A_415 = arith.mulf %sub3A_160, %mul3A_414 : vector<16xf32>
      %add3A_416 = arith.addf %add3A_413, %mul3A_415 : vector<16xf32>
      %mul3A_417 = vector.broadcast %mul3A_359 : f32 to vector<16xf32>
      %mul3A_418 = arith.mulf %sub3A_185, %mul3A_417 : vector<16xf32>
      %add3A_419 = arith.addf %add3A_416, %mul3A_418 : vector<16xf32>
      %add3A_420 = vector.broadcast %squeeze3A_347 : f32 to vector<16xf32>
      %add3A_421 = arith.addf %add3A_419, %add3A_420 : vector<16xf32>
      %min3A_422 = arith.minimumf %min3A_332, %add3A_421 : vector<16xf32>
      %min3A_423 = arith.minimumf %min3A_410, %add3A_419 : vector<16xf32>
      %add3A_424 = vector.broadcast %squeeze3A_347 : f32 to vector<16xf32>
      %add3A_425 = arith.addf %min3A_423, %add3A_424 : vector<16xf32>
      %add3A_426 = arith.constant 1 : i32
      %add3A_427 = arith.addi %mul3A_229, %add3A_426 : i32
      %mul3A_428 = arith.constant 16 : i32
      %mul3A_429 = arith.muli %add3A_427, %mul3A_428 : i32
      %swap3A_430 = arith.constant 0 : i32
      %swap3A_431 = arith.index_cast %swap3A_430 : i32 to index
      %swap3A_432 = arith.index_cast %mul3A_429 : i32 to index
      %swap3A_433 = tpu.vector_load %arg16[%swap3A_431, %swap3A_432] {strides = array<i32>} : memref<1x65536xf32, #tpu.memory_space<vmem>>, vector<1x16xf32>,
      %swap3A_434 = vector.shape_cast %swap3A_433 : vector<1x16xf32> to vector<16xf32>
      %swap3A_435 = vector.shape_cast %add3A_425 : vector<16xf32> to vector<1x16xf32>
      tpu.vector_store %arg16[%swap3A_431, %swap3A_432], %swap3A_435 {strides = array<i32>} : memref<1x65536xf32, #tpu.memory_space<vmem>>, vector<1x16xf32>,
      %slice3A_436 = vector.extract_strided_slice %add3A_243 {offsets = [2], sizes = [1], strides = [1]} : vector<16xf32> to vector<1xf32>
      %squeeze3A_437 = vector.extract %slice3A_436[0] : f32 from vector<1xf32>
      %slice3A_438 = vector.extract_strided_slice %sub3A_248 {offsets = [2], sizes = [1], strides = [1]} : vector<16xf32> to vector<1xf32>
      %squeeze3A_439 = vector.extract %slice3A_438[0] : f32 from vector<1xf32>
      %mul3A_440 = arith.constant -2.000000e+00 : f32
      %mul3A_441 = arith.mulf %mul3A_440, %squeeze3A_439 : f32
      %slice3A_442 = vector.extract_strided_slice %sub3A_253 {offsets = [2], sizes = [1], strides = [1]} : vector<16xf32> to vector<1xf32>
      %squeeze3A_443 = vector.extract %slice3A_442[0] : f32 from vector<1xf32>
      %mul3A_444 = arith.constant -2.000000e+00 : f32
      %mul3A_445 = arith.mulf %mul3A_444, %squeeze3A_443 : f32
      %slice3A_446 = vector.extract_strided_slice %sub3A_258 {offsets = [2], sizes = [1], strides = [1]} : vector<16xf32> to vector<1xf32>
      %squeeze3A_447 = vector.extract %slice3A_446[0] : f32 from vector<1xf32>
      %mul3A_448 = arith.constant -2.000000e+00 : f32
      %mul3A_449 = arith.mulf %mul3A_448, %squeeze3A_447 : f32
      %mul3A_450 = vector.broadcast %mul3A_441 : f32 to vector<16xf32>
      %mul3A_451 = arith.mulf %sub3A_115, %mul3A_450 : vector<16xf32>
      %add3A_452 = arith.addf %add3A_90, %mul3A_451 : vector<16xf32>
      %mul3A_453 = vector.broadcast %mul3A_445 : f32 to vector<16xf32>
      %mul3A_454 = arith.mulf %sub3A_140, %mul3A_453 : vector<16xf32>
      %add3A_455 = arith.addf %add3A_452, %mul3A_454 : vector<16xf32>
      %mul3A_456 = vector.broadcast %mul3A_449 : f32 to vector<16xf32>
      %mul3A_457 = arith.mulf %sub3A_165, %mul3A_456 : vector<16xf32>
      %add3A_458 = arith.addf %add3A_455, %mul3A_457 : vector<16xf32>
      %add3A_459 = vector.broadcast %squeeze3A_437 : f32 to vector<16xf32>
      %add3A_460 = arith.addf %add3A_458, %add3A_459 : vector<16xf32>
      %min3A_461 = arith.minimumf %min3A_371, %add3A_460 : vector<16xf32>
      %mul3A_462 = vector.broadcast %mul3A_441 : f32 to vector<16xf32>
      %mul3A_463 = arith.mulf %sub3A_120, %mul3A_462 : vector<16xf32>
      %add3A_464 = arith.addf %add3A_95, %mul3A_463 : vector<16xf32>
      %mul3A_465 = vector.broadcast %mul3A_445 : f32 to vector<16xf32>
      %mul3A_466 = arith.mulf %sub3A_145, %mul3A_465 : vector<16xf32>
      %add3A_467 = arith.addf %add3A_464, %mul3A_466 : vector<16xf32>
      %mul3A_468 = vector.broadcast %mul3A_449 : f32 to vector<16xf32>
      %mul3A_469 = arith.mulf %sub3A_170, %mul3A_468 : vector<16xf32>
      %add3A_470 = arith.addf %add3A_467, %mul3A_469 : vector<16xf32>
      %add3A_471 = vector.broadcast %squeeze3A_437 : f32 to vector<16xf32>
      %add3A_472 = arith.addf %add3A_470, %add3A_471 : vector<16xf32>
      %min3A_473 = arith.minimumf %min3A_383, %add3A_472 : vector<16xf32>
      %min3A_474 = arith.minimumf %add3A_458, %add3A_470 : vector<16xf32>
      %mul3A_475 = vector.broadcast %mul3A_441 : f32 to vector<16xf32>
      %mul3A_476 = arith.mulf %sub3A_125, %mul3A_475 : vector<16xf32>
      %add3A_477 = arith.addf %add3A_100, %mul3A_476 : vector<16xf32>
      %mul3A_478 = vector.broadcast %mul3A_445 : f32 to vector<16xf32>
      %mul3A_479 = arith.mulf %sub3A_150, %mul3A_478 : vector<16xf32>
      %add3A_480 = arith.addf %add3A_477, %mul3A_479 : vector<16xf32>
      %mul3A_481 = vector.broadcast %mul3A_449 : f32 to vector<16xf32>
      %mul3A_482 = arith.mulf %sub3A_175, %mul3A_481 : vector<16xf32>
      %add3A_483 = arith.addf %add3A_480, %mul3A_482 : vector<16xf32>
      %add3A_484 = vector.broadcast %squeeze3A_437 : f32 to vector<16xf32>
      %add3A_485 = arith.addf %add3A_483, %add3A_484 : vector<16xf32>
      %min3A_486 = arith.minimumf %min3A_396, %add3A_485 : vector<16xf32>
      %min3A_487 = arith.minimumf %min3A_474, %add3A_483 : vector<16xf32>
      %mul3A_488 = vector.broadcast %mul3A_441 : f32 to vector<16xf32>
      %mul3A_489 = arith.mulf %sub3A_130, %mul3A_488 : vector<16xf32>
      %add3A_490 = arith.addf %add3A_105, %mul3A_489 : vector<16xf32>
      %mul3A_491 = vector.broadcast %mul3A_445 : f32 to vector<16xf32>
      %mul3A_492 = arith.mulf %sub3A_155, %mul3A_491 : vector<16xf32>
      %add3A_493 = arith.addf %add3A_490, %mul3A_492 : vector<16xf32>
      %mul3A_494 = vector.broadcast %mul3A_449 : f32 to vector<16xf32>
      %mul3A_495 = arith.mulf %sub3A_180, %mul3A_494 : vector<16xf32>
      %add3A_496 = arith.addf %add3A_493, %mul3A_495 : vector<16xf32>
      %add3A_497 = vector.broadcast %squeeze3A_437 : f32 to vector<16xf32>
      %add3A_498 = arith.addf %add3A_496, %add3A_497 : vector<16xf32>
      %min3A_499 = arith.minimumf %min3A_409, %add3A_498 : vector<16xf32>
      %min3A_500 = arith.minimumf %min3A_487, %add3A_496 : vector<16xf32>
      %mul3A_501 = vector.broadcast %mul3A_441 : f32 to vector<16xf32>
      %mul3A_502 = arith.mulf %sub3A_135, %mul3A_501 : vector<16xf32>
      %add3A_503 = arith.addf %add3A_110, %mul3A_502 : vector<16xf32>
      %mul3A_504 = vector.broadcast %mul3A_445 : f32 to vector<16xf32>
      %mul3A_505 = arith.mulf %sub3A_160, %mul3A_504 : vector<16xf32>
      %add3A_506 = arith.addf %add3A_503, %mul3A_505 : vector<16xf32>
      %mul3A_507 = vector.broadcast %mul3A_449 : f32 to vector<16xf32>
      %mul3A_508 = arith.mulf %sub3A_185, %mul3A_507 : vector<16xf32>
      %add3A_509 = arith.addf %add3A_506, %mul3A_508 : vector<16xf32>
      %add3A_510 = vector.broadcast %squeeze3A_437 : f32 to vector<16xf32>
      %add3A_511 = arith.addf %add3A_509, %add3A_510 : vector<16xf32>
      %min3A_512 = arith.minimumf %min3A_422, %add3A_511 : vector<16xf32>
      %min3A_513 = arith.minimumf %min3A_500, %add3A_509 : vector<16xf32>
      %add3A_514 = vector.broadcast %squeeze3A_437 : f32 to vector<16xf32>
      %add3A_515 = arith.addf %min3A_513, %add3A_514 : vector<16xf32>
      %add3A_516 = arith.constant 2 : i32
      %add3A_517 = arith.addi %mul3A_229, %add3A_516 : i32
      %mul3A_518 = arith.constant 16 : i32
      %mul3A_519 = arith.muli %add3A_517, %mul3A_518 : i32
      %swap3A_520 = arith.constant 0 : i32
      %swap3A_521 = arith.index_cast %swap3A_520 : i32 to index
      %swap3A_522 = arith.index_cast %mul3A_519 : i32 to index
      %swap3A_523 = tpu.vector_load %arg16[%swap3A_521, %swap3A_522] {strides = array<i32>} : memref<1x65536xf32, #tpu.memory_space<vmem>>, vector<1x16xf32>,
      %swap3A_524 = vector.shape_cast %swap3A_523 : vector<1x16xf32> to vector<16xf32>
      %swap3A_525 = vector.shape_cast %add3A_515 : vector<16xf32> to vector<1x16xf32>
      tpu.vector_store %arg16[%swap3A_521, %swap3A_522], %swap3A_525 {strides = array<i32>} : memref<1x65536xf32, #tpu.memory_space<vmem>>, vector<1x16xf32>,
      %slice3A_526 = vector.extract_strided_slice %add3A_243 {offsets = [3], sizes = [1], strides = [1]} : vector<16xf32> to vector<1xf32>
      %squeeze3A_527 = vector.extract %slice3A_526[0] : f32 from vector<1xf32>
      %slice3A_528 = vector.extract_strided_slice %sub3A_248 {offsets = [3], sizes = [1], strides = [1]} : vector<16xf32> to vector<1xf32>
      %squeeze3A_529 = vector.extract %slice3A_528[0] : f32 from vector<1xf32>
      %mul3A_530 = arith.constant -2.000000e+00 : f32
      %mul3A_531 = arith.mulf %mul3A_530, %squeeze3A_529 : f32
      %slice3A_532 = vector.extract_strided_slice %sub3A_253 {offsets = [3], sizes = [1], strides = [1]} : vector<16xf32> to vector<1xf32>
      %squeeze3A_533 = vector.extract %slice3A_532[0] : f32 from vector<1xf32>
      %mul3A_534 = arith.constant -2.000000e+00 : f32
      %mul3A_535 = arith.mulf %mul3A_534, %squeeze3A_533 : f32
      %slice3A_536 = vector.extract_strided_slice %sub3A_258 {offsets = [3], sizes = [1], strides = [1]} : vector<16xf32> to vector<1xf32>
      %squeeze3A_537 = vector.extract %slice3A_536[0] : f32 from vector<1xf32>
      %mul3A_538 = arith.constant -2.000000e+00 : f32
      %mul3A_539 = arith.mulf %mul3A_538, %squeeze3A_537 : f32
      %mul3A_540 = vector.broadcast %mul3A_531 : f32 to vector<16xf32>
      %mul3A_541 = arith.mulf %sub3A_115, %mul3A_540 : vector<16xf32>
      %add3A_542 = arith.addf %add3A_90, %mul3A_541 : vector<16xf32>
      %mul3A_543 = vector.broadcast %mul3A_535 : f32 to vector<16xf32>
      %mul3A_544 = arith.mulf %sub3A_140, %mul3A_543 : vector<16xf32>
      %add3A_545 = arith.addf %add3A_542, %mul3A_544 : vector<16xf32>
      %mul3A_546 = vector.broadcast %mul3A_539 : f32 to vector<16xf32>
      %mul3A_547 = arith.mulf %sub3A_165, %mul3A_546 : vector<16xf32>
      %add3A_548 = arith.addf %add3A_545, %mul3A_547 : vector<16xf32>
      %add3A_549 = vector.broadcast %squeeze3A_527 : f32 to vector<16xf32>
      %add3A_550 = arith.addf %add3A_548, %add3A_549 : vector<16xf32>
      %min3A_551 = arith.minimumf %min3A_461, %add3A_550 : vector<16xf32>
      %mul3A_552 = vector.broadcast %mul3A_531 : f32 to vector<16xf32>
      %mul3A_553 = arith.mulf %sub3A_120, %mul3A_552 : vector<16xf32>
      %add3A_554 = arith.addf %add3A_95, %mul3A_553 : vector<16xf32>
      %mul3A_555 = vector.broadcast %mul3A_535 : f32 to vector<16xf32>
      %mul3A_556 = arith.mulf %sub3A_145, %mul3A_555 : vector<16xf32>
      %add3A_557 = arith.addf %add3A_554, %mul3A_556 : vector<16xf32>
      %mul3A_558 = vector.broadcast %mul3A_539 : f32 to vector<16xf32>
      %mul3A_559 = arith.mulf %sub3A_170, %mul3A_558 : vector<16xf32>
      %add3A_560 = arith.addf %add3A_557, %mul3A_559 : vector<16xf32>
      %add3A_561 = vector.broadcast %squeeze3A_527 : f32 to vector<16xf32>
      %add3A_562 = arith.addf %add3A_560, %add3A_561 : vector<16xf32>
      %min3A_563 = arith.minimumf %min3A_473, %add3A_562 : vector<16xf32>
      %min3A_564 = arith.minimumf %add3A_548, %add3A_560 : vector<16xf32>
      %mul3A_565 = vector.broadcast %mul3A_531 : f32 to vector<16xf32>
      %mul3A_566 = arith.mulf %sub3A_125, %mul3A_565 : vector<16xf32>
      %add3A_567 = arith.addf %add3A_100, %mul3A_566 : vector<16xf32>
      %mul3A_568 = vector.broadcast %mul3A_535 : f32 to vector<16xf32>
      %mul3A_569 = arith.mulf %sub3A_150, %mul3A_568 : vector<16xf32>
      %add3A_570 = arith.addf %add3A_567, %mul3A_569 : vector<16xf32>
      %mul3A_571 = vector.broadcast %mul3A_539 : f32 to vector<16xf32>
      %mul3A_572 = arith.mulf %sub3A_175, %mul3A_571 : vector<16xf32>
      %add3A_573 = arith.addf %add3A_570, %mul3A_572 : vector<16xf32>
      %add3A_574 = vector.broadcast %squeeze3A_527 : f32 to vector<16xf32>
      %add3A_575 = arith.addf %add3A_573, %add3A_574 : vector<16xf32>
      %min3A_576 = arith.minimumf %min3A_486, %add3A_575 : vector<16xf32>
      %min3A_577 = arith.minimumf %min3A_564, %add3A_573 : vector<16xf32>
      %mul3A_578 = vector.broadcast %mul3A_531 : f32 to vector<16xf32>
      %mul3A_579 = arith.mulf %sub3A_130, %mul3A_578 : vector<16xf32>
      %add3A_580 = arith.addf %add3A_105, %mul3A_579 : vector<16xf32>
      %mul3A_581 = vector.broadcast %mul3A_535 : f32 to vector<16xf32>
      %mul3A_582 = arith.mulf %sub3A_155, %mul3A_581 : vector<16xf32>
      %add3A_583 = arith.addf %add3A_580, %mul3A_582 : vector<16xf32>
      %mul3A_584 = vector.broadcast %mul3A_539 : f32 to vector<16xf32>
      %mul3A_585 = arith.mulf %sub3A_180, %mul3A_584 : vector<16xf32>
      %add3A_586 = arith.addf %add3A_583, %mul3A_585 : vector<16xf32>
      %add3A_587 = vector.broadcast %squeeze3A_527 : f32 to vector<16xf32>
      %add3A_588 = arith.addf %add3A_586, %add3A_587 : vector<16xf32>
      %min3A_589 = arith.minimumf %min3A_499, %add3A_588 : vector<16xf32>
      %min3A_590 = arith.minimumf %min3A_577, %add3A_586 : vector<16xf32>
      %mul3A_591 = vector.broadcast %mul3A_531 : f32 to vector<16xf32>
      %mul3A_592 = arith.mulf %sub3A_135, %mul3A_591 : vector<16xf32>
      %add3A_593 = arith.addf %add3A_110, %mul3A_592 : vector<16xf32>
      %mul3A_594 = vector.broadcast %mul3A_535 : f32 to vector<16xf32>
      %mul3A_595 = arith.mulf %sub3A_160, %mul3A_594 : vector<16xf32>
      %add3A_596 = arith.addf %add3A_593, %mul3A_595 : vector<16xf32>
      %mul3A_597 = vector.broadcast %mul3A_539 : f32 to vector<16xf32>
      %mul3A_598 = arith.mulf %sub3A_185, %mul3A_597 : vector<16xf32>
      %add3A_599 = arith.addf %add3A_596, %mul3A_598 : vector<16xf32>
      %add3A_600 = vector.broadcast %squeeze3A_527 : f32 to vector<16xf32>
      %add3A_601 = arith.addf %add3A_599, %add3A_600 : vector<16xf32>
      %min3A_602 = arith.minimumf %min3A_512, %add3A_601 : vector<16xf32>
      %min3A_603 = arith.minimumf %min3A_590, %add3A_599 : vector<16xf32>
      %add3A_604 = vector.broadcast %squeeze3A_527 : f32 to vector<16xf32>
      %add3A_605 = arith.addf %min3A_603, %add3A_604 : vector<16xf32>
      %add3A_606 = arith.constant 3 : i32
      %add3A_607 = arith.addi %mul3A_229, %add3A_606 : i32
      %mul3A_608 = arith.constant 16 : i32
      %mul3A_609 = arith.muli %add3A_607, %mul3A_608 : i32
      %swap3A_610 = arith.constant 0 : i32
      %swap3A_611 = arith.index_cast %swap3A_610 : i32 to index
      %swap3A_612 = arith.index_cast %mul3A_609 : i32 to index
      %swap3A_613 = tpu.vector_load %arg16[%swap3A_611, %swap3A_612] {strides = array<i32>} : memref<1x65536xf32, #tpu.memory_space<vmem>>, vector<1x16xf32>,
      %swap3A_614 = vector.shape_cast %swap3A_613 : vector<1x16xf32> to vector<16xf32>
      %swap3A_615 = vector.shape_cast %add3A_605 : vector<16xf32> to vector<1x16xf32>
      tpu.vector_store %arg16[%swap3A_611, %swap3A_612], %swap3A_615 {strides = array<i32>} : memref<1x65536xf32, #tpu.memory_space<vmem>>, vector<1x16xf32>,
      %slice3A_616 = vector.extract_strided_slice %add3A_243 {offsets = [4], sizes = [1], strides = [1]} : vector<16xf32> to vector<1xf32>
      %squeeze3A_617 = vector.extract %slice3A_616[0] : f32 from vector<1xf32>
      %slice3A_618 = vector.extract_strided_slice %sub3A_248 {offsets = [4], sizes = [1], strides = [1]} : vector<16xf32> to vector<1xf32>
      %squeeze3A_619 = vector.extract %slice3A_618[0] : f32 from vector<1xf32>
      %mul3A_620 = arith.constant -2.000000e+00 : f32
      %mul3A_621 = arith.mulf %mul3A_620, %squeeze3A_619 : f32
      %slice3A_622 = vector.extract_strided_slice %sub3A_253 {offsets = [4], sizes = [1], strides = [1]} : vector<16xf32> to vector<1xf32>
      %squeeze3A_623 = vector.extract %slice3A_622[0] : f32 from vector<1xf32>
      %mul3A_624 = arith.constant -2.000000e+00 : f32
      %mul3A_625 = arith.mulf %mul3A_624, %squeeze3A_623 : f32
      %slice3A_626 = vector.extract_strided_slice %sub3A_258 {offsets = [4], sizes = [1], strides = [1]} : vector<16xf32> to vector<1xf32>
      %squeeze3A_627 = vector.extract %slice3A_626[0] : f32 from vector<1xf32>
      %mul3A_628 = arith.constant -2.000000e+00 : f32
      %mul3A_629 = arith.mulf %mul3A_628, %squeeze3A_627 : f32
      %mul3A_630 = vector.broadcast %mul3A_621 : f32 to vector<16xf32>
      %mul3A_631 = arith.mulf %sub3A_115, %mul3A_630 : vector<16xf32>
      %add3A_632 = arith.addf %add3A_90, %mul3A_631 : vector<16xf32>
      %mul3A_633 = vector.broadcast %mul3A_625 : f32 to vector<16xf32>
      %mul3A_634 = arith.mulf %sub3A_140, %mul3A_633 : vector<16xf32>
      %add3A_635 = arith.addf %add3A_632, %mul3A_634 : vector<16xf32>
      %mul3A_636 = vector.broadcast %mul3A_629 : f32 to vector<16xf32>
      %mul3A_637 = arith.mulf %sub3A_165, %mul3A_636 : vector<16xf32>
      %add3A_638 = arith.addf %add3A_635, %mul3A_637 : vector<16xf32>
      %add3A_639 = vector.broadcast %squeeze3A_617 : f32 to vector<16xf32>
      %add3A_640 = arith.addf %add3A_638, %add3A_639 : vector<16xf32>
      %min3A_641 = arith.minimumf %min3A_551, %add3A_640 : vector<16xf32>
      %mul3A_642 = vector.broadcast %mul3A_621 : f32 to vector<16xf32>
      %mul3A_643 = arith.mulf %sub3A_120, %mul3A_642 : vector<16xf32>
      %add3A_644 = arith.addf %add3A_95, %mul3A_643 : vector<16xf32>
      %mul3A_645 = vector.broadcast %mul3A_625 : f32 to vector<16xf32>
      %mul3A_646 = arith.mulf %sub3A_145, %mul3A_645 : vector<16xf32>
      %add3A_647 = arith.addf %add3A_644, %mul3A_646 : vector<16xf32>
      %mul3A_648 = vector.broadcast %mul3A_629 : f32 to vector<16xf32>
      %mul3A_649 = arith.mulf %sub3A_170, %mul3A_648 : vector<16xf32>
      %add3A_650 = arith.addf %add3A_647, %mul3A_649 : vector<16xf32>
      %add3A_651 = vector.broadcast %squeeze3A_617 : f32 to vector<16xf32>
      %add3A_652 = arith.addf %add3A_650, %add3A_651 : vector<16xf32>
      %min3A_653 = arith.minimumf %min3A_563, %add3A_652 : vector<16xf32>
      %min3A_654 = arith.minimumf %add3A_638, %add3A_650 : vector<16xf32>
      %mul3A_655 = vector.broadcast %mul3A_621 : f32 to vector<16xf32>
      %mul3A_656 = arith.mulf %sub3A_125, %mul3A_655 : vector<16xf32>
      %add3A_657 = arith.addf %add3A_100, %mul3A_656 : vector<16xf32>
      %mul3A_658 = vector.broadcast %mul3A_625 : f32 to vector<16xf32>
      %mul3A_659 = arith.mulf %sub3A_150, %mul3A_658 : vector<16xf32>
      %add3A_660 = arith.addf %add3A_657, %mul3A_659 : vector<16xf32>
      %mul3A_661 = vector.broadcast %mul3A_629 : f32 to vector<16xf32>
      %mul3A_662 = arith.mulf %sub3A_175, %mul3A_661 : vector<16xf32>
      %add3A_663 = arith.addf %add3A_660, %mul3A_662 : vector<16xf32>
      %add3A_664 = vector.broadcast %squeeze3A_617 : f32 to vector<16xf32>
      %add3A_665 = arith.addf %add3A_663, %add3A_664 : vector<16xf32>
      %min3A_666 = arith.minimumf %min3A_576, %add3A_665 : vector<16xf32>
      %min3A_667 = arith.minimumf %min3A_654, %add3A_663 : vector<16xf32>
      %mul3A_668 = vector.broadcast %mul3A_621 : f32 to vector<16xf32>
      %mul3A_669 = arith.mulf %sub3A_130, %mul3A_668 : vector<16xf32>
      %add3A_670 = arith.addf %add3A_105, %mul3A_669 : vector<16xf32>
      %mul3A_671 = vector.broadcast %mul3A_625 : f32 to vector<16xf32>
      %mul3A_672 = arith.mulf %sub3A_155, %mul3A_671 : vector<16xf32>
      %add3A_673 = arith.addf %add3A_670, %mul3A_672 : vector<16xf32>
      %mul3A_674 = vector.broadcast %mul3A_629 : f32 to vector<16xf32>
      %mul3A_675 = arith.mulf %sub3A_180, %mul3A_674 : vector<16xf32>
      %add3A_676 = arith.addf %add3A_673, %mul3A_675 : vector<16xf32>
      %add3A_677 = vector.broadcast %squeeze3A_617 : f32 to vector<16xf32>
      %add3A_678 = arith.addf %add3A_676, %add3A_677 : vector<16xf32>
      %min3A_679 = arith.minimumf %min3A_589, %add3A_678 : vector<16xf32>
      %min3A_680 = arith.minimumf %min3A_667, %add3A_676 : vector<16xf32>
      %mul3A_681 = vector.broadcast %mul3A_621 : f32 to vector<16xf32>
      %mul3A_682 = arith.mulf %sub3A_135, %mul3A_681 : vector<16xf32>
      %add3A_683 = arith.addf %add3A_110, %mul3A_682 : vector<16xf32>
      %mul3A_684 = vector.broadcast %mul3A_625 : f32 to vector<16xf32>
      %mul3A_685 = arith.mulf %sub3A_160, %mul3A_684 : vector<16xf32>
      %add3A_686 = arith.addf %add3A_683, %mul3A_685 : vector<16xf32>
      %mul3A_687 = vector.broadcast %mul3A_629 : f32 to vector<16xf32>
      %mul3A_688 = arith.mulf %sub3A_185, %mul3A_687 : vector<16xf32>
      %add3A_689 = arith.addf %add3A_686, %mul3A_688 : vector<16xf32>
      %add3A_690 = vector.broadcast %squeeze3A_617 : f32 to vector<16xf32>
      %add3A_691 = arith.addf %add3A_689, %add3A_690 : vector<16xf32>
      %min3A_692 = arith.minimumf %min3A_602, %add3A_691 : vector<16xf32>
      %min3A_693 = arith.minimumf %min3A_680, %add3A_689 : vector<16xf32>
      %add3A_694 = vector.broadcast %squeeze3A_617 : f32 to vector<16xf32>
      %add3A_695 = arith.addf %min3A_693, %add3A_694 : vector<16xf32>
      %add3A_696 = arith.constant 4 : i32
      %add3A_697 = arith.addi %mul3A_229, %add3A_696 : i32
      %mul3A_698 = arith.constant 16 : i32
      %mul3A_699 = arith.muli %add3A_697, %mul3A_698 : i32
      %swap3A_700 = arith.constant 0 : i32
      %swap3A_701 = arith.index_cast %swap3A_700 : i32 to index
      %swap3A_702 = arith.index_cast %mul3A_699 : i32 to index
      %swap3A_703 = tpu.vector_load %arg16[%swap3A_701, %swap3A_702] {strides = array<i32>} : memref<1x65536xf32, #tpu.memory_space<vmem>>, vector<1x16xf32>,
      %swap3A_704 = vector.shape_cast %swap3A_703 : vector<1x16xf32> to vector<16xf32>
      %swap3A_705 = vector.shape_cast %add3A_695 : vector<16xf32> to vector<1x16xf32>
      tpu.vector_store %arg16[%swap3A_701, %swap3A_702], %swap3A_705 {strides = array<i32>} : memref<1x65536xf32, #tpu.memory_space<vmem>>, vector<1x16xf32>,
      %slice3A_706 = vector.extract_strided_slice %add3A_243 {offsets = [5], sizes = [1], strides = [1]} : vector<16xf32> to vector<1xf32>
      %squeeze3A_707 = vector.extract %slice3A_706[0] : f32 from vector<1xf32>
      %slice3A_708 = vector.extract_strided_slice %sub3A_248 {offsets = [5], sizes = [1], strides = [1]} : vector<16xf32> to vector<1xf32>
      %squeeze3A_709 = vector.extract %slice3A_708[0] : f32 from vector<1xf32>
      %mul3A_710 = arith.constant -2.000000e+00 : f32
      %mul3A_711 = arith.mulf %mul3A_710, %squeeze3A_709 : f32
      %slice3A_712 = vector.extract_strided_slice %sub3A_253 {offsets = [5], sizes = [1], strides = [1]} : vector<16xf32> to vector<1xf32>
      %squeeze3A_713 = vector.extract %slice3A_712[0] : f32 from vector<1xf32>
      %mul3A_714 = arith.constant -2.000000e+00 : f32
      %mul3A_715 = arith.mulf %mul3A_714, %squeeze3A_713 : f32
      %slice3A_716 = vector.extract_strided_slice %sub3A_258 {offsets = [5], sizes = [1], strides = [1]} : vector<16xf32> to vector<1xf32>
      %squeeze3A_717 = vector.extract %slice3A_716[0] : f32 from vector<1xf32>
      %mul3A_718 = arith.constant -2.000000e+00 : f32
      %mul3A_719 = arith.mulf %mul3A_718, %squeeze3A_717 : f32
      %mul3A_720 = vector.broadcast %mul3A_711 : f32 to vector<16xf32>
      %mul3A_721 = arith.mulf %sub3A_115, %mul3A_720 : vector<16xf32>
      %add3A_722 = arith.addf %add3A_90, %mul3A_721 : vector<16xf32>
      %mul3A_723 = vector.broadcast %mul3A_715 : f32 to vector<16xf32>
      %mul3A_724 = arith.mulf %sub3A_140, %mul3A_723 : vector<16xf32>
      %add3A_725 = arith.addf %add3A_722, %mul3A_724 : vector<16xf32>
      %mul3A_726 = vector.broadcast %mul3A_719 : f32 to vector<16xf32>
      %mul3A_727 = arith.mulf %sub3A_165, %mul3A_726 : vector<16xf32>
      %add3A_728 = arith.addf %add3A_725, %mul3A_727 : vector<16xf32>
      %add3A_729 = vector.broadcast %squeeze3A_707 : f32 to vector<16xf32>
      %add3A_730 = arith.addf %add3A_728, %add3A_729 : vector<16xf32>
      %min3A_731 = arith.minimumf %min3A_641, %add3A_730 : vector<16xf32>
      %mul3A_732 = vector.broadcast %mul3A_711 : f32 to vector<16xf32>
      %mul3A_733 = arith.mulf %sub3A_120, %mul3A_732 : vector<16xf32>
      %add3A_734 = arith.addf %add3A_95, %mul3A_733 : vector<16xf32>
      %mul3A_735 = vector.broadcast %mul3A_715 : f32 to vector<16xf32>
      %mul3A_736 = arith.mulf %sub3A_145, %mul3A_735 : vector<16xf32>
      %add3A_737 = arith.addf %add3A_734, %mul3A_736 : vector<16xf32>
      %mul3A_738 = vector.broadcast %mul3A_719 : f32 to vector<16xf32>
      %mul3A_739 = arith.mulf %sub3A_170, %mul3A_738 : vector<16xf32>
      %add3A_740 = arith.addf %add3A_737, %mul3A_739 : vector<16xf32>
      %add3A_741 = vector.broadcast %squeeze3A_707 : f32 to vector<16xf32>
      %add3A_742 = arith.addf %add3A_740, %add3A_741 : vector<16xf32>
      %min3A_743 = arith.minimumf %min3A_653, %add3A_742 : vector<16xf32>
      %min3A_744 = arith.minimumf %add3A_728, %add3A_740 : vector<16xf32>
      %mul3A_745 = vector.broadcast %mul3A_711 : f32 to vector<16xf32>
      %mul3A_746 = arith.mulf %sub3A_125, %mul3A_745 : vector<16xf32>
      %add3A_747 = arith.addf %add3A_100, %mul3A_746 : vector<16xf32>
      %mul3A_748 = vector.broadcast %mul3A_715 : f32 to vector<16xf32>
      %mul3A_749 = arith.mulf %sub3A_150, %mul3A_748 : vector<16xf32>
      %add3A_750 = arith.addf %add3A_747, %mul3A_749 : vector<16xf32>
      %mul3A_751 = vector.broadcast %mul3A_719 : f32 to vector<16xf32>
      %mul3A_752 = arith.mulf %sub3A_175, %mul3A_751 : vector<16xf32>
      %add3A_753 = arith.addf %add3A_750, %mul3A_752 : vector<16xf32>
      %add3A_754 = vector.broadcast %squeeze3A_707 : f32 to vector<16xf32>
      %add3A_755 = arith.addf %add3A_753, %add3A_754 : vector<16xf32>
      %min3A_756 = arith.minimumf %min3A_666, %add3A_755 : vector<16xf32>
      %min3A_757 = arith.minimumf %min3A_744, %add3A_753 : vector<16xf32>
      %mul3A_758 = vector.broadcast %mul3A_711 : f32 to vector<16xf32>
      %mul3A_759 = arith.mulf %sub3A_130, %mul3A_758 : vector<16xf32>
      %add3A_760 = arith.addf %add3A_105, %mul3A_759 : vector<16xf32>
      %mul3A_761 = vector.broadcast %mul3A_715 : f32 to vector<16xf32>
      %mul3A_762 = arith.mulf %sub3A_155, %mul3A_761 : vector<16xf32>
      %add3A_763 = arith.addf %add3A_760, %mul3A_762 : vector<16xf32>
      %mul3A_764 = vector.broadcast %mul3A_719 : f32 to vector<16xf32>
      %mul3A_765 = arith.mulf %sub3A_180, %mul3A_764 : vector<16xf32>
      %add3A_766 = arith.addf %add3A_763, %mul3A_765 : vector<16xf32>
      %add3A_767 = vector.broadcast %squeeze3A_707 : f32 to vector<16xf32>
      %add3A_768 = arith.addf %add3A_766, %add3A_767 : vector<16xf32>
      %min3A_769 = arith.minimumf %min3A_679, %add3A_768 : vector<16xf32>
      %min3A_770 = arith.minimumf %min3A_757, %add3A_766 : vector<16xf32>
      %mul3A_771 = vector.broadcast %mul3A_711 : f32 to vector<16xf32>
      %mul3A_772 = arith.mulf %sub3A_135, %mul3A_771 : vector<16xf32>
      %add3A_773 = arith.addf %add3A_110, %mul3A_772 : vector<16xf32>
      %mul3A_774 = vector.broadcast %mul3A_715 : f32 to vector<16xf32>
      %mul3A_775 = arith.mulf %sub3A_160, %mul3A_774 : vector<16xf32>
      %add3A_776 = arith.addf %add3A_773, %mul3A_775 : vector<16xf32>
      %mul3A_777 = vector.broadcast %mul3A_719 : f32 to vector<16xf32>
      %mul3A_778 = arith.mulf %sub3A_185, %mul3A_777 : vector<16xf32>
      %add3A_779 = arith.addf %add3A_776, %mul3A_778 : vector<16xf32>
      %add3A_780 = vector.broadcast %squeeze3A_707 : f32 to vector<16xf32>
      %add3A_781 = arith.addf %add3A_779, %add3A_780 : vector<16xf32>
      %min3A_782 = arith.minimumf %min3A_692, %add3A_781 : vector<16xf32>
      %min3A_783 = arith.minimumf %min3A_770, %add3A_779 : vector<16xf32>
      %add3A_784 = vector.broadcast %squeeze3A_707 : f32 to vector<16xf32>
      %add3A_785 = arith.addf %min3A_783, %add3A_784 : vector<16xf32>
      %add3A_786 = arith.constant 5 : i32
      %add3A_787 = arith.addi %mul3A_229, %add3A_786 : i32
      %mul3A_788 = arith.constant 16 : i32
      %mul3A_789 = arith.muli %add3A_787, %mul3A_788 : i32
      %swap3A_790 = arith.constant 0 : i32
      %swap3A_791 = arith.index_cast %swap3A_790 : i32 to index
      %swap3A_792 = arith.index_cast %mul3A_789 : i32 to index
      %swap3A_793 = tpu.vector_load %arg16[%swap3A_791, %swap3A_792] {strides = array<i32>} : memref<1x65536xf32, #tpu.memory_space<vmem>>, vector<1x16xf32>,
      %swap3A_794 = vector.shape_cast %swap3A_793 : vector<1x16xf32> to vector<16xf32>
      %swap3A_795 = vector.shape_cast %add3A_785 : vector<16xf32> to vector<1x16xf32>
      tpu.vector_store %arg16[%swap3A_791, %swap3A_792], %swap3A_795 {strides = array<i32>} : memref<1x65536xf32, #tpu.memory_space<vmem>>, vector<1x16xf32>,
      %slice3A_796 = vector.extract_strided_slice %add3A_243 {offsets = [6], sizes = [1], strides = [1]} : vector<16xf32> to vector<1xf32>
      %squeeze3A_797 = vector.extract %slice3A_796[0] : f32 from vector<1xf32>
      %slice3A_798 = vector.extract_strided_slice %sub3A_248 {offsets = [6], sizes = [1], strides = [1]} : vector<16xf32> to vector<1xf32>
      %squeeze3A_799 = vector.extract %slice3A_798[0] : f32 from vector<1xf32>
      %mul3A_800 = arith.constant -2.000000e+00 : f32
      %mul3A_801 = arith.mulf %mul3A_800, %squeeze3A_799 : f32
      %slice3A_802 = vector.extract_strided_slice %sub3A_253 {offsets = [6], sizes = [1], strides = [1]} : vector<16xf32> to vector<1xf32>
      %squeeze3A_803 = vector.extract %slice3A_802[0] : f32 from vector<1xf32>
      %mul3A_804 = arith.constant -2.000000e+00 : f32
      %mul3A_805 = arith.mulf %mul3A_804, %squeeze3A_803 : f32
      %slice3A_806 = vector.extract_strided_slice %sub3A_258 {offsets = [6], sizes = [1], strides = [1]} : vector<16xf32> to vector<1xf32>
      %squeeze3A_807 = vector.extract %slice3A_806[0] : f32 from vector<1xf32>
      %mul3A_808 = arith.constant -2.000000e+00 : f32
      %mul3A_809 = arith.mulf %mul3A_808, %squeeze3A_807 : f32
      %mul3A_810 = vector.broadcast %mul3A_801 : f32 to vector<16xf32>
      %mul3A_811 = arith.mulf %sub3A_115, %mul3A_810 : vector<16xf32>
      %add3A_812 = arith.addf %add3A_90, %mul3A_811 : vector<16xf32>
      %mul3A_813 = vector.broadcast %mul3A_805 : f32 to vector<16xf32>
      %mul3A_814 = arith.mulf %sub3A_140, %mul3A_813 : vector<16xf32>
      %add3A_815 = arith.addf %add3A_812, %mul3A_814 : vector<16xf32>
      %mul3A_816 = vector.broadcast %mul3A_809 : f32 to vector<16xf32>
      %mul3A_817 = arith.mulf %sub3A_165, %mul3A_816 : vector<16xf32>
      %add3A_818 = arith.addf %add3A_815, %mul3A_817 : vector<16xf32>
      %add3A_819 = vector.broadcast %squeeze3A_797 : f32 to vector<16xf32>
      %add3A_820 = arith.addf %add3A_818, %add3A_819 : vector<16xf32>
      %min3A_821 = arith.minimumf %min3A_731, %add3A_820 : vector<16xf32>
      %mul3A_822 = vector.broadcast %mul3A_801 : f32 to vector<16xf32>
      %mul3A_823 = arith.mulf %sub3A_120, %mul3A_822 : vector<16xf32>
      %add3A_824 = arith.addf %add3A_95, %mul3A_823 : vector<16xf32>
      %mul3A_825 = vector.broadcast %mul3A_805 : f32 to vector<16xf32>
      %mul3A_826 = arith.mulf %sub3A_145, %mul3A_825 : vector<16xf32>
      %add3A_827 = arith.addf %add3A_824, %mul3A_826 : vector<16xf32>
      %mul3A_828 = vector.broadcast %mul3A_809 : f32 to vector<16xf32>
      %mul3A_829 = arith.mulf %sub3A_170, %mul3A_828 : vector<16xf32>
      %add3A_830 = arith.addf %add3A_827, %mul3A_829 : vector<16xf32>
      %add3A_831 = vector.broadcast %squeeze3A_797 : f32 to vector<16xf32>
      %add3A_832 = arith.addf %add3A_830, %add3A_831 : vector<16xf32>
      %min3A_833 = arith.minimumf %min3A_743, %add3A_832 : vector<16xf32>
      %min3A_834 = arith.minimumf %add3A_818, %add3A_830 : vector<16xf32>
      %mul3A_835 = vector.broadcast %mul3A_801 : f32 to vector<16xf32>
      %mul3A_836 = arith.mulf %sub3A_125, %mul3A_835 : vector<16xf32>
      %add3A_837 = arith.addf %add3A_100, %mul3A_836 : vector<16xf32>
      %mul3A_838 = vector.broadcast %mul3A_805 : f32 to vector<16xf32>
      %mul3A_839 = arith.mulf %sub3A_150, %mul3A_838 : vector<16xf32>
      %add3A_840 = arith.addf %add3A_837, %mul3A_839 : vector<16xf32>
      %mul3A_841 = vector.broadcast %mul3A_809 : f32 to vector<16xf32>
      %mul3A_842 = arith.mulf %sub3A_175, %mul3A_841 : vector<16xf32>
      %add3A_843 = arith.addf %add3A_840, %mul3A_842 : vector<16xf32>
      %add3A_844 = vector.broadcast %squeeze3A_797 : f32 to vector<16xf32>
      %add3A_845 = arith.addf %add3A_843, %add3A_844 : vector<16xf32>
      %min3A_846 = arith.minimumf %min3A_756, %add3A_845 : vector<16xf32>
      %min3A_847 = arith.minimumf %min3A_834, %add3A_843 : vector<16xf32>
      %mul3A_848 = vector.broadcast %mul3A_801 : f32 to vector<16xf32>
      %mul3A_849 = arith.mulf %sub3A_130, %mul3A_848 : vector<16xf32>
      %add3A_850 = arith.addf %add3A_105, %mul3A_849 : vector<16xf32>
      %mul3A_851 = vector.broadcast %mul3A_805 : f32 to vector<16xf32>
      %mul3A_852 = arith.mulf %sub3A_155, %mul3A_851 : vector<16xf32>
      %add3A_853 = arith.addf %add3A_850, %mul3A_852 : vector<16xf32>
      %mul3A_854 = vector.broadcast %mul3A_809 : f32 to vector<16xf32>
      %mul3A_855 = arith.mulf %sub3A_180, %mul3A_854 : vector<16xf32>
      %add3A_856 = arith.addf %add3A_853, %mul3A_855 : vector<16xf32>
      %add3A_857 = vector.broadcast %squeeze3A_797 : f32 to vector<16xf32>
      %add3A_858 = arith.addf %add3A_856, %add3A_857 : vector<16xf32>
      %min3A_859 = arith.minimumf %min3A_769, %add3A_858 : vector<16xf32>
      %min3A_860 = arith.minimumf %min3A_847, %add3A_856 : vector<16xf32>
      %mul3A_861 = vector.broadcast %mul3A_801 : f32 to vector<16xf32>
      %mul3A_862 = arith.mulf %sub3A_135, %mul3A_861 : vector<16xf32>
      %add3A_863 = arith.addf %add3A_110, %mul3A_862 : vector<16xf32>
      %mul3A_864 = vector.broadcast %mul3A_805 : f32 to vector<16xf32>
      %mul3A_865 = arith.mulf %sub3A_160, %mul3A_864 : vector<16xf32>
      %add3A_866 = arith.addf %add3A_863, %mul3A_865 : vector<16xf32>
      %mul3A_867 = vector.broadcast %mul3A_809 : f32 to vector<16xf32>
      %mul3A_868 = arith.mulf %sub3A_185, %mul3A_867 : vector<16xf32>
      %add3A_869 = arith.addf %add3A_866, %mul3A_868 : vector<16xf32>
      %add3A_870 = vector.broadcast %squeeze3A_797 : f32 to vector<16xf32>
      %add3A_871 = arith.addf %add3A_869, %add3A_870 : vector<16xf32>
      %min3A_872 = arith.minimumf %min3A_782, %add3A_871 : vector<16xf32>
      %min3A_873 = arith.minimumf %min3A_860, %add3A_869 : vector<16xf32>
      %add3A_874 = vector.broadcast %squeeze3A_797 : f32 to vector<16xf32>
      %add3A_875 = arith.addf %min3A_873, %add3A_874 : vector<16xf32>
      %add3A_876 = arith.constant 6 : i32
      %add3A_877 = arith.addi %mul3A_229, %add3A_876 : i32
      %mul3A_878 = arith.constant 16 : i32
      %mul3A_879 = arith.muli %add3A_877, %mul3A_878 : i32
      %swap3A_880 = arith.constant 0 : i32
      %swap3A_881 = arith.index_cast %swap3A_880 : i32 to index
      %swap3A_882 = arith.index_cast %mul3A_879 : i32 to index
      %swap3A_883 = tpu.vector_load %arg16[%swap3A_881, %swap3A_882] {strides = array<i32>} : memref<1x65536xf32, #tpu.memory_space<vmem>>, vector<1x16xf32>,
      %swap3A_884 = vector.shape_cast %swap3A_883 : vector<1x16xf32> to vector<16xf32>
      %swap3A_885 = vector.shape_cast %add3A_875 : vector<16xf32> to vector<1x16xf32>
      tpu.vector_store %arg16[%swap3A_881, %swap3A_882], %swap3A_885 {strides = array<i32>} : memref<1x65536xf32, #tpu.memory_space<vmem>>, vector<1x16xf32>,
      %slice3A_886 = vector.extract_strided_slice %add3A_243 {offsets = [7], sizes = [1], strides = [1]} : vector<16xf32> to vector<1xf32>
      %squeeze3A_887 = vector.extract %slice3A_886[0] : f32 from vector<1xf32>
      %slice3A_888 = vector.extract_strided_slice %sub3A_248 {offsets = [7], sizes = [1], strides = [1]} : vector<16xf32> to vector<1xf32>
      %squeeze3A_889 = vector.extract %slice3A_888[0] : f32 from vector<1xf32>
      %mul3A_890 = arith.constant -2.000000e+00 : f32
      %mul3A_891 = arith.mulf %mul3A_890, %squeeze3A_889 : f32
      %slice3A_892 = vector.extract_strided_slice %sub3A_253 {offsets = [7], sizes = [1], strides = [1]} : vector<16xf32> to vector<1xf32>
      %squeeze3A_893 = vector.extract %slice3A_892[0] : f32 from vector<1xf32>
      %mul3A_894 = arith.constant -2.000000e+00 : f32
      %mul3A_895 = arith.mulf %mul3A_894, %squeeze3A_893 : f32
      %slice3A_896 = vector.extract_strided_slice %sub3A_258 {offsets = [7], sizes = [1], strides = [1]} : vector<16xf32> to vector<1xf32>
      %squeeze3A_897 = vector.extract %slice3A_896[0] : f32 from vector<1xf32>
      %mul3A_898 = arith.constant -2.000000e+00 : f32
      %mul3A_899 = arith.mulf %mul3A_898, %squeeze3A_897 : f32
      %mul3A_900 = vector.broadcast %mul3A_891 : f32 to vector<16xf32>
      %mul3A_901 = arith.mulf %sub3A_115, %mul3A_900 : vector<16xf32>
      %add3A_902 = arith.addf %add3A_90, %mul3A_901 : vector<16xf32>
      %mul3A_903 = vector.broadcast %mul3A_895 : f32 to vector<16xf32>
      %mul3A_904 = arith.mulf %sub3A_140, %mul3A_903 : vector<16xf32>
      %add3A_905 = arith.addf %add3A_902, %mul3A_904 : vector<16xf32>
      %mul3A_906 = vector.broadcast %mul3A_899 : f32 to vector<16xf32>
      %mul3A_907 = arith.mulf %sub3A_165, %mul3A_906 : vector<16xf32>
      %add3A_908 = arith.addf %add3A_905, %mul3A_907 : vector<16xf32>
      %add3A_909 = vector.broadcast %squeeze3A_887 : f32 to vector<16xf32>
      %add3A_910 = arith.addf %add3A_908, %add3A_909 : vector<16xf32>
      %min3A_911 = arith.minimumf %min3A_821, %add3A_910 : vector<16xf32>
      %mul3A_912 = vector.broadcast %mul3A_891 : f32 to vector<16xf32>
      %mul3A_913 = arith.mulf %sub3A_120, %mul3A_912 : vector<16xf32>
      %add3A_914 = arith.addf %add3A_95, %mul3A_913 : vector<16xf32>
      %mul3A_915 = vector.broadcast %mul3A_895 : f32 to vector<16xf32>
      %mul3A_916 = arith.mulf %sub3A_145, %mul3A_915 : vector<16xf32>
      %add3A_917 = arith.addf %add3A_914, %mul3A_916 : vector<16xf32>
      %mul3A_918 = vector.broadcast %mul3A_899 : f32 to vector<16xf32>
      %mul3A_919 = arith.mulf %sub3A_170, %mul3A_918 : vector<16xf32>
      %add3A_920 = arith.addf %add3A_917, %mul3A_919 : vector<16xf32>
      %add3A_921 = vector.broadcast %squeeze3A_887 : f32 to vector<16xf32>
      %add3A_922 = arith.addf %add3A_920, %add3A_921 : vector<16xf32>
      %min3A_923 = arith.minimumf %min3A_833, %add3A_922 : vector<16xf32>
      %min3A_924 = arith.minimumf %add3A_908, %add3A_920 : vector<16xf32>
      %mul3A_925 = vector.broadcast %mul3A_891 : f32 to vector<16xf32>
      %mul3A_926 = arith.mulf %sub3A_125, %mul3A_925 : vector<16xf32>
      %add3A_927 = arith.addf %add3A_100, %mul3A_926 : vector<16xf32>
      %mul3A_928 = vector.broadcast %mul3A_895 : f32 to vector<16xf32>
      %mul3A_929 = arith.mulf %sub3A_150, %mul3A_928 : vector<16xf32>
      %add3A_930 = arith.addf %add3A_927, %mul3A_929 : vector<16xf32>
      %mul3A_931 = vector.broadcast %mul3A_899 : f32 to vector<16xf32>
      %mul3A_932 = arith.mulf %sub3A_175, %mul3A_931 : vector<16xf32>
      %add3A_933 = arith.addf %add3A_930, %mul3A_932 : vector<16xf32>
      %add3A_934 = vector.broadcast %squeeze3A_887 : f32 to vector<16xf32>
      %add3A_935 = arith.addf %add3A_933, %add3A_934 : vector<16xf32>
      %min3A_936 = arith.minimumf %min3A_846, %add3A_935 : vector<16xf32>
      %min3A_937 = arith.minimumf %min3A_924, %add3A_933 : vector<16xf32>
      %mul3A_938 = vector.broadcast %mul3A_891 : f32 to vector<16xf32>
      %mul3A_939 = arith.mulf %sub3A_130, %mul3A_938 : vector<16xf32>
      %add3A_940 = arith.addf %add3A_105, %mul3A_939 : vector<16xf32>
      %mul3A_941 = vector.broadcast %mul3A_895 : f32 to vector<16xf32>
      %mul3A_942 = arith.mulf %sub3A_155, %mul3A_941 : vector<16xf32>
      %add3A_943 = arith.addf %add3A_940, %mul3A_942 : vector<16xf32>
      %mul3A_944 = vector.broadcast %mul3A_899 : f32 to vector<16xf32>
      %mul3A_945 = arith.mulf %sub3A_180, %mul3A_944 : vector<16xf32>
      %add3A_946 = arith.addf %add3A_943, %mul3A_945 : vector<16xf32>
      %add3A_947 = vector.broadcast %squeeze3A_887 : f32 to vector<16xf32>
      %add3A_948 = arith.addf %add3A_946, %add3A_947 : vector<16xf32>
      %min3A_949 = arith.minimumf %min3A_859, %add3A_948 : vector<16xf32>
      %min3A_950 = arith.minimumf %min3A_937, %add3A_946 : vector<16xf32>
      %mul3A_951 = vector.broadcast %mul3A_891 : f32 to vector<16xf32>
      %mul3A_952 = arith.mulf %sub3A_135, %mul3A_951 : vector<16xf32>
      %add3A_953 = arith.addf %add3A_110, %mul3A_952 : vector<16xf32>
      %mul3A_954 = vector.broadcast %mul3A_895 : f32 to vector<16xf32>
      %mul3A_955 = arith.mulf %sub3A_160, %mul3A_954 : vector<16xf32>
      %add3A_956 = arith.addf %add3A_953, %mul3A_955 : vector<16xf32>
      %mul3A_957 = vector.broadcast %mul3A_899 : f32 to vector<16xf32>
      %mul3A_958 = arith.mulf %sub3A_185, %mul3A_957 : vector<16xf32>
      %add3A_959 = arith.addf %add3A_956, %mul3A_958 : vector<16xf32>
      %add3A_960 = vector.broadcast %squeeze3A_887 : f32 to vector<16xf32>
      %add3A_961 = arith.addf %add3A_959, %add3A_960 : vector<16xf32>
      %min3A_962 = arith.minimumf %min3A_872, %add3A_961 : vector<16xf32>
      %min3A_963 = arith.minimumf %min3A_950, %add3A_959 : vector<16xf32>
      %add3A_964 = vector.broadcast %squeeze3A_887 : f32 to vector<16xf32>
      %add3A_965 = arith.addf %min3A_963, %add3A_964 : vector<16xf32>
      %add3A_966 = arith.constant 7 : i32
      %add3A_967 = arith.addi %mul3A_229, %add3A_966 : i32
      %mul3A_968 = arith.constant 16 : i32
      %mul3A_969 = arith.muli %add3A_967, %mul3A_968 : i32
      %swap3A_970 = arith.constant 0 : i32
      %swap3A_971 = arith.index_cast %swap3A_970 : i32 to index
      %swap3A_972 = arith.index_cast %mul3A_969 : i32 to index
      %swap3A_973 = tpu.vector_load %arg16[%swap3A_971, %swap3A_972] {strides = array<i32>} : memref<1x65536xf32, #tpu.memory_space<vmem>>, vector<1x16xf32>,
      %swap3A_974 = vector.shape_cast %swap3A_973 : vector<1x16xf32> to vector<16xf32>
      %swap3A_975 = vector.shape_cast %add3A_965 : vector<16xf32> to vector<1x16xf32>
      tpu.vector_store %arg16[%swap3A_971, %swap3A_972], %swap3A_975 {strides = array<i32>} : memref<1x65536xf32, #tpu.memory_space<vmem>>, vector<1x16xf32>,
      %slice3A_976 = vector.extract_strided_slice %add3A_243 {offsets = [8], sizes = [1], strides = [1]} : vector<16xf32> to vector<1xf32>
      %squeeze3A_977 = vector.extract %slice3A_976[0] : f32 from vector<1xf32>
      %slice3A_978 = vector.extract_strided_slice %sub3A_248 {offsets = [8], sizes = [1], strides = [1]} : vector<16xf32> to vector<1xf32>
      %squeeze3A_979 = vector.extract %slice3A_978[0] : f32 from vector<1xf32>
      %mul3A_980 = arith.constant -2.000000e+00 : f32
      %mul3A_981 = arith.mulf %mul3A_980, %squeeze3A_979 : f32
      %slice3A_982 = vector.extract_strided_slice %sub3A_253 {offsets = [8], sizes = [1], strides = [1]} : vector<16xf32> to vector<1xf32>
      %squeeze3A_983 = vector.extract %slice3A_982[0] : f32 from vector<1xf32>
      %mul3A_984 = arith.constant -2.000000e+00 : f32
      %mul3A_985 = arith.mulf %mul3A_984, %squeeze3A_983 : f32
      %slice3A_986 = vector.extract_strided_slice %sub3A_258 {offsets = [8], sizes = [1], strides = [1]} : vector<16xf32> to vector<1xf32>
      %squeeze3A_987 = vector.extract %slice3A_986[0] : f32 from vector<1xf32>
      %mul3A_988 = arith.constant -2.000000e+00 : f32
      %mul3A_989 = arith.mulf %mul3A_988, %squeeze3A_987 : f32
      %mul3A_990 = vector.broadcast %mul3A_981 : f32 to vector<16xf32>
      %mul3A_991 = arith.mulf %sub3A_115, %mul3A_990 : vector<16xf32>
      %add3A_992 = arith.addf %add3A_90, %mul3A_991 : vector<16xf32>
      %mul3A_993 = vector.broadcast %mul3A_985 : f32 to vector<16xf32>
      %mul3A_994 = arith.mulf %sub3A_140, %mul3A_993 : vector<16xf32>
      %add3A_995 = arith.addf %add3A_992, %mul3A_994 : vector<16xf32>
      %mul3A_996 = vector.broadcast %mul3A_989 : f32 to vector<16xf32>
      %mul3A_997 = arith.mulf %sub3A_165, %mul3A_996 : vector<16xf32>
      %add3A_998 = arith.addf %add3A_995, %mul3A_997 : vector<16xf32>
      %add3A_999 = vector.broadcast %squeeze3A_977 : f32 to vector<16xf32>
      %add3A_1000 = arith.addf %add3A_998, %add3A_999 : vector<16xf32>
      %min3A_1001 = arith.minimumf %min3A_911, %add3A_1000 : vector<16xf32>
      %mul3A_1002 = vector.broadcast %mul3A_981 : f32 to vector<16xf32>
      %mul3A_1003 = arith.mulf %sub3A_120, %mul3A_1002 : vector<16xf32>
      %add3A_1004 = arith.addf %add3A_95, %mul3A_1003 : vector<16xf32>
      %mul3A_1005 = vector.broadcast %mul3A_985 : f32 to vector<16xf32>
      %mul3A_1006 = arith.mulf %sub3A_145, %mul3A_1005 : vector<16xf32>
      %add3A_1007 = arith.addf %add3A_1004, %mul3A_1006 : vector<16xf32>
      %mul3A_1008 = vector.broadcast %mul3A_989 : f32 to vector<16xf32>
      %mul3A_1009 = arith.mulf %sub3A_170, %mul3A_1008 : vector<16xf32>
      %add3A_1010 = arith.addf %add3A_1007, %mul3A_1009 : vector<16xf32>
      %add3A_1011 = vector.broadcast %squeeze3A_977 : f32 to vector<16xf32>
      %add3A_1012 = arith.addf %add3A_1010, %add3A_1011 : vector<16xf32>
      %min3A_1013 = arith.minimumf %min3A_923, %add3A_1012 : vector<16xf32>
      %min3A_1014 = arith.minimumf %add3A_998, %add3A_1010 : vector<16xf32>
      %mul3A_1015 = vector.broadcast %mul3A_981 : f32 to vector<16xf32>
      %mul3A_1016 = arith.mulf %sub3A_125, %mul3A_1015 : vector<16xf32>
      %add3A_1017 = arith.addf %add3A_100, %mul3A_1016 : vector<16xf32>
      %mul3A_1018 = vector.broadcast %mul3A_985 : f32 to vector<16xf32>
      %mul3A_1019 = arith.mulf %sub3A_150, %mul3A_1018 : vector<16xf32>
      %add3A_1020 = arith.addf %add3A_1017, %mul3A_1019 : vector<16xf32>
      %mul3A_1021 = vector.broadcast %mul3A_989 : f32 to vector<16xf32>
      %mul3A_1022 = arith.mulf %sub3A_175, %mul3A_1021 : vector<16xf32>
      %add3A_1023 = arith.addf %add3A_1020, %mul3A_1022 : vector<16xf32>
      %add3A_1024 = vector.broadcast %squeeze3A_977 : f32 to vector<16xf32>
      %add3A_1025 = arith.addf %add3A_1023, %add3A_1024 : vector<16xf32>
      %min3A_1026 = arith.minimumf %min3A_936, %add3A_1025 : vector<16xf32>
      %min3A_1027 = arith.minimumf %min3A_1014, %add3A_1023 : vector<16xf32>
      %mul3A_1028 = vector.broadcast %mul3A_981 : f32 to vector<16xf32>
      %mul3A_1029 = arith.mulf %sub3A_130, %mul3A_1028 : vector<16xf32>
      %add3A_1030 = arith.addf %add3A_105, %mul3A_1029 : vector<16xf32>
      %mul3A_1031 = vector.broadcast %mul3A_985 : f32 to vector<16xf32>
      %mul3A_1032 = arith.mulf %sub3A_155, %mul3A_1031 : vector<16xf32>
      %add3A_1033 = arith.addf %add3A_1030, %mul3A_1032 : vector<16xf32>
      %mul3A_1034 = vector.broadcast %mul3A_989 : f32 to vector<16xf32>
      %mul3A_1035 = arith.mulf %sub3A_180, %mul3A_1034 : vector<16xf32>
      %add3A_1036 = arith.addf %add3A_1033, %mul3A_1035 : vector<16xf32>
      %add3A_1037 = vector.broadcast %squeeze3A_977 : f32 to vector<16xf32>
      %add3A_1038 = arith.addf %add3A_1036, %add3A_1037 : vector<16xf32>
      %min3A_1039 = arith.minimumf %min3A_949, %add3A_1038 : vector<16xf32>
      %min3A_1040 = arith.minimumf %min3A_1027, %add3A_1036 : vector<16xf32>
      %mul3A_1041 = vector.broadcast %mul3A_981 : f32 to vector<16xf32>
      %mul3A_1042 = arith.mulf %sub3A_135, %mul3A_1041 : vector<16xf32>
      %add3A_1043 = arith.addf %add3A_110, %mul3A_1042 : vector<16xf32>
      %mul3A_1044 = vector.broadcast %mul3A_985 : f32 to vector<16xf32>
      %mul3A_1045 = arith.mulf %sub3A_160, %mul3A_1044 : vector<16xf32>
      %add3A_1046 = arith.addf %add3A_1043, %mul3A_1045 : vector<16xf32>
      %mul3A_1047 = vector.broadcast %mul3A_989 : f32 to vector<16xf32>
      %mul3A_1048 = arith.mulf %sub3A_185, %mul3A_1047 : vector<16xf32>
      %add3A_1049 = arith.addf %add3A_1046, %mul3A_1048 : vector<16xf32>
      %add3A_1050 = vector.broadcast %squeeze3A_977 : f32 to vector<16xf32>
      %add3A_1051 = arith.addf %add3A_1049, %add3A_1050 : vector<16xf32>
      %min3A_1052 = arith.minimumf %min3A_962, %add3A_1051 : vector<16xf32>
      %min3A_1053 = arith.minimumf %min3A_1040, %add3A_1049 : vector<16xf32>
      %add3A_1054 = vector.broadcast %squeeze3A_977 : f32 to vector<16xf32>
      %add3A_1055 = arith.addf %min3A_1053, %add3A_1054 : vector<16xf32>
      %add3A_1056 = arith.constant 8 : i32
      %add3A_1057 = arith.addi %mul3A_229, %add3A_1056 : i32
      %mul3A_1058 = arith.constant 16 : i32
      %mul3A_1059 = arith.muli %add3A_1057, %mul3A_1058 : i32
      %swap3A_1060 = arith.constant 0 : i32
      %swap3A_1061 = arith.index_cast %swap3A_1060 : i32 to index
      %swap3A_1062 = arith.index_cast %mul3A_1059 : i32 to index
      %swap3A_1063 = tpu.vector_load %arg16[%swap3A_1061, %swap3A_1062] {strides = array<i32>} : memref<1x65536xf32, #tpu.memory_space<vmem>>, vector<1x16xf32>,
      %swap3A_1064 = vector.shape_cast %swap3A_1063 : vector<1x16xf32> to vector<16xf32>
      %swap3A_1065 = vector.shape_cast %add3A_1055 : vector<16xf32> to vector<1x16xf32>
      tpu.vector_store %arg16[%swap3A_1061, %swap3A_1062], %swap3A_1065 {strides = array<i32>} : memref<1x65536xf32, #tpu.memory_space<vmem>>, vector<1x16xf32>,
      %slice3A_1066 = vector.extract_strided_slice %add3A_243 {offsets = [9], sizes = [1], strides = [1]} : vector<16xf32> to vector<1xf32>
      %squeeze3A_1067 = vector.extract %slice3A_1066[0] : f32 from vector<1xf32>
      %slice3A_1068 = vector.extract_strided_slice %sub3A_248 {offsets = [9], sizes = [1], strides = [1]} : vector<16xf32> to vector<1xf32>
      %squeeze3A_1069 = vector.extract %slice3A_1068[0] : f32 from vector<1xf32>
      %mul3A_1070 = arith.constant -2.000000e+00 : f32
      %mul3A_1071 = arith.mulf %mul3A_1070, %squeeze3A_1069 : f32
      %slice3A_1072 = vector.extract_strided_slice %sub3A_253 {offsets = [9], sizes = [1], strides = [1]} : vector<16xf32> to vector<1xf32>
      %squeeze3A_1073 = vector.extract %slice3A_1072[0] : f32 from vector<1xf32>
      %mul3A_1074 = arith.constant -2.000000e+00 : f32
      %mul3A_1075 = arith.mulf %mul3A_1074, %squeeze3A_1073 : f32
      %slice3A_1076 = vector.extract_strided_slice %sub3A_258 {offsets = [9], sizes = [1], strides = [1]} : vector<16xf32> to vector<1xf32>
      %squeeze3A_1077 = vector.extract %slice3A_1076[0] : f32 from vector<1xf32>
      %mul3A_1078 = arith.constant -2.000000e+00 : f32
      %mul3A_1079 = arith.mulf %mul3A_1078, %squeeze3A_1077 : f32
      %mul3A_1080 = vector.broadcast %mul3A_1071 : f32 to vector<16xf32>
      %mul3A_1081 = arith.mulf %sub3A_115, %mul3A_1080 : vector<16xf32>
      %add3A_1082 = arith.addf %add3A_90, %mul3A_1081 : vector<16xf32>
      %mul3A_1083 = vector.broadcast %mul3A_1075 : f32 to vector<16xf32>
      %mul3A_1084 = arith.mulf %sub3A_140, %mul3A_1083 : vector<16xf32>
      %add3A_1085 = arith.addf %add3A_1082, %mul3A_1084 : vector<16xf32>
      %mul3A_1086 = vector.broadcast %mul3A_1079 : f32 to vector<16xf32>
      %mul3A_1087 = arith.mulf %sub3A_165, %mul3A_1086 : vector<16xf32>
      %add3A_1088 = arith.addf %add3A_1085, %mul3A_1087 : vector<16xf32>
      %add3A_1089 = vector.broadcast %squeeze3A_1067 : f32 to vector<16xf32>
      %add3A_1090 = arith.addf %add3A_1088, %add3A_1089 : vector<16xf32>
      %min3A_1091 = arith.minimumf %min3A_1001, %add3A_1090 : vector<16xf32>
      %mul3A_1092 = vector.broadcast %mul3A_1071 : f32 to vector<16xf32>
      %mul3A_1093 = arith.mulf %sub3A_120, %mul3A_1092 : vector<16xf32>
      %add3A_1094 = arith.addf %add3A_95, %mul3A_1093 : vector<16xf32>
      %mul3A_1095 = vector.broadcast %mul3A_1075 : f32 to vector<16xf32>
      %mul3A_1096 = arith.mulf %sub3A_145, %mul3A_1095 : vector<16xf32>
      %add3A_1097 = arith.addf %add3A_1094, %mul3A_1096 : vector<16xf32>
      %mul3A_1098 = vector.broadcast %mul3A_1079 : f32 to vector<16xf32>
      %mul3A_1099 = arith.mulf %sub3A_170, %mul3A_1098 : vector<16xf32>
      %add3A_1100 = arith.addf %add3A_1097, %mul3A_1099 : vector<16xf32>
      %add3A_1101 = vector.broadcast %squeeze3A_1067 : f32 to vector<16xf32>
      %add3A_1102 = arith.addf %add3A_1100, %add3A_1101 : vector<16xf32>
      %min3A_1103 = arith.minimumf %min3A_1013, %add3A_1102 : vector<16xf32>
      %min3A_1104 = arith.minimumf %add3A_1088, %add3A_1100 : vector<16xf32>
      %mul3A_1105 = vector.broadcast %mul3A_1071 : f32 to vector<16xf32>
      %mul3A_1106 = arith.mulf %sub3A_125, %mul3A_1105 : vector<16xf32>
      %add3A_1107 = arith.addf %add3A_100, %mul3A_1106 : vector<16xf32>
      %mul3A_1108 = vector.broadcast %mul3A_1075 : f32 to vector<16xf32>
      %mul3A_1109 = arith.mulf %sub3A_150, %mul3A_1108 : vector<16xf32>
      %add3A_1110 = arith.addf %add3A_1107, %mul3A_1109 : vector<16xf32>
      %mul3A_1111 = vector.broadcast %mul3A_1079 : f32 to vector<16xf32>
      %mul3A_1112 = arith.mulf %sub3A_175, %mul3A_1111 : vector<16xf32>
      %add3A_1113 = arith.addf %add3A_1110, %mul3A_1112 : vector<16xf32>
      %add3A_1114 = vector.broadcast %squeeze3A_1067 : f32 to vector<16xf32>
      %add3A_1115 = arith.addf %add3A_1113, %add3A_1114 : vector<16xf32>
      %min3A_1116 = arith.minimumf %min3A_1026, %add3A_1115 : vector<16xf32>
      %min3A_1117 = arith.minimumf %min3A_1104, %add3A_1113 : vector<16xf32>
      %mul3A_1118 = vector.broadcast %mul3A_1071 : f32 to vector<16xf32>
      %mul3A_1119 = arith.mulf %sub3A_130, %mul3A_1118 : vector<16xf32>
      %add3A_1120 = arith.addf %add3A_105, %mul3A_1119 : vector<16xf32>
      %mul3A_1121 = vector.broadcast %mul3A_1075 : f32 to vector<16xf32>
      %mul3A_1122 = arith.mulf %sub3A_155, %mul3A_1121 : vector<16xf32>
      %add3A_1123 = arith.addf %add3A_1120, %mul3A_1122 : vector<16xf32>
      %mul3A_1124 = vector.broadcast %mul3A_1079 : f32 to vector<16xf32>
      %mul3A_1125 = arith.mulf %sub3A_180, %mul3A_1124 : vector<16xf32>
      %add3A_1126 = arith.addf %add3A_1123, %mul3A_1125 : vector<16xf32>
      %add3A_1127 = vector.broadcast %squeeze3A_1067 : f32 to vector<16xf32>
      %add3A_1128 = arith.addf %add3A_1126, %add3A_1127 : vector<16xf32>
      %min3A_1129 = arith.minimumf %min3A_1039, %add3A_1128 : vector<16xf32>
      %min3A_1130 = arith.minimumf %min3A_1117, %add3A_1126 : vector<16xf32>
      %mul3A_1131 = vector.broadcast %mul3A_1071 : f32 to vector<16xf32>
      %mul3A_1132 = arith.mulf %sub3A_135, %mul3A_1131 : vector<16xf32>
      %add3A_1133 = arith.addf %add3A_110, %mul3A_1132 : vector<16xf32>
      %mul3A_1134 = vector.broadcast %mul3A_1075 : f32 to vector<16xf32>
      %mul3A_1135 = arith.mulf %sub3A_160, %mul3A_1134 : vector<16xf32>
      %add3A_1136 = arith.addf %add3A_1133, %mul3A_1135 : vector<16xf32>
      %mul3A_1137 = vector.broadcast %mul3A_1079 : f32 to vector<16xf32>
      %mul3A_1138 = arith.mulf %sub3A_185, %mul3A_1137 : vector<16xf32>
      %add3A_1139 = arith.addf %add3A_1136, %mul3A_1138 : vector<16xf32>
      %add3A_1140 = vector.broadcast %squeeze3A_1067 : f32 to vector<16xf32>
      %add3A_1141 = arith.addf %add3A_1139, %add3A_1140 : vector<16xf32>
      %min3A_1142 = arith.minimumf %min3A_1052, %add3A_1141 : vector<16xf32>
      %min3A_1143 = arith.minimumf %min3A_1130, %add3A_1139 : vector<16xf32>
      %add3A_1144 = vector.broadcast %squeeze3A_1067 : f32 to vector<16xf32>
      %add3A_1145 = arith.addf %min3A_1143, %add3A_1144 : vector<16xf32>
      %add3A_1146 = arith.constant 9 : i32
      %add3A_1147 = arith.addi %mul3A_229, %add3A_1146 : i32
      %mul3A_1148 = arith.constant 16 : i32
      %mul3A_1149 = arith.muli %add3A_1147, %mul3A_1148 : i32
      %swap3A_1150 = arith.constant 0 : i32
      %swap3A_1151 = arith.index_cast %swap3A_1150 : i32 to index
      %swap3A_1152 = arith.index_cast %mul3A_1149 : i32 to index
      %swap3A_1153 = tpu.vector_load %arg16[%swap3A_1151, %swap3A_1152] {strides = array<i32>} : memref<1x65536xf32, #tpu.memory_space<vmem>>, vector<1x16xf32>,
      %swap3A_1154 = vector.shape_cast %swap3A_1153 : vector<1x16xf32> to vector<16xf32>
      %swap3A_1155 = vector.shape_cast %add3A_1145 : vector<16xf32> to vector<1x16xf32>
      tpu.vector_store %arg16[%swap3A_1151, %swap3A_1152], %swap3A_1155 {strides = array<i32>} : memref<1x65536xf32, #tpu.memory_space<vmem>>, vector<1x16xf32>,
      %slice3A_1156 = vector.extract_strided_slice %add3A_243 {offsets = [10], sizes = [1], strides = [1]} : vector<16xf32> to vector<1xf32>
      %squeeze3A_1157 = vector.extract %slice3A_1156[0] : f32 from vector<1xf32>
      %slice3A_1158 = vector.extract_strided_slice %sub3A_248 {offsets = [10], sizes = [1], strides = [1]} : vector<16xf32> to vector<1xf32>
      %squeeze3A_1159 = vector.extract %slice3A_1158[0] : f32 from vector<1xf32>
      %mul3A_1160 = arith.constant -2.000000e+00 : f32
      %mul3A_1161 = arith.mulf %mul3A_1160, %squeeze3A_1159 : f32
      %slice3A_1162 = vector.extract_strided_slice %sub3A_253 {offsets = [10], sizes = [1], strides = [1]} : vector<16xf32> to vector<1xf32>
      %squeeze3A_1163 = vector.extract %slice3A_1162[0] : f32 from vector<1xf32>
      %mul3A_1164 = arith.constant -2.000000e+00 : f32
      %mul3A_1165 = arith.mulf %mul3A_1164, %squeeze3A_1163 : f32
      %slice3A_1166 = vector.extract_strided_slice %sub3A_258 {offsets = [10], sizes = [1], strides = [1]} : vector<16xf32> to vector<1xf32>
      %squeeze3A_1167 = vector.extract %slice3A_1166[0] : f32 from vector<1xf32>
      %mul3A_1168 = arith.constant -2.000000e+00 : f32
      %mul3A_1169 = arith.mulf %mul3A_1168, %squeeze3A_1167 : f32
      %mul3A_1170 = vector.broadcast %mul3A_1161 : f32 to vector<16xf32>
      %mul3A_1171 = arith.mulf %sub3A_115, %mul3A_1170 : vector<16xf32>
      %add3A_1172 = arith.addf %add3A_90, %mul3A_1171 : vector<16xf32>
      %mul3A_1173 = vector.broadcast %mul3A_1165 : f32 to vector<16xf32>
      %mul3A_1174 = arith.mulf %sub3A_140, %mul3A_1173 : vector<16xf32>
      %add3A_1175 = arith.addf %add3A_1172, %mul3A_1174 : vector<16xf32>
      %mul3A_1176 = vector.broadcast %mul3A_1169 : f32 to vector<16xf32>
      %mul3A_1177 = arith.mulf %sub3A_165, %mul3A_1176 : vector<16xf32>
      %add3A_1178 = arith.addf %add3A_1175, %mul3A_1177 : vector<16xf32>
      %add3A_1179 = vector.broadcast %squeeze3A_1157 : f32 to vector<16xf32>
      %add3A_1180 = arith.addf %add3A_1178, %add3A_1179 : vector<16xf32>
      %min3A_1181 = arith.minimumf %min3A_1091, %add3A_1180 : vector<16xf32>
      %mul3A_1182 = vector.broadcast %mul3A_1161 : f32 to vector<16xf32>
      %mul3A_1183 = arith.mulf %sub3A_120, %mul3A_1182 : vector<16xf32>
      %add3A_1184 = arith.addf %add3A_95, %mul3A_1183 : vector<16xf32>
      %mul3A_1185 = vector.broadcast %mul3A_1165 : f32 to vector<16xf32>
      %mul3A_1186 = arith.mulf %sub3A_145, %mul3A_1185 : vector<16xf32>
      %add3A_1187 = arith.addf %add3A_1184, %mul3A_1186 : vector<16xf32>
      %mul3A_1188 = vector.broadcast %mul3A_1169 : f32 to vector<16xf32>
      %mul3A_1189 = arith.mulf %sub3A_170, %mul3A_1188 : vector<16xf32>
      %add3A_1190 = arith.addf %add3A_1187, %mul3A_1189 : vector<16xf32>
      %add3A_1191 = vector.broadcast %squeeze3A_1157 : f32 to vector<16xf32>
      %add3A_1192 = arith.addf %add3A_1190, %add3A_1191 : vector<16xf32>
      %min3A_1193 = arith.minimumf %min3A_1103, %add3A_1192 : vector<16xf32>
      %min3A_1194 = arith.minimumf %add3A_1178, %add3A_1190 : vector<16xf32>
      %mul3A_1195 = vector.broadcast %mul3A_1161 : f32 to vector<16xf32>
      %mul3A_1196 = arith.mulf %sub3A_125, %mul3A_1195 : vector<16xf32>
      %add3A_1197 = arith.addf %add3A_100, %mul3A_1196 : vector<16xf32>
      %mul3A_1198 = vector.broadcast %mul3A_1165 : f32 to vector<16xf32>
      %mul3A_1199 = arith.mulf %sub3A_150, %mul3A_1198 : vector<16xf32>
      %add3A_1200 = arith.addf %add3A_1197, %mul3A_1199 : vector<16xf32>
      %mul3A_1201 = vector.broadcast %mul3A_1169 : f32 to vector<16xf32>
      %mul3A_1202 = arith.mulf %sub3A_175, %mul3A_1201 : vector<16xf32>
      %add3A_1203 = arith.addf %add3A_1200, %mul3A_1202 : vector<16xf32>
      %add3A_1204 = vector.broadcast %squeeze3A_1157 : f32 to vector<16xf32>
      %add3A_1205 = arith.addf %add3A_1203, %add3A_1204 : vector<16xf32>
      %min3A_1206 = arith.minimumf %min3A_1116, %add3A_1205 : vector<16xf32>
      %min3A_1207 = arith.minimumf %min3A_1194, %add3A_1203 : vector<16xf32>
      %mul3A_1208 = vector.broadcast %mul3A_1161 : f32 to vector<16xf32>
      %mul3A_1209 = arith.mulf %sub3A_130, %mul3A_1208 : vector<16xf32>
      %add3A_1210 = arith.addf %add3A_105, %mul3A_1209 : vector<16xf32>
      %mul3A_1211 = vector.broadcast %mul3A_1165 : f32 to vector<16xf32>
      %mul3A_1212 = arith.mulf %sub3A_155, %mul3A_1211 : vector<16xf32>
      %add3A_1213 = arith.addf %add3A_1210, %mul3A_1212 : vector<16xf32>
      %mul3A_1214 = vector.broadcast %mul3A_1169 : f32 to vector<16xf32>
      %mul3A_1215 = arith.mulf %sub3A_180, %mul3A_1214 : vector<16xf32>
      %add3A_1216 = arith.addf %add3A_1213, %mul3A_1215 : vector<16xf32>
      %add3A_1217 = vector.broadcast %squeeze3A_1157 : f32 to vector<16xf32>
      %add3A_1218 = arith.addf %add3A_1216, %add3A_1217 : vector<16xf32>
      %min3A_1219 = arith.minimumf %min3A_1129, %add3A_1218 : vector<16xf32>
      %min3A_1220 = arith.minimumf %min3A_1207, %add3A_1216 : vector<16xf32>
      %mul3A_1221 = vector.broadcast %mul3A_1161 : f32 to vector<16xf32>
      %mul3A_1222 = arith.mulf %sub3A_135, %mul3A_1221 : vector<16xf32>
      %add3A_1223 = arith.addf %add3A_110, %mul3A_1222 : vector<16xf32>
      %mul3A_1224 = vector.broadcast %mul3A_1165 : f32 to vector<16xf32>
      %mul3A_1225 = arith.mulf %sub3A_160, %mul3A_1224 : vector<16xf32>
      %add3A_1226 = arith.addf %add3A_1223, %mul3A_1225 : vector<16xf32>
      %mul3A_1227 = vector.broadcast %mul3A_1169 : f32 to vector<16xf32>
      %mul3A_1228 = arith.mulf %sub3A_185, %mul3A_1227 : vector<16xf32>
      %add3A_1229 = arith.addf %add3A_1226, %mul3A_1228 : vector<16xf32>
      %add3A_1230 = vector.broadcast %squeeze3A_1157 : f32 to vector<16xf32>
      %add3A_1231 = arith.addf %add3A_1229, %add3A_1230 : vector<16xf32>
      %min3A_1232 = arith.minimumf %min3A_1142, %add3A_1231 : vector<16xf32>
      %min3A_1233 = arith.minimumf %min3A_1220, %add3A_1229 : vector<16xf32>
      %add3A_1234 = vector.broadcast %squeeze3A_1157 : f32 to vector<16xf32>
      %add3A_1235 = arith.addf %min3A_1233, %add3A_1234 : vector<16xf32>
      %add3A_1236 = arith.constant 10 : i32
      %add3A_1237 = arith.addi %mul3A_229, %add3A_1236 : i32
      %mul3A_1238 = arith.constant 16 : i32
      %mul3A_1239 = arith.muli %add3A_1237, %mul3A_1238 : i32
      %swap3A_1240 = arith.constant 0 : i32
      %swap3A_1241 = arith.index_cast %swap3A_1240 : i32 to index
      %swap3A_1242 = arith.index_cast %mul3A_1239 : i32 to index
      %swap3A_1243 = tpu.vector_load %arg16[%swap3A_1241, %swap3A_1242] {strides = array<i32>} : memref<1x65536xf32, #tpu.memory_space<vmem>>, vector<1x16xf32>,
      %swap3A_1244 = vector.shape_cast %swap3A_1243 : vector<1x16xf32> to vector<16xf32>
      %swap3A_1245 = vector.shape_cast %add3A_1235 : vector<16xf32> to vector<1x16xf32>
      tpu.vector_store %arg16[%swap3A_1241, %swap3A_1242], %swap3A_1245 {strides = array<i32>} : memref<1x65536xf32, #tpu.memory_space<vmem>>, vector<1x16xf32>,
      %slice3A_1246 = vector.extract_strided_slice %add3A_243 {offsets = [11], sizes = [1], strides = [1]} : vector<16xf32> to vector<1xf32>
      %squeeze3A_1247 = vector.extract %slice3A_1246[0] : f32 from vector<1xf32>
      %slice3A_1248 = vector.extract_strided_slice %sub3A_248 {offsets = [11], sizes = [1], strides = [1]} : vector<16xf32> to vector<1xf32>
      %squeeze3A_1249 = vector.extract %slice3A_1248[0] : f32 from vector<1xf32>
      %mul3A_1250 = arith.constant -2.000000e+00 : f32
      %mul3A_1251 = arith.mulf %mul3A_1250, %squeeze3A_1249 : f32
      %slice3A_1252 = vector.extract_strided_slice %sub3A_253 {offsets = [11], sizes = [1], strides = [1]} : vector<16xf32> to vector<1xf32>
      %squeeze3A_1253 = vector.extract %slice3A_1252[0] : f32 from vector<1xf32>
      %mul3A_1254 = arith.constant -2.000000e+00 : f32
      %mul3A_1255 = arith.mulf %mul3A_1254, %squeeze3A_1253 : f32
      %slice3A_1256 = vector.extract_strided_slice %sub3A_258 {offsets = [11], sizes = [1], strides = [1]} : vector<16xf32> to vector<1xf32>
      %squeeze3A_1257 = vector.extract %slice3A_1256[0] : f32 from vector<1xf32>
      %mul3A_1258 = arith.constant -2.000000e+00 : f32
      %mul3A_1259 = arith.mulf %mul3A_1258, %squeeze3A_1257 : f32
      %mul3A_1260 = vector.broadcast %mul3A_1251 : f32 to vector<16xf32>
      %mul3A_1261 = arith.mulf %sub3A_115, %mul3A_1260 : vector<16xf32>
      %add3A_1262 = arith.addf %add3A_90, %mul3A_1261 : vector<16xf32>
      %mul3A_1263 = vector.broadcast %mul3A_1255 : f32 to vector<16xf32>
      %mul3A_1264 = arith.mulf %sub3A_140, %mul3A_1263 : vector<16xf32>
      %add3A_1265 = arith.addf %add3A_1262, %mul3A_1264 : vector<16xf32>
      %mul3A_1266 = vector.broadcast %mul3A_1259 : f32 to vector<16xf32>
      %mul3A_1267 = arith.mulf %sub3A_165, %mul3A_1266 : vector<16xf32>
      %add3A_1268 = arith.addf %add3A_1265, %mul3A_1267 : vector<16xf32>
      %add3A_1269 = vector.broadcast %squeeze3A_1247 : f32 to vector<16xf32>
      %add3A_1270 = arith.addf %add3A_1268, %add3A_1269 : vector<16xf32>
      %min3A_1271 = arith.minimumf %min3A_1181, %add3A_1270 : vector<16xf32>
      %mul3A_1272 = vector.broadcast %mul3A_1251 : f32 to vector<16xf32>
      %mul3A_1273 = arith.mulf %sub3A_120, %mul3A_1272 : vector<16xf32>
      %add3A_1274 = arith.addf %add3A_95, %mul3A_1273 : vector<16xf32>
      %mul3A_1275 = vector.broadcast %mul3A_1255 : f32 to vector<16xf32>
      %mul3A_1276 = arith.mulf %sub3A_145, %mul3A_1275 : vector<16xf32>
      %add3A_1277 = arith.addf %add3A_1274, %mul3A_1276 : vector<16xf32>
      %mul3A_1278 = vector.broadcast %mul3A_1259 : f32 to vector<16xf32>
      %mul3A_1279 = arith.mulf %sub3A_170, %mul3A_1278 : vector<16xf32>
      %add3A_1280 = arith.addf %add3A_1277, %mul3A_1279 : vector<16xf32>
      %add3A_1281 = vector.broadcast %squeeze3A_1247 : f32 to vector<16xf32>
      %add3A_1282 = arith.addf %add3A_1280, %add3A_1281 : vector<16xf32>
      %min3A_1283 = arith.minimumf %min3A_1193, %add3A_1282 : vector<16xf32>
      %min3A_1284 = arith.minimumf %add3A_1268, %add3A_1280 : vector<16xf32>
      %mul3A_1285 = vector.broadcast %mul3A_1251 : f32 to vector<16xf32>
      %mul3A_1286 = arith.mulf %sub3A_125, %mul3A_1285 : vector<16xf32>
      %add3A_1287 = arith.addf %add3A_100, %mul3A_1286 : vector<16xf32>
      %mul3A_1288 = vector.broadcast %mul3A_1255 : f32 to vector<16xf32>
      %mul3A_1289 = arith.mulf %sub3A_150, %mul3A_1288 : vector<16xf32>
      %add3A_1290 = arith.addf %add3A_1287, %mul3A_1289 : vector<16xf32>
      %mul3A_1291 = vector.broadcast %mul3A_1259 : f32 to vector<16xf32>
      %mul3A_1292 = arith.mulf %sub3A_175, %mul3A_1291 : vector<16xf32>
      %add3A_1293 = arith.addf %add3A_1290, %mul3A_1292 : vector<16xf32>
      %add3A_1294 = vector.broadcast %squeeze3A_1247 : f32 to vector<16xf32>
      %add3A_1295 = arith.addf %add3A_1293, %add3A_1294 : vector<16xf32>
      %min3A_1296 = arith.minimumf %min3A_1206, %add3A_1295 : vector<16xf32>
      %min3A_1297 = arith.minimumf %min3A_1284, %add3A_1293 : vector<16xf32>
      %mul3A_1298 = vector.broadcast %mul3A_1251 : f32 to vector<16xf32>
      %mul3A_1299 = arith.mulf %sub3A_130, %mul3A_1298 : vector<16xf32>
      %add3A_1300 = arith.addf %add3A_105, %mul3A_1299 : vector<16xf32>
      %mul3A_1301 = vector.broadcast %mul3A_1255 : f32 to vector<16xf32>
      %mul3A_1302 = arith.mulf %sub3A_155, %mul3A_1301 : vector<16xf32>
      %add3A_1303 = arith.addf %add3A_1300, %mul3A_1302 : vector<16xf32>
      %mul3A_1304 = vector.broadcast %mul3A_1259 : f32 to vector<16xf32>
      %mul3A_1305 = arith.mulf %sub3A_180, %mul3A_1304 : vector<16xf32>
      %add3A_1306 = arith.addf %add3A_1303, %mul3A_1305 : vector<16xf32>
      %add3A_1307 = vector.broadcast %squeeze3A_1247 : f32 to vector<16xf32>
      %add3A_1308 = arith.addf %add3A_1306, %add3A_1307 : vector<16xf32>
      %min3A_1309 = arith.minimumf %min3A_1219, %add3A_1308 : vector<16xf32>
      %min3A_1310 = arith.minimumf %min3A_1297, %add3A_1306 : vector<16xf32>
      %mul3A_1311 = vector.broadcast %mul3A_1251 : f32 to vector<16xf32>
      %mul3A_1312 = arith.mulf %sub3A_135, %mul3A_1311 : vector<16xf32>
      %add3A_1313 = arith.addf %add3A_110, %mul3A_1312 : vector<16xf32>
      %mul3A_1314 = vector.broadcast %mul3A_1255 : f32 to vector<16xf32>
      %mul3A_1315 = arith.mulf %sub3A_160, %mul3A_1314 : vector<16xf32>
      %add3A_1316 = arith.addf %add3A_1313, %mul3A_1315 : vector<16xf32>
      %mul3A_1317 = vector.broadcast %mul3A_1259 : f32 to vector<16xf32>
      %mul3A_1318 = arith.mulf %sub3A_185, %mul3A_1317 : vector<16xf32>
      %add3A_1319 = arith.addf %add3A_1316, %mul3A_1318 : vector<16xf32>
      %add3A_1320 = vector.broadcast %squeeze3A_1247 : f32 to vector<16xf32>
      %add3A_1321 = arith.addf %add3A_1319, %add3A_1320 : vector<16xf32>
      %min3A_1322 = arith.minimumf %min3A_1232, %add3A_1321 : vector<16xf32>
      %min3A_1323 = arith.minimumf %min3A_1310, %add3A_1319 : vector<16xf32>
      %add3A_1324 = vector.broadcast %squeeze3A_1247 : f32 to vector<16xf32>
      %add3A_1325 = arith.addf %min3A_1323, %add3A_1324 : vector<16xf32>
      %add3A_1326 = arith.constant 11 : i32
      %add3A_1327 = arith.addi %mul3A_229, %add3A_1326 : i32
      %mul3A_1328 = arith.constant 16 : i32
      %mul3A_1329 = arith.muli %add3A_1327, %mul3A_1328 : i32
      %swap3A_1330 = arith.constant 0 : i32
      %swap3A_1331 = arith.index_cast %swap3A_1330 : i32 to index
      %swap3A_1332 = arith.index_cast %mul3A_1329 : i32 to index
      %swap3A_1333 = tpu.vector_load %arg16[%swap3A_1331, %swap3A_1332] {strides = array<i32>} : memref<1x65536xf32, #tpu.memory_space<vmem>>, vector<1x16xf32>,
      %swap3A_1334 = vector.shape_cast %swap3A_1333 : vector<1x16xf32> to vector<16xf32>
      %swap3A_1335 = vector.shape_cast %add3A_1325 : vector<16xf32> to vector<1x16xf32>
      tpu.vector_store %arg16[%swap3A_1331, %swap3A_1332], %swap3A_1335 {strides = array<i32>} : memref<1x65536xf32, #tpu.memory_space<vmem>>, vector<1x16xf32>,
      %slice3A_1336 = vector.extract_strided_slice %add3A_243 {offsets = [12], sizes = [1], strides = [1]} : vector<16xf32> to vector<1xf32>
      %squeeze3A_1337 = vector.extract %slice3A_1336[0] : f32 from vector<1xf32>
      %slice3A_1338 = vector.extract_strided_slice %sub3A_248 {offsets = [12], sizes = [1], strides = [1]} : vector<16xf32> to vector<1xf32>
      %squeeze3A_1339 = vector.extract %slice3A_1338[0] : f32 from vector<1xf32>
      %mul3A_1340 = arith.constant -2.000000e+00 : f32
      %mul3A_1341 = arith.mulf %mul3A_1340, %squeeze3A_1339 : f32
      %slice3A_1342 = vector.extract_strided_slice %sub3A_253 {offsets = [12], sizes = [1], strides = [1]} : vector<16xf32> to vector<1xf32>
      %squeeze3A_1343 = vector.extract %slice3A_1342[0] : f32 from vector<1xf32>
      %mul3A_1344 = arith.constant -2.000000e+00 : f32
      %mul3A_1345 = arith.mulf %mul3A_1344, %squeeze3A_1343 : f32
      %slice3A_1346 = vector.extract_strided_slice %sub3A_258 {offsets = [12], sizes = [1], strides = [1]} : vector<16xf32> to vector<1xf32>
      %squeeze3A_1347 = vector.extract %slice3A_1346[0] : f32 from vector<1xf32>
      %mul3A_1348 = arith.constant -2.000000e+00 : f32
      %mul3A_1349 = arith.mulf %mul3A_1348, %squeeze3A_1347 : f32
      %mul3A_1350 = vector.broadcast %mul3A_1341 : f32 to vector<16xf32>
      %mul3A_1351 = arith.mulf %sub3A_115, %mul3A_1350 : vector<16xf32>
      %add3A_1352 = arith.addf %add3A_90, %mul3A_1351 : vector<16xf32>
      %mul3A_1353 = vector.broadcast %mul3A_1345 : f32 to vector<16xf32>
      %mul3A_1354 = arith.mulf %sub3A_140, %mul3A_1353 : vector<16xf32>
      %add3A_1355 = arith.addf %add3A_1352, %mul3A_1354 : vector<16xf32>
      %mul3A_1356 = vector.broadcast %mul3A_1349 : f32 to vector<16xf32>
      %mul3A_1357 = arith.mulf %sub3A_165, %mul3A_1356 : vector<16xf32>
      %add3A_1358 = arith.addf %add3A_1355, %mul3A_1357 : vector<16xf32>
      %add3A_1359 = vector.broadcast %squeeze3A_1337 : f32 to vector<16xf32>
      %add3A_1360 = arith.addf %add3A_1358, %add3A_1359 : vector<16xf32>
      %min3A_1361 = arith.minimumf %min3A_1271, %add3A_1360 : vector<16xf32>
      %mul3A_1362 = vector.broadcast %mul3A_1341 : f32 to vector<16xf32>
      %mul3A_1363 = arith.mulf %sub3A_120, %mul3A_1362 : vector<16xf32>
      %add3A_1364 = arith.addf %add3A_95, %mul3A_1363 : vector<16xf32>
      %mul3A_1365 = vector.broadcast %mul3A_1345 : f32 to vector<16xf32>
      %mul3A_1366 = arith.mulf %sub3A_145, %mul3A_1365 : vector<16xf32>
      %add3A_1367 = arith.addf %add3A_1364, %mul3A_1366 : vector<16xf32>
      %mul3A_1368 = vector.broadcast %mul3A_1349 : f32 to vector<16xf32>
      %mul3A_1369 = arith.mulf %sub3A_170, %mul3A_1368 : vector<16xf32>
      %add3A_1370 = arith.addf %add3A_1367, %mul3A_1369 : vector<16xf32>
      %add3A_1371 = vector.broadcast %squeeze3A_1337 : f32 to vector<16xf32>
      %add3A_1372 = arith.addf %add3A_1370, %add3A_1371 : vector<16xf32>
      %min3A_1373 = arith.minimumf %min3A_1283, %add3A_1372 : vector<16xf32>
      %min3A_1374 = arith.minimumf %add3A_1358, %add3A_1370 : vector<16xf32>
      %mul3A_1375 = vector.broadcast %mul3A_1341 : f32 to vector<16xf32>
      %mul3A_1376 = arith.mulf %sub3A_125, %mul3A_1375 : vector<16xf32>
      %add3A_1377 = arith.addf %add3A_100, %mul3A_1376 : vector<16xf32>
      %mul3A_1378 = vector.broadcast %mul3A_1345 : f32 to vector<16xf32>
      %mul3A_1379 = arith.mulf %sub3A_150, %mul3A_1378 : vector<16xf32>
      %add3A_1380 = arith.addf %add3A_1377, %mul3A_1379 : vector<16xf32>
      %mul3A_1381 = vector.broadcast %mul3A_1349 : f32 to vector<16xf32>
      %mul3A_1382 = arith.mulf %sub3A_175, %mul3A_1381 : vector<16xf32>
      %add3A_1383 = arith.addf %add3A_1380, %mul3A_1382 : vector<16xf32>
      %add3A_1384 = vector.broadcast %squeeze3A_1337 : f32 to vector<16xf32>
      %add3A_1385 = arith.addf %add3A_1383, %add3A_1384 : vector<16xf32>
      %min3A_1386 = arith.minimumf %min3A_1296, %add3A_1385 : vector<16xf32>
      %min3A_1387 = arith.minimumf %min3A_1374, %add3A_1383 : vector<16xf32>
      %mul3A_1388 = vector.broadcast %mul3A_1341 : f32 to vector<16xf32>
      %mul3A_1389 = arith.mulf %sub3A_130, %mul3A_1388 : vector<16xf32>
      %add3A_1390 = arith.addf %add3A_105, %mul3A_1389 : vector<16xf32>
      %mul3A_1391 = vector.broadcast %mul3A_1345 : f32 to vector<16xf32>
      %mul3A_1392 = arith.mulf %sub3A_155, %mul3A_1391 : vector<16xf32>
      %add3A_1393 = arith.addf %add3A_1390, %mul3A_1392 : vector<16xf32>
      %mul3A_1394 = vector.broadcast %mul3A_1349 : f32 to vector<16xf32>
      %mul3A_1395 = arith.mulf %sub3A_180, %mul3A_1394 : vector<16xf32>
      %add3A_1396 = arith.addf %add3A_1393, %mul3A_1395 : vector<16xf32>
      %add3A_1397 = vector.broadcast %squeeze3A_1337 : f32 to vector<16xf32>
      %add3A_1398 = arith.addf %add3A_1396, %add3A_1397 : vector<16xf32>
      %min3A_1399 = arith.minimumf %min3A_1309, %add3A_1398 : vector<16xf32>
      %min3A_1400 = arith.minimumf %min3A_1387, %add3A_1396 : vector<16xf32>
      %mul3A_1401 = vector.broadcast %mul3A_1341 : f32 to vector<16xf32>
      %mul3A_1402 = arith.mulf %sub3A_135, %mul3A_1401 : vector<16xf32>
      %add3A_1403 = arith.addf %add3A_110, %mul3A_1402 : vector<16xf32>
      %mul3A_1404 = vector.broadcast %mul3A_1345 : f32 to vector<16xf32>
      %mul3A_1405 = arith.mulf %sub3A_160, %mul3A_1404 : vector<16xf32>
      %add3A_1406 = arith.addf %add3A_1403, %mul3A_1405 : vector<16xf32>
      %mul3A_1407 = vector.broadcast %mul3A_1349 : f32 to vector<16xf32>
      %mul3A_1408 = arith.mulf %sub3A_185, %mul3A_1407 : vector<16xf32>
      %add3A_1409 = arith.addf %add3A_1406, %mul3A_1408 : vector<16xf32>
      %add3A_1410 = vector.broadcast %squeeze3A_1337 : f32 to vector<16xf32>
      %add3A_1411 = arith.addf %add3A_1409, %add3A_1410 : vector<16xf32>
      %min3A_1412 = arith.minimumf %min3A_1322, %add3A_1411 : vector<16xf32>
      %min3A_1413 = arith.minimumf %min3A_1400, %add3A_1409 : vector<16xf32>
      %add3A_1414 = vector.broadcast %squeeze3A_1337 : f32 to vector<16xf32>
      %add3A_1415 = arith.addf %min3A_1413, %add3A_1414 : vector<16xf32>
      %add3A_1416 = arith.constant 12 : i32
      %add3A_1417 = arith.addi %mul3A_229, %add3A_1416 : i32
      %mul3A_1418 = arith.constant 16 : i32
      %mul3A_1419 = arith.muli %add3A_1417, %mul3A_1418 : i32
      %swap3A_1420 = arith.constant 0 : i32
      %swap3A_1421 = arith.index_cast %swap3A_1420 : i32 to index
      %swap3A_1422 = arith.index_cast %mul3A_1419 : i32 to index
      %swap3A_1423 = tpu.vector_load %arg16[%swap3A_1421, %swap3A_1422] {strides = array<i32>} : memref<1x65536xf32, #tpu.memory_space<vmem>>, vector<1x16xf32>,
      %swap3A_1424 = vector.shape_cast %swap3A_1423 : vector<1x16xf32> to vector<16xf32>
      %swap3A_1425 = vector.shape_cast %add3A_1415 : vector<16xf32> to vector<1x16xf32>
      tpu.vector_store %arg16[%swap3A_1421, %swap3A_1422], %swap3A_1425 {strides = array<i32>} : memref<1x65536xf32, #tpu.memory_space<vmem>>, vector<1x16xf32>,
      %slice3A_1426 = vector.extract_strided_slice %add3A_243 {offsets = [13], sizes = [1], strides = [1]} : vector<16xf32> to vector<1xf32>
      %squeeze3A_1427 = vector.extract %slice3A_1426[0] : f32 from vector<1xf32>
      %slice3A_1428 = vector.extract_strided_slice %sub3A_248 {offsets = [13], sizes = [1], strides = [1]} : vector<16xf32> to vector<1xf32>
      %squeeze3A_1429 = vector.extract %slice3A_1428[0] : f32 from vector<1xf32>
      %mul3A_1430 = arith.constant -2.000000e+00 : f32
      %mul3A_1431 = arith.mulf %mul3A_1430, %squeeze3A_1429 : f32
      %slice3A_1432 = vector.extract_strided_slice %sub3A_253 {offsets = [13], sizes = [1], strides = [1]} : vector<16xf32> to vector<1xf32>
      %squeeze3A_1433 = vector.extract %slice3A_1432[0] : f32 from vector<1xf32>
      %mul3A_1434 = arith.constant -2.000000e+00 : f32
      %mul3A_1435 = arith.mulf %mul3A_1434, %squeeze3A_1433 : f32
      %slice3A_1436 = vector.extract_strided_slice %sub3A_258 {offsets = [13], sizes = [1], strides = [1]} : vector<16xf32> to vector<1xf32>
      %squeeze3A_1437 = vector.extract %slice3A_1436[0] : f32 from vector<1xf32>
      %mul3A_1438 = arith.constant -2.000000e+00 : f32
      %mul3A_1439 = arith.mulf %mul3A_1438, %squeeze3A_1437 : f32
      %mul3A_1440 = vector.broadcast %mul3A_1431 : f32 to vector<16xf32>
      %mul3A_1441 = arith.mulf %sub3A_115, %mul3A_1440 : vector<16xf32>
      %add3A_1442 = arith.addf %add3A_90, %mul3A_1441 : vector<16xf32>
      %mul3A_1443 = vector.broadcast %mul3A_1435 : f32 to vector<16xf32>
      %mul3A_1444 = arith.mulf %sub3A_140, %mul3A_1443 : vector<16xf32>
      %add3A_1445 = arith.addf %add3A_1442, %mul3A_1444 : vector<16xf32>
      %mul3A_1446 = vector.broadcast %mul3A_1439 : f32 to vector<16xf32>
      %mul3A_1447 = arith.mulf %sub3A_165, %mul3A_1446 : vector<16xf32>
      %add3A_1448 = arith.addf %add3A_1445, %mul3A_1447 : vector<16xf32>
      %add3A_1449 = vector.broadcast %squeeze3A_1427 : f32 to vector<16xf32>
      %add3A_1450 = arith.addf %add3A_1448, %add3A_1449 : vector<16xf32>
      %min3A_1451 = arith.minimumf %min3A_1361, %add3A_1450 : vector<16xf32>
      %mul3A_1452 = vector.broadcast %mul3A_1431 : f32 to vector<16xf32>
      %mul3A_1453 = arith.mulf %sub3A_120, %mul3A_1452 : vector<16xf32>
      %add3A_1454 = arith.addf %add3A_95, %mul3A_1453 : vector<16xf32>
      %mul3A_1455 = vector.broadcast %mul3A_1435 : f32 to vector<16xf32>
      %mul3A_1456 = arith.mulf %sub3A_145, %mul3A_1455 : vector<16xf32>
      %add3A_1457 = arith.addf %add3A_1454, %mul3A_1456 : vector<16xf32>
      %mul3A_1458 = vector.broadcast %mul3A_1439 : f32 to vector<16xf32>
      %mul3A_1459 = arith.mulf %sub3A_170, %mul3A_1458 : vector<16xf32>
      %add3A_1460 = arith.addf %add3A_1457, %mul3A_1459 : vector<16xf32>
      %add3A_1461 = vector.broadcast %squeeze3A_1427 : f32 to vector<16xf32>
      %add3A_1462 = arith.addf %add3A_1460, %add3A_1461 : vector<16xf32>
      %min3A_1463 = arith.minimumf %min3A_1373, %add3A_1462 : vector<16xf32>
      %min3A_1464 = arith.minimumf %add3A_1448, %add3A_1460 : vector<16xf32>
      %mul3A_1465 = vector.broadcast %mul3A_1431 : f32 to vector<16xf32>
      %mul3A_1466 = arith.mulf %sub3A_125, %mul3A_1465 : vector<16xf32>
      %add3A_1467 = arith.addf %add3A_100, %mul3A_1466 : vector<16xf32>
      %mul3A_1468 = vector.broadcast %mul3A_1435 : f32 to vector<16xf32>
      %mul3A_1469 = arith.mulf %sub3A_150, %mul3A_1468 : vector<16xf32>
      %add3A_1470 = arith.addf %add3A_1467, %mul3A_1469 : vector<16xf32>
      %mul3A_1471 = vector.broadcast %mul3A_1439 : f32 to vector<16xf32>
      %mul3A_1472 = arith.mulf %sub3A_175, %mul3A_1471 : vector<16xf32>
      %add3A_1473 = arith.addf %add3A_1470, %mul3A_1472 : vector<16xf32>
      %add3A_1474 = vector.broadcast %squeeze3A_1427 : f32 to vector<16xf32>
      %add3A_1475 = arith.addf %add3A_1473, %add3A_1474 : vector<16xf32>
      %min3A_1476 = arith.minimumf %min3A_1386, %add3A_1475 : vector<16xf32>
      %min3A_1477 = arith.minimumf %min3A_1464, %add3A_1473 : vector<16xf32>
      %mul3A_1478 = vector.broadcast %mul3A_1431 : f32 to vector<16xf32>
      %mul3A_1479 = arith.mulf %sub3A_130, %mul3A_1478 : vector<16xf32>
      %add3A_1480 = arith.addf %add3A_105, %mul3A_1479 : vector<16xf32>
      %mul3A_1481 = vector.broadcast %mul3A_1435 : f32 to vector<16xf32>
      %mul3A_1482 = arith.mulf %sub3A_155, %mul3A_1481 : vector<16xf32>
      %add3A_1483 = arith.addf %add3A_1480, %mul3A_1482 : vector<16xf32>
      %mul3A_1484 = vector.broadcast %mul3A_1439 : f32 to vector<16xf32>
      %mul3A_1485 = arith.mulf %sub3A_180, %mul3A_1484 : vector<16xf32>
      %add3A_1486 = arith.addf %add3A_1483, %mul3A_1485 : vector<16xf32>
      %add3A_1487 = vector.broadcast %squeeze3A_1427 : f32 to vector<16xf32>
      %add3A_1488 = arith.addf %add3A_1486, %add3A_1487 : vector<16xf32>
      %min3A_1489 = arith.minimumf %min3A_1399, %add3A_1488 : vector<16xf32>
      %min3A_1490 = arith.minimumf %min3A_1477, %add3A_1486 : vector<16xf32>
      %mul3A_1491 = vector.broadcast %mul3A_1431 : f32 to vector<16xf32>
      %mul3A_1492 = arith.mulf %sub3A_135, %mul3A_1491 : vector<16xf32>
      %add3A_1493 = arith.addf %add3A_110, %mul3A_1492 : vector<16xf32>
      %mul3A_1494 = vector.broadcast %mul3A_1435 : f32 to vector<16xf32>
      %mul3A_1495 = arith.mulf %sub3A_160, %mul3A_1494 : vector<16xf32>
      %add3A_1496 = arith.addf %add3A_1493, %mul3A_1495 : vector<16xf32>
      %mul3A_1497 = vector.broadcast %mul3A_1439 : f32 to vector<16xf32>
      %mul3A_1498 = arith.mulf %sub3A_185, %mul3A_1497 : vector<16xf32>
      %add3A_1499 = arith.addf %add3A_1496, %mul3A_1498 : vector<16xf32>
      %add3A_1500 = vector.broadcast %squeeze3A_1427 : f32 to vector<16xf32>
      %add3A_1501 = arith.addf %add3A_1499, %add3A_1500 : vector<16xf32>
      %min3A_1502 = arith.minimumf %min3A_1412, %add3A_1501 : vector<16xf32>
      %min3A_1503 = arith.minimumf %min3A_1490, %add3A_1499 : vector<16xf32>
      %add3A_1504 = vector.broadcast %squeeze3A_1427 : f32 to vector<16xf32>
      %add3A_1505 = arith.addf %min3A_1503, %add3A_1504 : vector<16xf32>
      %add3A_1506 = arith.constant 13 : i32
      %add3A_1507 = arith.addi %mul3A_229, %add3A_1506 : i32
      %mul3A_1508 = arith.constant 16 : i32
      %mul3A_1509 = arith.muli %add3A_1507, %mul3A_1508 : i32
      %swap3A_1510 = arith.constant 0 : i32
      %swap3A_1511 = arith.index_cast %swap3A_1510 : i32 to index
      %swap3A_1512 = arith.index_cast %mul3A_1509 : i32 to index
      %swap3A_1513 = tpu.vector_load %arg16[%swap3A_1511, %swap3A_1512] {strides = array<i32>} : memref<1x65536xf32, #tpu.memory_space<vmem>>, vector<1x16xf32>,
      %swap3A_1514 = vector.shape_cast %swap3A_1513 : vector<1x16xf32> to vector<16xf32>
      %swap3A_1515 = vector.shape_cast %add3A_1505 : vector<16xf32> to vector<1x16xf32>
      tpu.vector_store %arg16[%swap3A_1511, %swap3A_1512], %swap3A_1515 {strides = array<i32>} : memref<1x65536xf32, #tpu.memory_space<vmem>>, vector<1x16xf32>,
      %slice3A_1516 = vector.extract_strided_slice %add3A_243 {offsets = [14], sizes = [1], strides = [1]} : vector<16xf32> to vector<1xf32>
      %squeeze3A_1517 = vector.extract %slice3A_1516[0] : f32 from vector<1xf32>
      %slice3A_1518 = vector.extract_strided_slice %sub3A_248 {offsets = [14], sizes = [1], strides = [1]} : vector<16xf32> to vector<1xf32>
      %squeeze3A_1519 = vector.extract %slice3A_1518[0] : f32 from vector<1xf32>
      %mul3A_1520 = arith.constant -2.000000e+00 : f32
      %mul3A_1521 = arith.mulf %mul3A_1520, %squeeze3A_1519 : f32
      %slice3A_1522 = vector.extract_strided_slice %sub3A_253 {offsets = [14], sizes = [1], strides = [1]} : vector<16xf32> to vector<1xf32>
      %squeeze3A_1523 = vector.extract %slice3A_1522[0] : f32 from vector<1xf32>
      %mul3A_1524 = arith.constant -2.000000e+00 : f32
      %mul3A_1525 = arith.mulf %mul3A_1524, %squeeze3A_1523 : f32
      %slice3A_1526 = vector.extract_strided_slice %sub3A_258 {offsets = [14], sizes = [1], strides = [1]} : vector<16xf32> to vector<1xf32>
      %squeeze3A_1527 = vector.extract %slice3A_1526[0] : f32 from vector<1xf32>
      %mul3A_1528 = arith.constant -2.000000e+00 : f32
      %mul3A_1529 = arith.mulf %mul3A_1528, %squeeze3A_1527 : f32
      %mul3A_1530 = vector.broadcast %mul3A_1521 : f32 to vector<16xf32>
      %mul3A_1531 = arith.mulf %sub3A_115, %mul3A_1530 : vector<16xf32>
      %add3A_1532 = arith.addf %add3A_90, %mul3A_1531 : vector<16xf32>
      %mul3A_1533 = vector.broadcast %mul3A_1525 : f32 to vector<16xf32>
      %mul3A_1534 = arith.mulf %sub3A_140, %mul3A_1533 : vector<16xf32>
      %add3A_1535 = arith.addf %add3A_1532, %mul3A_1534 : vector<16xf32>
      %mul3A_1536 = vector.broadcast %mul3A_1529 : f32 to vector<16xf32>
      %mul3A_1537 = arith.mulf %sub3A_165, %mul3A_1536 : vector<16xf32>
      %add3A_1538 = arith.addf %add3A_1535, %mul3A_1537 : vector<16xf32>
      %add3A_1539 = vector.broadcast %squeeze3A_1517 : f32 to vector<16xf32>
      %add3A_1540 = arith.addf %add3A_1538, %add3A_1539 : vector<16xf32>
      %min3A_1541 = arith.minimumf %min3A_1451, %add3A_1540 : vector<16xf32>
      %mul3A_1542 = vector.broadcast %mul3A_1521 : f32 to vector<16xf32>
      %mul3A_1543 = arith.mulf %sub3A_120, %mul3A_1542 : vector<16xf32>
      %add3A_1544 = arith.addf %add3A_95, %mul3A_1543 : vector<16xf32>
      %mul3A_1545 = vector.broadcast %mul3A_1525 : f32 to vector<16xf32>
      %mul3A_1546 = arith.mulf %sub3A_145, %mul3A_1545 : vector<16xf32>
      %add3A_1547 = arith.addf %add3A_1544, %mul3A_1546 : vector<16xf32>
      %mul3A_1548 = vector.broadcast %mul3A_1529 : f32 to vector<16xf32>
      %mul3A_1549 = arith.mulf %sub3A_170, %mul3A_1548 : vector<16xf32>
      %add3A_1550 = arith.addf %add3A_1547, %mul3A_1549 : vector<16xf32>
      %add3A_1551 = vector.broadcast %squeeze3A_1517 : f32 to vector<16xf32>
      %add3A_1552 = arith.addf %add3A_1550, %add3A_1551 : vector<16xf32>
      %min3A_1553 = arith.minimumf %min3A_1463, %add3A_1552 : vector<16xf32>
      %min3A_1554 = arith.minimumf %add3A_1538, %add3A_1550 : vector<16xf32>
      %mul3A_1555 = vector.broadcast %mul3A_1521 : f32 to vector<16xf32>
      %mul3A_1556 = arith.mulf %sub3A_125, %mul3A_1555 : vector<16xf32>
      %add3A_1557 = arith.addf %add3A_100, %mul3A_1556 : vector<16xf32>
      %mul3A_1558 = vector.broadcast %mul3A_1525 : f32 to vector<16xf32>
      %mul3A_1559 = arith.mulf %sub3A_150, %mul3A_1558 : vector<16xf32>
      %add3A_1560 = arith.addf %add3A_1557, %mul3A_1559 : vector<16xf32>
      %mul3A_1561 = vector.broadcast %mul3A_1529 : f32 to vector<16xf32>
      %mul3A_1562 = arith.mulf %sub3A_175, %mul3A_1561 : vector<16xf32>
      %add3A_1563 = arith.addf %add3A_1560, %mul3A_1562 : vector<16xf32>
      %add3A_1564 = vector.broadcast %squeeze3A_1517 : f32 to vector<16xf32>
      %add3A_1565 = arith.addf %add3A_1563, %add3A_1564 : vector<16xf32>
      %min3A_1566 = arith.minimumf %min3A_1476, %add3A_1565 : vector<16xf32>
      %min3A_1567 = arith.minimumf %min3A_1554, %add3A_1563 : vector<16xf32>
      %mul3A_1568 = vector.broadcast %mul3A_1521 : f32 to vector<16xf32>
      %mul3A_1569 = arith.mulf %sub3A_130, %mul3A_1568 : vector<16xf32>
      %add3A_1570 = arith.addf %add3A_105, %mul3A_1569 : vector<16xf32>
      %mul3A_1571 = vector.broadcast %mul3A_1525 : f32 to vector<16xf32>
      %mul3A_1572 = arith.mulf %sub3A_155, %mul3A_1571 : vector<16xf32>
      %add3A_1573 = arith.addf %add3A_1570, %mul3A_1572 : vector<16xf32>
      %mul3A_1574 = vector.broadcast %mul3A_1529 : f32 to vector<16xf32>
      %mul3A_1575 = arith.mulf %sub3A_180, %mul3A_1574 : vector<16xf32>
      %add3A_1576 = arith.addf %add3A_1573, %mul3A_1575 : vector<16xf32>
      %add3A_1577 = vector.broadcast %squeeze3A_1517 : f32 to vector<16xf32>
      %add3A_1578 = arith.addf %add3A_1576, %add3A_1577 : vector<16xf32>
      %min3A_1579 = arith.minimumf %min3A_1489, %add3A_1578 : vector<16xf32>
      %min3A_1580 = arith.minimumf %min3A_1567, %add3A_1576 : vector<16xf32>
      %mul3A_1581 = vector.broadcast %mul3A_1521 : f32 to vector<16xf32>
      %mul3A_1582 = arith.mulf %sub3A_135, %mul3A_1581 : vector<16xf32>
      %add3A_1583 = arith.addf %add3A_110, %mul3A_1582 : vector<16xf32>
      %mul3A_1584 = vector.broadcast %mul3A_1525 : f32 to vector<16xf32>
      %mul3A_1585 = arith.mulf %sub3A_160, %mul3A_1584 : vector<16xf32>
      %add3A_1586 = arith.addf %add3A_1583, %mul3A_1585 : vector<16xf32>
      %mul3A_1587 = vector.broadcast %mul3A_1529 : f32 to vector<16xf32>
      %mul3A_1588 = arith.mulf %sub3A_185, %mul3A_1587 : vector<16xf32>
      %add3A_1589 = arith.addf %add3A_1586, %mul3A_1588 : vector<16xf32>
      %add3A_1590 = vector.broadcast %squeeze3A_1517 : f32 to vector<16xf32>
      %add3A_1591 = arith.addf %add3A_1589, %add3A_1590 : vector<16xf32>
      %min3A_1592 = arith.minimumf %min3A_1502, %add3A_1591 : vector<16xf32>
      %min3A_1593 = arith.minimumf %min3A_1580, %add3A_1589 : vector<16xf32>
      %add3A_1594 = vector.broadcast %squeeze3A_1517 : f32 to vector<16xf32>
      %add3A_1595 = arith.addf %min3A_1593, %add3A_1594 : vector<16xf32>
      %add3A_1596 = arith.constant 14 : i32
      %add3A_1597 = arith.addi %mul3A_229, %add3A_1596 : i32
      %mul3A_1598 = arith.constant 16 : i32
      %mul3A_1599 = arith.muli %add3A_1597, %mul3A_1598 : i32
      %swap3A_1600 = arith.constant 0 : i32
      %swap3A_1601 = arith.index_cast %swap3A_1600 : i32 to index
      %swap3A_1602 = arith.index_cast %mul3A_1599 : i32 to index
      %swap3A_1603 = tpu.vector_load %arg16[%swap3A_1601, %swap3A_1602] {strides = array<i32>} : memref<1x65536xf32, #tpu.memory_space<vmem>>, vector<1x16xf32>,
      %swap3A_1604 = vector.shape_cast %swap3A_1603 : vector<1x16xf32> to vector<16xf32>
      %swap3A_1605 = vector.shape_cast %add3A_1595 : vector<16xf32> to vector<1x16xf32>
      tpu.vector_store %arg16[%swap3A_1601, %swap3A_1602], %swap3A_1605 {strides = array<i32>} : memref<1x65536xf32, #tpu.memory_space<vmem>>, vector<1x16xf32>,
      %slice3A_1606 = vector.extract_strided_slice %add3A_243 {offsets = [15], sizes = [1], strides = [1]} : vector<16xf32> to vector<1xf32>
      %squeeze3A_1607 = vector.extract %slice3A_1606[0] : f32 from vector<1xf32>
      %slice3A_1608 = vector.extract_strided_slice %sub3A_248 {offsets = [15], sizes = [1], strides = [1]} : vector<16xf32> to vector<1xf32>
      %squeeze3A_1609 = vector.extract %slice3A_1608[0] : f32 from vector<1xf32>
      %mul3A_1610 = arith.constant -2.000000e+00 : f32
      %mul3A_1611 = arith.mulf %mul3A_1610, %squeeze3A_1609 : f32
      %slice3A_1612 = vector.extract_strided_slice %sub3A_253 {offsets = [15], sizes = [1], strides = [1]} : vector<16xf32> to vector<1xf32>
      %squeeze3A_1613 = vector.extract %slice3A_1612[0] : f32 from vector<1xf32>
      %mul3A_1614 = arith.constant -2.000000e+00 : f32
      %mul3A_1615 = arith.mulf %mul3A_1614, %squeeze3A_1613 : f32
      %slice3A_1616 = vector.extract_strided_slice %sub3A_258 {offsets = [15], sizes = [1], strides = [1]} : vector<16xf32> to vector<1xf32>
      %squeeze3A_1617 = vector.extract %slice3A_1616[0] : f32 from vector<1xf32>
      %mul3A_1618 = arith.constant -2.000000e+00 : f32
      %mul3A_1619 = arith.mulf %mul3A_1618, %squeeze3A_1617 : f32
      %mul3A_1620 = vector.broadcast %mul3A_1611 : f32 to vector<16xf32>
      %mul3A_1621 = arith.mulf %sub3A_115, %mul3A_1620 : vector<16xf32>
      %add3A_1622 = arith.addf %add3A_90, %mul3A_1621 : vector<16xf32>
      %mul3A_1623 = vector.broadcast %mul3A_1615 : f32 to vector<16xf32>
      %mul3A_1624 = arith.mulf %sub3A_140, %mul3A_1623 : vector<16xf32>
      %add3A_1625 = arith.addf %add3A_1622, %mul3A_1624 : vector<16xf32>
      %mul3A_1626 = vector.broadcast %mul3A_1619 : f32 to vector<16xf32>
      %mul3A_1627 = arith.mulf %sub3A_165, %mul3A_1626 : vector<16xf32>
      %add3A_1628 = arith.addf %add3A_1625, %mul3A_1627 : vector<16xf32>
      %add3A_1629 = vector.broadcast %squeeze3A_1607 : f32 to vector<16xf32>
      %add3A_1630 = arith.addf %add3A_1628, %add3A_1629 : vector<16xf32>
      %min3A_1631 = arith.minimumf %min3A_1541, %add3A_1630 : vector<16xf32>
      %mul3A_1632 = vector.broadcast %mul3A_1611 : f32 to vector<16xf32>
      %mul3A_1633 = arith.mulf %sub3A_120, %mul3A_1632 : vector<16xf32>
      %add3A_1634 = arith.addf %add3A_95, %mul3A_1633 : vector<16xf32>
      %mul3A_1635 = vector.broadcast %mul3A_1615 : f32 to vector<16xf32>
      %mul3A_1636 = arith.mulf %sub3A_145, %mul3A_1635 : vector<16xf32>
      %add3A_1637 = arith.addf %add3A_1634, %mul3A_1636 : vector<16xf32>
      %mul3A_1638 = vector.broadcast %mul3A_1619 : f32 to vector<16xf32>
      %mul3A_1639 = arith.mulf %sub3A_170, %mul3A_1638 : vector<16xf32>
      %add3A_1640 = arith.addf %add3A_1637, %mul3A_1639 : vector<16xf32>
      %add3A_1641 = vector.broadcast %squeeze3A_1607 : f32 to vector<16xf32>
      %add3A_1642 = arith.addf %add3A_1640, %add3A_1641 : vector<16xf32>
      %min3A_1643 = arith.minimumf %min3A_1553, %add3A_1642 : vector<16xf32>
      %min3A_1644 = arith.minimumf %add3A_1628, %add3A_1640 : vector<16xf32>
      %mul3A_1645 = vector.broadcast %mul3A_1611 : f32 to vector<16xf32>
      %mul3A_1646 = arith.mulf %sub3A_125, %mul3A_1645 : vector<16xf32>
      %add3A_1647 = arith.addf %add3A_100, %mul3A_1646 : vector<16xf32>
      %mul3A_1648 = vector.broadcast %mul3A_1615 : f32 to vector<16xf32>
      %mul3A_1649 = arith.mulf %sub3A_150, %mul3A_1648 : vector<16xf32>
      %add3A_1650 = arith.addf %add3A_1647, %mul3A_1649 : vector<16xf32>
      %mul3A_1651 = vector.broadcast %mul3A_1619 : f32 to vector<16xf32>
      %mul3A_1652 = arith.mulf %sub3A_175, %mul3A_1651 : vector<16xf32>
      %add3A_1653 = arith.addf %add3A_1650, %mul3A_1652 : vector<16xf32>
      %add3A_1654 = vector.broadcast %squeeze3A_1607 : f32 to vector<16xf32>
      %add3A_1655 = arith.addf %add3A_1653, %add3A_1654 : vector<16xf32>
      %min3A_1656 = arith.minimumf %min3A_1566, %add3A_1655 : vector<16xf32>
      %min3A_1657 = arith.minimumf %min3A_1644, %add3A_1653 : vector<16xf32>
      %mul3A_1658 = vector.broadcast %mul3A_1611 : f32 to vector<16xf32>
      %mul3A_1659 = arith.mulf %sub3A_130, %mul3A_1658 : vector<16xf32>
      %add3A_1660 = arith.addf %add3A_105, %mul3A_1659 : vector<16xf32>
      %mul3A_1661 = vector.broadcast %mul3A_1615 : f32 to vector<16xf32>
      %mul3A_1662 = arith.mulf %sub3A_155, %mul3A_1661 : vector<16xf32>
      %add3A_1663 = arith.addf %add3A_1660, %mul3A_1662 : vector<16xf32>
      %mul3A_1664 = vector.broadcast %mul3A_1619 : f32 to vector<16xf32>
      %mul3A_1665 = arith.mulf %sub3A_180, %mul3A_1664 : vector<16xf32>
      %add3A_1666 = arith.addf %add3A_1663, %mul3A_1665 : vector<16xf32>
      %add3A_1667 = vector.broadcast %squeeze3A_1607 : f32 to vector<16xf32>
      %add3A_1668 = arith.addf %add3A_1666, %add3A_1667 : vector<16xf32>
      %min3A_1669 = arith.minimumf %min3A_1579, %add3A_1668 : vector<16xf32>
      %min3A_1670 = arith.minimumf %min3A_1657, %add3A_1666 : vector<16xf32>
      %mul3A_1671 = vector.broadcast %mul3A_1611 : f32 to vector<16xf32>
      %mul3A_1672 = arith.mulf %sub3A_135, %mul3A_1671 : vector<16xf32>
      %add3A_1673 = arith.addf %add3A_110, %mul3A_1672 : vector<16xf32>
      %mul3A_1674 = vector.broadcast %mul3A_1615 : f32 to vector<16xf32>
      %mul3A_1675 = arith.mulf %sub3A_160, %mul3A_1674 : vector<16xf32>
      %add3A_1676 = arith.addf %add3A_1673, %mul3A_1675 : vector<16xf32>
      %mul3A_1677 = vector.broadcast %mul3A_1619 : f32 to vector<16xf32>
      %mul3A_1678 = arith.mulf %sub3A_185, %mul3A_1677 : vector<16xf32>
      %add3A_1679 = arith.addf %add3A_1676, %mul3A_1678 : vector<16xf32>
      %add3A_1680 = vector.broadcast %squeeze3A_1607 : f32 to vector<16xf32>
      %add3A_1681 = arith.addf %add3A_1679, %add3A_1680 : vector<16xf32>
      %min3A_1682 = arith.minimumf %min3A_1592, %add3A_1681 : vector<16xf32>
      %min3A_1683 = arith.minimumf %min3A_1670, %add3A_1679 : vector<16xf32>
      %add3A_1684 = vector.broadcast %squeeze3A_1607 : f32 to vector<16xf32>
      %add3A_1685 = arith.addf %min3A_1683, %add3A_1684 : vector<16xf32>
      %add3A_1686 = arith.constant 15 : i32
      %add3A_1687 = arith.addi %mul3A_229, %add3A_1686 : i32
      %mul3A_1688 = arith.constant 16 : i32
      %mul3A_1689 = arith.muli %add3A_1687, %mul3A_1688 : i32
      %swap3A_1690 = arith.constant 0 : i32
      %swap3A_1691 = arith.index_cast %swap3A_1690 : i32 to index
      %swap3A_1692 = arith.index_cast %mul3A_1689 : i32 to index
      %swap3A_1693 = tpu.vector_load %arg16[%swap3A_1691, %swap3A_1692] {strides = array<i32>} : memref<1x65536xf32, #tpu.memory_space<vmem>>, vector<1x16xf32>,
      %swap3A_1694 = vector.shape_cast %swap3A_1693 : vector<1x16xf32> to vector<16xf32>
      %swap3A_1695 = vector.shape_cast %add3A_1685 : vector<16xf32> to vector<1x16xf32>
      tpu.vector_store %arg16[%swap3A_1691, %swap3A_1692], %swap3A_1695 {strides = array<i32>} : memref<1x65536xf32, #tpu.memory_space<vmem>>, vector<1x16xf32>,
      scf.yield %min3A_1631, %min3A_1643, %min3A_1656, %min3A_1669, %min3A_1682 : vector<16xf32>, vector<16xf32>, vector<16xf32>, vector<16xf32>, vector<16xf32>
    }
    %scan3A_199 = arith.constant 256 : i32
    %swap3A = arith.constant 0 : index
    %swap3A_200 = tpu.vector_load %arg17[%swap3A] {strides = array<i32>} : memref<80xf32, #tpu.memory_space<vmem>>, vector<16xf32>,
    %swap3A_201 = vector.shape_cast %swap3A_200 : vector<16xf32> to vector<16xf32>
    %swap3A_202 = vector.shape_cast %scan3A_198#0 : vector<16xf32> to vector<16xf32>
    tpu.vector_store %arg17[%swap3A], %swap3A_202 {strides = array<i32>} : memref<80xf32, #tpu.memory_space<vmem>>, vector<16xf32>,
    %swap3A_203 = arith.constant 16 : index
    %swap3A_204 = tpu.vector_load %arg17[%swap3A_203] {strides = array<i32>} : memref<80xf32, #tpu.memory_space<vmem>>, vector<16xf32>,
    %swap3A_205 = vector.shape_cast %swap3A_204 : vector<16xf32> to vector<16xf32>
    %swap3A_206 = vector.shape_cast %scan3A_198#1 : vector<16xf32> to vector<16xf32>
    tpu.vector_store %arg17[%swap3A_203], %swap3A_206 {strides = array<i32>} : memref<80xf32, #tpu.memory_space<vmem>>, vector<16xf32>,
    %swap3A_207 = arith.constant 32 : index
    %swap3A_208 = tpu.vector_load %arg17[%swap3A_207] {strides = array<i32>} : memref<80xf32, #tpu.memory_space<vmem>>, vector<16xf32>,
    %swap3A_209 = vector.shape_cast %swap3A_208 : vector<16xf32> to vector<16xf32>
    %swap3A_210 = vector.shape_cast %scan3A_198#2 : vector<16xf32> to vector<16xf32>
    tpu.vector_store %arg17[%swap3A_207], %swap3A_210 {strides = array<i32>} : memref<80xf32, #tpu.memory_space<vmem>>, vector<16xf32>,
    %swap3A_211 = arith.constant 48 : index
    %swap3A_212 = tpu.vector_load %arg17[%swap3A_211] {strides = array<i32>} : memref<80xf32, #tpu.memory_space<vmem>>, vector<16xf32>,
    %swap3A_213 = vector.shape_cast %swap3A_212 : vector<16xf32> to vector<16xf32>
    %swap3A_214 = vector.shape_cast %scan3A_198#3 : vector<16xf32> to vector<16xf32>
    tpu.vector_store %arg17[%swap3A_211], %swap3A_214 {strides = array<i32>} : memref<80xf32, #tpu.memory_space<vmem>>, vector<16xf32>,
    %swap3A_215 = arith.constant 64 : index
    %swap3A_216 = tpu.vector_load %arg17[%swap3A_215] {strides = array<i32>} : memref<80xf32, #tpu.memory_space<vmem>>, vector<16xf32>,
    %swap3A_217 = vector.shape_cast %swap3A_216 : vector<16xf32> to vector<16xf32>
    %swap3A_218 = vector.shape_cast %scan3A_198#4 : vector<16xf32> to vector<16xf32>
    tpu.vector_store %arg17[%swap3A_215], %swap3A_218 {strides = array<i32>} : memref<80xf32, #tpu.memory_space<vmem>>, vector<16xf32>,
    "tpu.region"() ({
      %run_scoped3A = tpu.sem_alloc : memref<!tpu.dma_semaphore, #tpu.memory_space<semaphore_mem>>
      %dma_start3A = arith.constant 0 : i32
      %dma_start3A_222 = tpu.memref_slice %arg8[%add3A, %dma_start3A] : memref<32x65536xf32, #tpu.memory_space<hbm>> -> memref<1x65536xf32, #tpu.memory_space<hbm>>
      %dma_start3A_223 = arith.constant 0 : i32
      %dma_start3A_224 = tpu.memref_slice %arg8[%add3A, %dma_start3A_223] : memref<32x65536xf32, #tpu.memory_space<hbm>> -> memref<1x65536xf32, #tpu.memory_space<hbm>>
      tpu.enqueue_dma source(%arg16 : memref<1x65536xf32, #tpu.memory_space<vmem>>) target(%dma_start3A_224 : memref<1x65536xf32, #tpu.memory_space<hbm>>) target_semaphore(%run_scoped3A : memref<!tpu.dma_semaphore, #tpu.memory_space<semaphore_mem>>)
      %dma_wait3A = arith.constant 0 : i32
      %dma_wait3A_225 = tpu.memref_slice %arg8[%add3A, %dma_wait3A] : memref<32x65536xf32, #tpu.memory_space<hbm>> -> memref<1x65536xf32, #tpu.memory_space<hbm>>
      %dma_wait3A_226 = arith.constant 0 : i32
      %dma_wait3A_227 = tpu.memref_slice %arg8[%add3A, %dma_wait3A_226] : memref<32x65536xf32, #tpu.memory_space<hbm>> -> memref<1x65536xf32, #tpu.memory_space<hbm>>
      tpu.wait_dma2 semaphore(%run_scoped3A : memref<!tpu.dma_semaphore, #tpu.memory_space<semaphore_mem>>) src(%arg16 : memref<1x65536xf32, #tpu.memory_space<vmem>>) dst(%dma_wait3A_227 : memref<1x65536xf32, #tpu.memory_space<hbm>>)
      tpu.yield
    }) : () -> ()
    %mul3A_219 = arith.constant 640 : i32
    %mul3A_220 = arith.muli %select_n3A, %mul3A_219 : i32
    %add3A_221 = arith.addi %mul3A_220, %mul3A_32 : i32
    "tpu.region"() ({
      %run_scoped3A = tpu.sem_alloc : memref<!tpu.dma_semaphore, #tpu.memory_space<semaphore_mem>>
      %dma_start3A = tpu.memref_slice %arg9[%add3A_221] : memref<2560xf32, #tpu.memory_space<hbm>> -> memref<80xf32, #tpu.memory_space<hbm>>
      %dma_start3A_222 = tpu.memref_slice %arg9[%add3A_221] : memref<2560xf32, #tpu.memory_space<hbm>> -> memref<80xf32, #tpu.memory_space<hbm>>
      tpu.enqueue_dma source(%arg17 : memref<80xf32, #tpu.memory_space<vmem>>) target(%dma_start3A_222 : memref<80xf32, #tpu.memory_space<hbm>>) target_semaphore(%run_scoped3A : memref<!tpu.dma_semaphore, #tpu.memory_space<semaphore_mem>>)
      %dma_wait3A = tpu.memref_slice %arg9[%add3A_221] : memref<2560xf32, #tpu.memory_space<hbm>> -> memref<80xf32, #tpu.memory_space<hbm>>
      %dma_wait3A_223 = tpu.memref_slice %arg9[%add3A_221] : memref<2560xf32, #tpu.memory_space<hbm>> -> memref<80xf32, #tpu.memory_space<hbm>>
      tpu.wait_dma2 semaphore(%run_scoped3A : memref<!tpu.dma_semaphore, #tpu.memory_space<semaphore_mem>>) src(%arg17 : memref<80xf32, #tpu.memory_space<vmem>>) dst(%dma_wait3A_223 : memref<80xf32, #tpu.memory_space<hbm>>)
      tpu.yield
    }) : () -> ()
    return
  }
}

module attributes {stable_mosaic.version = 14 : i64} {
  func.func @_tc_body(%arg0: i32, %arg1: i32, %arg2: memref<1x3x1024xf32, #tpu.memory_space<vmem>>, %arg3: memref<1x3x3456xf32, #tpu.memory_space<vmem>>, %arg4: memref<1x1x1024xf32, #tpu.memory_space<vmem>>, %arg5: memref<1x1x3456xf32, #tpu.memory_space<vmem>>) attributes {dimension_semantics = [#tpu.dimension_semantics<arbitrary>, #tpu.dimension_semantics<arbitrary>], iteration_bounds = array<i64: 4, 4>, scalar_prefetch = 0 : i64, scratch_operands = 0 : i64, tpu.core_type = #tpu.core_type<tc>, window_params = [{transform_indices = @transform_0, window_bounds = array<i64: 1, 3, 1024>}, {transform_indices = @transform_1, window_bounds = array<i64: 1, 3, 3456>}, {transform_indices = @transform_2, window_bounds = array<i64: 1, 1, 1024>}, {transform_indices = @transform_3, window_bounds = array<i64: 1, 1, 3456>}]} {
    %get3A = arith.constant 0 : index
    %get3A_0 = arith.constant 0 : index
    %get3A_1 = arith.constant 0 : index
    %get3A_2 = vector.load %arg2[%get3A, %get3A_0, %get3A_1] : memref<1x3x1024xf32, #tpu.memory_space<vmem>>, vector<1x3x1024xf32>
    %get3A_3 = vector.shape_cast %get3A_2 : vector<1x3x1024xf32> to vector<3x1024xf32>
    %get3A_4 = arith.constant 0 : index
    %get3A_5 = arith.constant 0 : index
    %get3A_6 = arith.constant 0 : index
    %get3A_7 = vector.load %arg3[%get3A_4, %get3A_5, %get3A_6] : memref<1x3x3456xf32, #tpu.memory_space<vmem>>, vector<1x3x3456xf32>
    %get3A_8 = vector.shape_cast %get3A_7 : vector<1x3x3456xf32> to vector<3x3456xf32>
    %mul3A = arith.mulf %get3A_3, %get3A_3 : vector<3x1024xf32>
    %reduce_sum3A = arith.constant dense<0.000000e+00> : vector<1024xf32>
    %reduce_sum3A_9 = vector.multi_reduction <add>, %mul3A, %reduce_sum3A [0] : vector<3x1024xf32> to vector<1024xf32>
    %mul3A_10 = arith.mulf %get3A_8, %get3A_8 : vector<3x3456xf32>
    %reduce_sum3A_11 = arith.constant dense<0.000000e+00> : vector<3456xf32>
    %reduce_sum3A_12 = vector.multi_reduction <add>, %mul3A_10, %reduce_sum3A_11 [0] : vector<3x3456xf32> to vector<3456xf32>
    %mul3A_13 = arith.constant -2.000000e+00 : f32
    %mul3A_14 = vector.broadcast %mul3A_13 : f32 to vector<3x1024xf32>
    %mul3A_15 = arith.mulf %mul3A_14, %get3A_3 : vector<3x1024xf32>
    %dot_general3A = arith.constant dense<0.000000e+00> : vector<1024x3456xf32>
    %dot_general3A_16 = tpu.matmul %mul3A_15, %get3A_8, %dot_general3A {dimension_numbers = #tpu.dot_dimension_numbers<[0], [0], [1], [1], [0, 1, 1, 1], [], []>, transpose_lhs_hint = false} : vector<3x1024xf32>, vector<3x3456xf32>, vector<1024x3456xf32> -> vector<1024x3456xf32>
    %broadcast_in_dim3A = vector.shape_cast %reduce_sum3A_12 : vector<3456xf32> to vector<1x3456xf32>
    %add3A = vector.broadcast %broadcast_in_dim3A : vector<1x3456xf32> to vector<1024x3456xf32>
    %add3A_17 = arith.addf %dot_general3A_16, %add3A : vector<1024x3456xf32>
    %broadcast_in_dim3A_18 = vector.shape_cast %reduce_sum3A_9 : vector<1024xf32> to vector<1024x1xf32>
    %add3A_19 = vector.broadcast %broadcast_in_dim3A_18 : vector<1024x1xf32> to vector<1024x3456xf32>
    %add3A_20 = arith.addf %add3A_17, %add3A_19 : vector<1024x3456xf32>
    %reduce_min3A = arith.constant dense<0x7F800000> : vector<1024xf32>
    %reduce_min3A_21 = vector.multi_reduction <minimumf>, %add3A_17, %reduce_min3A [1] : vector<1024x3456xf32> to vector<1024xf32>
    %add3A_22 = arith.addf %reduce_min3A_21, %reduce_sum3A_9 : vector<1024xf32>
    %swap3A = arith.constant 0 : index
    %swap3A_23 = arith.constant 0 : index
    %swap3A_24 = arith.constant 0 : index
    %swap3A_25 = vector.load %arg4[%swap3A, %swap3A_23, %swap3A_24] : memref<1x1x1024xf32, #tpu.memory_space<vmem>>, vector<1x1x1024xf32>
    %swap3A_26 = vector.shape_cast %swap3A_25 : vector<1x1x1024xf32> to vector<1024xf32>
    %swap3A_27 = vector.shape_cast %add3A_22 : vector<1024xf32> to vector<1x1x1024xf32>
    tpu.vector_store %arg4[%swap3A, %swap3A_23, %swap3A_24], %swap3A_27 {strides = array<i32>} : memref<1x1x1024xf32, #tpu.memory_space<vmem>>, vector<1x1x1024xf32>,
    %reduce_min3A_28 = arith.constant dense<0x7F800000> : vector<3456xf32>
    %reduce_min3A_29 = vector.multi_reduction <minimumf>, %add3A_20, %reduce_min3A_28 [0] : vector<1024x3456xf32> to vector<3456xf32>
    %eq3A = arith.constant 0 : i32
    %eq3A_30 = arith.cmpi eq, %arg1, %eq3A : i32
    %convert_element_type3A = arith.extui %eq3A_30 : i1 to i32
    %cond3A = arith.constant 0 : i32
    %cond3A_31 = arith.cmpi ne, %convert_element_type3A, %cond3A : i32
    scf.if %cond3A_31 {
      %swap3A_36 = arith.constant 0 : index
      %swap3A_37 = arith.constant 0 : index
      %swap3A_38 = arith.constant 0 : index
      %swap3A_39 = vector.load %arg5[%swap3A_36, %swap3A_37, %swap3A_38] : memref<1x1x3456xf32, #tpu.memory_space<vmem>>, vector<1x1x3456xf32>
      %swap3A_40 = vector.shape_cast %swap3A_39 : vector<1x1x3456xf32> to vector<3456xf32>
      %swap3A_41 = vector.shape_cast %reduce_min3A_29 : vector<3456xf32> to vector<1x1x3456xf32>
      tpu.vector_store %arg5[%swap3A_36, %swap3A_37, %swap3A_38], %swap3A_41 {strides = array<i32>} : memref<1x1x3456xf32, #tpu.memory_space<vmem>>, vector<1x1x3456xf32>,
    } else {
    }
    %gt3A = arith.constant 0 : i32
    %gt3A_32 = arith.cmpi sgt, %arg1, %gt3A : i32
    %convert_element_type3A_33 = arith.extui %gt3A_32 : i1 to i32
    %cond3A_34 = arith.constant 0 : i32
    %cond3A_35 = arith.cmpi ne, %convert_element_type3A_33, %cond3A_34 : i32
    scf.if %cond3A_35 {
      %get3A_36 = arith.constant 0 : index
      %get3A_37 = arith.constant 0 : index
      %get3A_38 = arith.constant 0 : index
      %get3A_39 = vector.load %arg5[%get3A_36, %get3A_37, %get3A_38] : memref<1x1x3456xf32, #tpu.memory_space<vmem>>, vector<1x1x3456xf32>
      %get3A_40 = vector.shape_cast %get3A_39 : vector<1x1x3456xf32> to vector<3456xf32>
      %min3A = arith.minimumf %get3A_40, %reduce_min3A_29 : vector<3456xf32>
      %swap3A_41 = arith.constant 0 : index
      %swap3A_42 = arith.constant 0 : index
      %swap3A_43 = arith.constant 0 : index
      %swap3A_44 = vector.load %arg5[%swap3A_41, %swap3A_42, %swap3A_43] : memref<1x1x3456xf32, #tpu.memory_space<vmem>>, vector<1x1x3456xf32>
      %swap3A_45 = vector.shape_cast %swap3A_44 : vector<1x1x3456xf32> to vector<3456xf32>
      %swap3A_46 = vector.shape_cast %min3A : vector<3456xf32> to vector<1x1x3456xf32>
      tpu.vector_store %arg5[%swap3A_41, %swap3A_42, %swap3A_43], %swap3A_46 {strides = array<i32>} : memref<1x1x3456xf32, #tpu.memory_space<vmem>>, vector<1x1x3456xf32>,
    } else {
    }
    return
  }
  func.func @transform_0(%arg0: i32, %arg1: i32) -> (i32, i32, i32) {
    %c0_i32 = arith.constant 0 : i32
    %c0_i32_0 = arith.constant 0 : i32
    return %arg0, %c0_i32, %arg1 : i32, i32, i32
  }
  func.func @transform_1(%arg0: i32, %arg1: i32) -> (i32, i32, i32) {
    %c0_i32 = arith.constant 0 : i32
    %c0_i32_0 = arith.constant 0 : i32
    %c0_i32_1 = arith.constant 0 : i32
    return %arg0, %c0_i32, %c0_i32_0 : i32, i32, i32
  }
  func.func @transform_2(%arg0: i32, %arg1: i32) -> (i32, i32, i32) {
    %c0_i32 = arith.constant 0 : i32
    %c0_i32_0 = arith.constant 0 : i32
    return %arg0, %c0_i32, %arg1 : i32, i32, i32
  }
  func.func @transform_3(%arg0: i32, %arg1: i32) -> (i32, i32, i32) {
    %c0_i32 = arith.constant 0 : i32
    %c0_i32_0 = arith.constant 0 : i32
    %c0_i32_1 = arith.constant 0 : i32
    return %arg0, %c0_i32, %c0_i32_0 : i32, i32, i32
  }
}

module attributes {stable_mosaic.version = 14 : i64} {
  func.func @_red_body(%arg0: i32, %arg1: memref<8x65536xf32, #tpu.memory_space<vmem>>, %arg2: memref<1x512x8xf32, #tpu.memory_space<vmem>>) attributes {dimension_semantics = [#tpu.dimension_semantics<arbitrary>], iteration_bounds = array<i64: 4>, scalar_prefetch = 0 : i64, scratch_operands = 0 : i64, tpu.core_type = #tpu.core_type<tc>, window_params = [{transform_indices = @transform_0, window_bounds = array<i64: 8, 65536>}, {transform_indices = @transform_1, window_bounds = array<i64: 1, 512, 8>}]} {
    %get3A = arith.constant 0 : index
    %get3A_0 = arith.constant 0 : index
    %get3A_1 = vector.load %arg1[%get3A, %get3A_0] : memref<8x65536xf32, #tpu.memory_space<vmem>>, vector<8x65536xf32>
    %reduce_min3A = arith.constant dense<0x7F800000> : vector<65536xf32>
    %reduce_min3A_2 = vector.multi_reduction <minimumf>, %get3A_1, %reduce_min3A [0] : vector<8x65536xf32> to vector<65536xf32>
    %reshape3A = vector.shape_cast %reduce_min3A_2 : vector<65536xf32> to vector<512x128xf32>
    %slice3A = vector.extract_strided_slice %reshape3A {offsets = [0, 8], sizes = [512, 120], strides = [1, 1]} : vector<512x128xf32> to vector<512x120xf32>
    %slice3A_3 = vector.extract_strided_slice %reshape3A {offsets = [0, 0], sizes = [512, 8], strides = [1, 1]} : vector<512x128xf32> to vector<512x8xf32>
    %concatenate3A = tpu.concatenate %slice3A, %slice3A_3 in 1 : vector<512x120xf32>, vector<512x8xf32> -> vector<512x128xf32>
    %min3A = arith.minimumf %reshape3A, %concatenate3A : vector<512x128xf32>
    %slice3A_4 = vector.extract_strided_slice %min3A {offsets = [0, 4], sizes = [512, 124], strides = [1, 1]} : vector<512x128xf32> to vector<512x124xf32>
    %slice3A_5 = vector.extract_strided_slice %min3A {offsets = [0, 0], sizes = [512, 4], strides = [1, 1]} : vector<512x128xf32> to vector<512x4xf32>
    %concatenate3A_6 = tpu.concatenate %slice3A_4, %slice3A_5 in 1 : vector<512x124xf32>, vector<512x4xf32> -> vector<512x128xf32>
    %min3A_7 = arith.minimumf %min3A, %concatenate3A_6 : vector<512x128xf32>
    %slice3A_8 = vector.extract_strided_slice %min3A_7 {offsets = [0, 2], sizes = [512, 126], strides = [1, 1]} : vector<512x128xf32> to vector<512x126xf32>
    %slice3A_9 = vector.extract_strided_slice %min3A_7 {offsets = [0, 0], sizes = [512, 2], strides = [1, 1]} : vector<512x128xf32> to vector<512x2xf32>
    %concatenate3A_10 = tpu.concatenate %slice3A_8, %slice3A_9 in 1 : vector<512x126xf32>, vector<512x2xf32> -> vector<512x128xf32>
    %min3A_11 = arith.minimumf %min3A_7, %concatenate3A_10 : vector<512x128xf32>
    %slice3A_12 = vector.extract_strided_slice %min3A_11 {offsets = [0, 1], sizes = [512, 127], strides = [1, 1]} : vector<512x128xf32> to vector<512x127xf32>
    %slice3A_13 = vector.extract_strided_slice %min3A_11 {offsets = [0, 0], sizes = [512, 1], strides = [1, 1]} : vector<512x128xf32> to vector<512x1xf32>
    %concatenate3A_14 = tpu.concatenate %slice3A_12, %slice3A_13 in 1 : vector<512x127xf32>, vector<512x1xf32> -> vector<512x128xf32>
    %min3A_15 = arith.minimumf %min3A_11, %concatenate3A_14 : vector<512x128xf32>
    %iota3A = tpu.iota {dimensions = array<i32: 0>} : vector<128x8xi32>
    %iota3A_16 = tpu.iota {dimensions = array<i32: 1>} : vector<128x8xi32>
    %mul3A = arith.constant 16 : i32
    %mul3A_17 = vector.broadcast %mul3A : i32 to vector<128x8xi32>
    %mul3A_18 = arith.muli %iota3A_16, %mul3A_17 : vector<128x8xi32>
    %eq3A = arith.cmpi eq, %iota3A, %mul3A_18 : vector<128x8xi32>
    %convert_element_type3A = arith.extui %eq3A : vector<128x8xi1> to vector<128x8xi32>
    %convert_element_type3A_19 = arith.sitofp %convert_element_type3A : vector<128x8xi32> to vector<128x8xf32>
    %dot_general3A = arith.constant dense<0.000000e+00> : vector<512x8xf32>
    %dot_general3A_20 = tpu.matmul %min3A_15, %convert_element_type3A_19, %dot_general3A {dimension_numbers = #tpu.dot_dimension_numbers<[1], [0], [0], [1], [0, 0, 1, 1], [], []>, transpose_lhs_hint = false} : vector<512x128xf32>, vector<128x8xf32>, vector<512x8xf32> -> vector<512x8xf32>
    %swap3A = arith.constant 0 : index
    %swap3A_21 = arith.constant 0 : index
    %swap3A_22 = arith.constant 0 : index
    %swap3A_23 = vector.load %arg2[%swap3A, %swap3A_21, %swap3A_22] : memref<1x512x8xf32, #tpu.memory_space<vmem>>, vector<1x512x8xf32>
    %swap3A_24 = vector.shape_cast %swap3A_23 : vector<1x512x8xf32> to vector<512x8xf32>
    %swap3A_25 = vector.shape_cast %dot_general3A_20 : vector<512x8xf32> to vector<1x512x8xf32>
    tpu.vector_store %arg2[%swap3A, %swap3A_21, %swap3A_22], %swap3A_25 {strides = array<i32>} : memref<1x512x8xf32, #tpu.memory_space<vmem>>, vector<1x512x8xf32>,
    return
  }
  func.func @transform_0(%arg0: i32) -> (i32, i32) {
    %c0_i32 = arith.constant 0 : i32
    %c0_i32_0 = arith.constant 0 : i32
    return %arg0, %c0_i32 : i32, i32
  }
  func.func @transform_1(%arg0: i32) -> (i32, i32, i32) {
    %c0_i32 = arith.constant 0 : i32
    %c0_i32_0 = arith.constant 0 : i32
    %c0_i32_1 = arith.constant 0 : i32
    return %arg0, %c0_i32, %c0_i32_0 : i32, i32, i32
  }
}

</mosaic_0001>

<sc_bundles>
// kernel: kernel.5.cloned.1.call-start
scs
__scs_entry_jumppad:
0x0: {  	(pc) =	sbr.rel $0x88, $3  }
0x1: {  	(tag) =	ssettag $0x0;
	lr =	simm.s32 $0x1  }
0x2: {  	[smem:$0x3F9F] =	sst lr;
	_ =	strace $0xD0000000  }
0x3: {  	_ = 	snop  }
0x4: {  	_ = 	snop  }
0x5: {  	_ = 	snop  }
0x6: {  	_ = 	snop  }
0x7: {  	_ = 	snop  }
__scs_overlays_trampoline_lowered:
0x8: {  	[smem:$0x3FAE] =	sst s0  }
0x9: {  	[smem:$0x3FAF] =	sst s1  }
0xa: {  	[smem:$0x3FB0] =	sst s2  }
0xb: {  	[smem:$0x3FB1] =	sst s3  }
0xc: {  	[smem:$0x3FB2] =	sst s4  }
0xd: {  	[smem:$0x3FB3] =	sst s5  }
0xe: {  	[smem:$0x3FB4] =	sst s6  }
0xf: {  	[smem:$0x3FB5] =	sst s7  }
0x10: {  	[smem:$0x3FB6] =	sst s8  }
0x11: {  	[smem:$0x3FB7] =	sst s9;
	s0 =	simm.s32 @!p0 $0x0  }
0x12: {  	s1 =	sld [smem:$0x3F9D];
	s0 =	simm.s32 @p0 $0x1  }
0x13: {  	[smem:$0x3FB8] =	sst s0;
	s0 =	simm.s32 @!p1 $0x0  }
0x14: {  	s2 =	sld [smem:$0x3F9C];
	s0 =	simm.s32 @p1 $0x1  }
0x15: {  	[smem:$0x3FB9] =	sst s0;
	s0 =	simm.s32 @!p2 $0x0  }
0x16: {  	s3 =	sld [smem:$0x3FDB];
	s0 =	simm.s32 @p2 $0x1  }
0x17: {  	s4 =	simm.s32 $0x1BF5;
	[smem:$0x3FBB] =	sst s0  }
0x18: {  	s0 =	sld [smem:$0x3F9E];
	_ =	swait.ge [sflag:s4], $0x0  }
0x19: {  	s7 =	sld [smem:$0x3F9F]  }
0x1a: {  	s8 =	sadd.s32 $0xFFFFE003, lr  }
0x1b: {  	s9 =	sadd.s32 $0xFFFFFEF7, lr;
	s5 =	simm.s32 $0xFFFFFFFF;
	p2 =	slt.u32 s8, $0xFFFFF086  }
0x1c: {  	p1 =	slt.u32 s9, $0xF7A;
	s5 =	simm.s32 @!p2 $0x0  }
0x1d: {  	s5 =	simm.s32 @p1 $0x1;
	p0 =	seq.s32 s7, s2  }
0x1e: {  	s7 =	smul.u32 @!p0 $0xF7A, s2;
	p2 =	seq.s32 @!p0 s5, $0x0  }
0x1f: {  	s9 =	smul.u32 $0xF7A, s1;
	s8 =	simm.s32 @!p0 $0x1BF5;
	p2 =	por !p2, p0  }
0x20: {  	[sflag:s8] =	ssyncset.s32 @!p0 $0xFFFFF086;
	s6 =	sadd.s32 @!p0 s3, s7;
	s7 =	simm.s32 @!p0 $0x108  }
0x21: {  	s3 =	sadd.s32 s3, s9;
	s6 =	sadd.s32 @!p0 $0x88, s6;
	s7 =	simm.s32 @p2 $0x1082  }
0x22: {  	[simem:s7], [sflag:s8] =	dma.local @!p0 [hbm:s6], $0xF7A  }
0x23: {  	s9 =	sor.u32 $0xD0000000, s2;
	s6 =	simm.s32 $0x108;
	_ =	swait.ge @!p0 [sflag:s8], $0x0  }
0x24: {  	s3 =	sadd.s32 $0x88, s3;
	s6 =	simm.s32 @!p1 $0x1082;
	[sflag:s4] =	ssyncset.s32 $0xFFFFF086  }
0x25: {  	[simem:s6], [sflag:s4] =	dma.local [hbm:s3], $0xF7A  }
0x26: {  	[smem:$0x3F9F] =	sst s1;
	(tag) =	ssettag s2;
	_ =	strace s9  }
0x27: {  	s1 =	sld [smem:$0x3FAF]  }
0x28: {  	s2 =	sld [smem:$0x3FB0]  }
0x29: {  	s4 =	sld [smem:$0x3FB2]  }
0x2a: {  	p0 =	seq.s32 s5, $0x0;
	s5 =	sld [smem:$0x3FB3]  }
0x2b: {  	s6 =	sld [smem:$0x3FB4]  }
0x2c: {  	s7 =	sld [smem:$0x3FB5]  }
0x2d: {  	s3 =	simm.s32 $0x108;
	s8 =	sld [smem:$0x3FB6]  }
0x2e: {  	s3 =	simm.s32 @!p0 $0x1082;
	s9 =	sld [smem:$0x3FB7]  }
0x2f: {  	lr =	sadd.s32 s0, s3;
	s0 =	sld [smem:$0x3FAE]  }
0x30: {  	s3 =	sld [smem:$0x3FB1]  }
0x31: {  	[smem:$0x3FBA] =	sst s10  }
0x32: {  	s10 =	sld [smem:$0x3FB8];
	_ =	sdelay $0x3  }
0x33: {  	p0 =	seq.s32 s10, $0x1;
	s10 =	sld [smem:$0x3FBA];
	_ =	sdelay $0x3  }
0x34: {  	[smem:$0x3FBA] =	sst s10  }
0x35: {  	s10 =	sld [smem:$0x3FB9];
	_ =	sdelay $0x3  }
0x36: {  	p1 =	seq.s32 s10, $0x1;
	s10 =	sld [smem:$0x3FBA];
	_ =	sdelay $0x3  }
0x37: {  	[smem:$0x3FBA] =	sst s10  }
0x38: {  	s10 =	sld [smem:$0x3FBB]  }
0x39: {  	_ = 	snop;
	(pc) =	sbr.ind lr, $3  }
0x3a: {  	_ = 	snop  }
0x3b: {  	_ = 	snop  }
0x3c: {  	p2 =	seq.s32 s10, $0x1;
	s10 =	sld [smem:$0x3FBA]  }
0x3d: {  	_ =	shalt  }
0x3e: {  	_ =	shalt  }
0x3f: {  	_ =	shalt  }
0x40: {  	_ =	shalt  }
0x41: {  	_ =	shalt  }
0x42: {  	_ =	shalt  }
0x43: {  	_ =	shalt  }
0x44: {  	_ =	shalt  }
0x45: {  	_ =	shalt  }
0x46: {  	_ =	shalt  }
0x47: {  	_ =	shalt  }
0x48: {  	_ =	shalt  }
0x49: {  	_ =	shalt  }
0x4a: {  	_ =	shalt  }
0x4b: {  	_ =	shalt  }
0x4c: {  	_ =	shalt  }
0x4d: {  	_ =	shalt  }
0x4e: {  	_ =	shalt  }
0x4f: {  	_ =	shalt  }
0x50: {  	_ =	shalt  }
0x51: {  	_ =	shalt  }
0x52: {  	_ =	shalt  }
0x53: {  	_ =	shalt  }
0x54: {  	_ =	shalt  }
0x55: {  	_ =	shalt  }
0x56: {  	_ =	shalt  }
0x57: {  	_ =	shalt  }
0x58: {  	_ =	shalt  }
0x59: {  	_ =	shalt  }
0x5a: {  	_ =	shalt  }
0x5b: {  	_ =	shalt  }
0x5c: {  	_ =	shalt  }
0x5d: {  	_ =	shalt  }
0x5e: {  	_ =	shalt  }
0x5f: {  	_ =	shalt  }
0x60: {  	_ =	shalt  }
0x61: {  	_ =	shalt  }
0x62: {  	_ =	shalt  }
0x63: {  	_ =	shalt  }
0x64: {  	_ =	shalt  }
0x65: {  	_ =	shalt  }
0x66: {  	_ =	shalt  }
0x67: {  	_ =	shalt  }
0x68: {  	_ =	shalt  }
0x69: {  	_ =	shalt  }
0x6a: {  	_ =	shalt  }
0x6b: {  	_ =	shalt  }
0x6c: {  	_ =	shalt  }
0x6d: {  	_ =	shalt  }
0x6e: {  	_ =	shalt  }
0x6f: {  	_ =	shalt  }
0x70: {  	_ =	shalt  }
0x71: {  	_ =	shalt  }
0x72: {  	_ =	shalt  }
0x73: {  	_ =	shalt  }
0x74: {  	_ =	shalt  }
0x75: {  	_ =	shalt  }
0x76: {  	_ =	shalt  }
0x77: {  	_ =	shalt  }
0x78: {  	_ =	shalt  }
0x79: {  	_ =	shalt  }
0x7a: {  	_ =	shalt  }
0x7b: {  	_ =	shalt  }
0x7c: {  	_ =	shalt  }
0x7d: {  	_ =	shalt  }
0x7e: {  	_ =	shalt  }
0x7f: {  	_ =	shalt  }
0x80: {  	_ =	shalt  }
0x81: {  	_ =	shalt  }
0x82: {  	_ =	shalt  }
0x83: {  	_ =	shalt  }
0x84: {  	_ =	shalt  }
0x85: {  	_ =	shalt  }
0x86: {  	_ =	shalt  }
0x87: {  	_ =	shalt  }
.Lfunc_end0:
.L_simem_size_0:
called_computation_lowered:
.L_overlay_start_0:
0x88: {  	s2 =	sld [smem:$0x3FD9]  }
0x89: {  	s3 =	sld [smem:$0x3FFE];
	_ =	sdelay $0x1  }
0x8a: {  	s1 =	srdreg.scid  }
0x8b: {  	s0 =	sand.u32 $0x1, s1  }
0x8c: {  	s16 =	sshll.u32 s0, $0xA;
	s2 =	sadd.s32 s3, s2  }
0x8d: {  	s2 =	sadd.s32 s2, s16  }
0x8e: {  	[smem:$0x3FC6] =	sst s2  }
0x8f: {  	_ = 	snop  }
0x90: {  	(tm) =	ssettm $0x1  }
0x91: {  	s17 =	sld [smem:$0x3FFB];
	_ =	sdelay $0x3  }
0x92: {  	_ =	strace s17  }
0x93: {  	s2 =	sld [smem:$0x3FFC];
	_ =	sdelay $0x3  }
0x94: {  	_ =	strace s2  }
0x95: {  	s2 =	sld [smem:$0x3FFD];
	_ =	sdelay $0x3  }
0x96: {  	_ =	strace s2  }
0x97: {  	_ =	strace $0x8FFFFFFF  }
0x98: {  	s18 =	sld [smem:$0x3FDB];
	_ =	sdelay $0x1  }
0x99: {  	s19 =	simm.s32 $_scs_section_size  }
0x9a: {  	s4 =	simm.s32 $_size__tile_overlayer_lowered;
	s5 =	simm.s32 $_tile_overlayer_lowered  }
0x9b: {  	s22 =	simm.s32 $0x1BFF;
	s21 =	sshll.u32 s5, $0x1;
	s2 =	sadd.s32 s19, s18  }
0x9c: {  	s6 =	simm.s32 $0x0;
	s20 =	sshll.u32 s4, $0x1;
	s4 =	sadd.s32 s21, s2  }
0x9d: {  	[timem:s6], [sflag:s22] =	dma.local [hbm:s4], s20  }
0x9e: {  	_ =	swait.ge [sflag:s22], s20  }
0x9f: {  	s3 =	ssub.s32 $0x0, s20;
	[sflag:s22] =	ssyncset.done $0x0  }
0xa0: {  	[sflag:s22] =	ssyncadd.s32 s3;
	_ =	sdelay $0x1  }
0xa1: {  	s23 =	simm.s32 $0x1B8B  }
0xa2: {  	_ =	swait.ge [sflag:s23], $0x1  }
0xa3: {  	[sflag:s23] =	ssyncset.done $0x0  }
0xa4: {  	s25 =	simm.s32 $0x1B8E;
	s24 =	sld [smem:$0x3FFE];
	[sflag:s23] =	ssyncadd.s32 $0xFFFFFFFF  }
0xa5: {  	s26 =	simm.s32 $execute0_lowered;
	[smem:$0x3FD2] =	sst s25  }
0xa6: {  	s4 =	sshll.u32 s26, $0x1;
	_ =	strace $0x80000046;
	[dreg:$0x1] =	wrdreg $0xFFFFFFFF  }
0xa7: {  	s28 =	simm.s32 $_size_execute0_lowered;
	s2 =	sadd.s32 s2, s4;
	[dreg:$0x0] =	wrdreg $0x0  }
0xa8: {  	s4 =	sshll.u32 s28, $0x1;
	[dreg:$0x2] =	wrdreg s2  }
0xa9: {  	[dreg:$0x3] =	wrdreg s4  }
0xaa: {  	[dreg:$0x4] =	wrdreg $0xC0  }
0xab: {  	_ =	task [dreg:s6], $0x5FFFF  }
0xac: {  	[dreg:$0x1] =	wrdreg $0xFFFFFFFF  }
0xad: {  	[dreg:$0x0] =	wrdreg $0x60  }
0xae: {  	[dreg:$0x2] =	wrdreg s24  }
0xaf: {  	[dreg:$0x3] =	wrdreg $0x9  }
0xb0: {  	_ =	task.clear_ibuf [dreg:s6], $0x4FFFF;
	_ =	strace $0x90000046  }
0xb1: {  	s29 =	simm.s32 $0x9;
	_ =	strace $0x80000048  }
0xb2: {  	_ =	swait.ge [sflag:s29], $0x1  }
0xb3: {  	[sflag:s29] =	ssyncadd.s32 $0xFFFFFFFF  }
0xb4: {  	_ =	strace $0x90000048  }
0xb5: {  	_ =	sfence  }
0xb6: {  	s30 =	sld [smem:$0x0];
	_ =	sdelay $0x2  }
0xb7: {  	s31 =	sshll.u32 s1, $0xD;
	s1 =	sshrl.u32 s1, $0x2  }
0xb8: {  	s3 =	sand.u32 $0x4000, s31;
	s1 =	sadd.s32 s1, s30  }
0xb9: {  	s0 =	sor.u32 s3, s0;
	s1 =	sshll.u32 s1, $0x11  }
0xba: {  	s0 =	sor.u32 s1, s0  }
0xbb: {  	s0 =	sadd.s32 $0x8F2B, s0  }
0xbc: {  	[sflag:s0] =	ssyncadd.remote.s32 $0x1  }
0xbd: {  	_ =	sfence.sel $0xFFFF  }
0xbe: {  	[dreg:$0x0] =	wrdreg $0xFFFFFFFF;
	(pc) =	sbr.abs _section_cstart, $3  }
0xbf: {  	[dreg:$0x1] =	wrdreg $0xFFFFFFFF  }
0xc0: {  	_ =	task.clear_ibuf [dreg:s6], $0x2FFFF;
	_ =	strace $0x9FFFFFFF  }
0xc1: {  	(tm) =	ssettm $0x7FFFFFFF  }
tec
execute0_lowered:
.L_overlay_start_1:
0x0: {  	(tag) =	ssettag $0x1  }
0x1: {  	s0 =	stileid.u32;
	s1 =	srdreg.scid  }
0x2: {  	s5 =	rddreg [dreg:$0x0];
	s2 =	simm.s32 $0x0;
	s12 =	simm.s32 $0x1  }
0x3: {  	s13 =	simm.s32 $0x1000;
	s14 =	simm.s32 $0x2000;
	s15 =	simm.s32 $0x3000  }
0x4: {  	s16 =	simm.s32 $0x3080;
	s17 =	simm.s32 $0x3100;
	s18 =	simm.s32 $0x80  }
0x5: {  	s19 =	simm.s32 $0x400;
	s20 =	simm.s32 $0x3180;
	s21 =	simm.s32 $0x13180  }
0x6: {  	s22 =	simm.s32 $0x0;
	s3 =	sand.u32 $0x1, s1;
	s26 =	sshll.u32 s0, $0x1  }
0x7: {  	s6 =	sshrl.u32 s0, $0x2;
	[smem:$0x7FF] =	sst s2;
	s9 =	sshll.u32 s0, $0xE  }
0x8: {  	s4 =	sor.u32 s3, s26;
	s8 =	smul.u32 $0x280, s6;
	s9 =	sand.u32 $0x30000, s9  }
0x9: {  	s3 =	ssub.s32 $0x2, s3;
	s6 =	sshll.u32 s6, $0x9;
	s1 =	sand.u32 $0x7, s4  }
0xa: {  	s28 =	sadd.s32 s9, s5;
	s29 =	sshrl.u32 s3, $0x1;
	s7 =	smul.u32 $0x50, s1  }
0xb: {  	s30 =	sshll.u32 s4, $0x4;
	s1 =	rddreg [dreg:$0x1];
	_ =	strace $0x80000047  }
0xc: {  	s11 =	ssub.s32 s3, s29;
	s3 =	sadd.s32 s5, s6;
	s7 =	sadd.s32 s8, s7  }
0xd: {  	s31 =	sand.u32 $0x70, s30;
	s4 =	sadd.s32 $0x1000, s3;
	s7 =	sshrl.u32 s7, $0x3  }
0xe: {  	s9 =	sadd.s32 s31, s28;
	s11 =	smax.u32 s11, $0x1;
	s10 =	sadd.s32 s7, s5  }
0xf: {  	s9 =	sadd.s32 $0x1E00, s9;
	s5 =	sadd.s32 $0x800, s3;
	s6 =	sadd.s32 $0x1800, s10  }
0x10: {  	s7 =	sadd.s32 $0x1A00, s10;
	s8 =	sadd.s32 $0x1C00, s10;
	s10 =	sadd.s32 $0x41E00, s10  }
.LBB2_1:
0x11: {  	[tilespmem:s2], [sflag:$0x1] =	stream.linear.gather [hbm4b:s4+s2], $0x1000, $0x38;
	[tilespmem:$0x13200] =	vst v63  }
0x12: {  	_ =	swait.ge [sflag:s12], $0x1000  }
0x13: {  	[sflag:s12] =	ssyncset.done $0x0  }
0x14: {  	[sflag:s12] =	ssyncadd.s32 $0xFFFFF000  }
0x15: {  	[tilespmem:s13], [sflag:$0x1] =	stream.linear.gather [hbm4b:s5+s2], $0x1000, $0x38;
	[tilespmem:$0x13200] =	vst v63  }
0x16: {  	_ =	swait.ge [sflag:s12], $0x1000  }
0x17: {  	[sflag:s12] =	ssyncset.done $0x0  }
0x18: {  	[sflag:s12] =	ssyncadd.s32 $0xFFFFF000  }
0x19: {  	[tilespmem:s14], [sflag:$0x1] =	stream.linear.gather [hbm4b:s3+s2], $0x1000, $0x38;
	[tilespmem:$0x13200] =	vst v63  }
0x1a: {  	_ =	swait.ge [sflag:s12], $0x1000  }
0x1b: {  	[sflag:s12] =	ssyncset.done $0x0  }
0x1c: {  	[sflag:s12] =	ssyncadd.s32 $0xFFFFF000  }
0x1d: {  	[tilespmem:s15], [sflag:$0x1] =	stream.linear.gather [hbm4b:s6+s2], $0x50, $0x38;
	[tilespmem:$0x13200] =	vst v63  }
0x1e: {  	_ =	swait.ge [sflag:s12], $0x50  }
0x1f: {  	[sflag:s12] =	ssyncset.done $0x0  }
0x20: {  	[sflag:s12] =	ssyncadd.s32 $0xFFFFFFB0  }
0x21: {  	[tilespmem:s16], [sflag:$0x1] =	stream.linear.gather [hbm4b:s7+s2], $0x50, $0x38;
	[tilespmem:$0x13200] =	vst v63  }
0x22: {  	_ =	swait.ge [sflag:s12], $0x50  }
0x23: {  	[sflag:s12] =	ssyncset.done $0x0  }
0x24: {  	[sflag:s12] =	ssyncadd.s32 $0xFFFFFFB0  }
0x25: {  	[tilespmem:s17], [sflag:$0x1] =	stream.linear.gather [hbm4b:s8+s2], $0x50, $0x38;
	[tilespmem:$0x13200] =	vst v63  }
0x26: {  	_ =	swait.ge [sflag:s12], $0x50  }
0x27: {  	[sflag:s12] =	ssyncset.done $0x0  }
0x28: {  	[sflag:s12] =	ssyncadd.s32 $0xFFFFFFB0  }
0x29: {  	v4 =	vld [tilespmem:$0x3000]  }
0x2a: {  	v5 =	vld [tilespmem:$0x3010]  }
0x2b: {  	v6 =	vld [tilespmem:$0x3020]  }
0x2c: {  	v7 =	vld [tilespmem:$0x3030]  }
0x2d: {  	v8 =	vld [tilespmem:$0x3040]  }
0x2e: {  	v9 =	vld [tilespmem:$0x3080]  }
0x2f: {  	v14 =	vld [tilespmem:$0x3100]  }
0x30: {  	v10 =	vld [tilespmem:$0x3090]  }
0x31: {  	v11 =	vld [tilespmem:$0x30A0]  }
0x32: {  	v16 =	vld [tilespmem:$0x3110]  }
0x33: {  	v13 =	vld [tilespmem:$0x30C0]  }
0x34: {  	v17 =	vld [tilespmem:$0x3120];
	v0 =	vmul.f32 v4, v4  }
0x35: {  	v12 =	vld [tilespmem:$0x30B0];
	v1 =	vmul.f32 v9, v9;
	v2 =	vmul.f32 v14, v14  }
0x36: {  	v25 =	vimm.f32 $+Inf;
	v18 =	vld [tilespmem:$0x3130];
	v3 =	vmul.f32 v5, v5;
	v15 =	vmul.f32 v10, v10  }
0x37: {  	v20 =	vld [tilespmem:$0x3140];
	v19 =	vmul.f32 v11, v11;
	v0 =	vadd.f32 v1, v0;
	v1 =	vmul.f32 v6, v6  }
0x38: {  	v21 =	vmul.f32 v13, v13;
	v3 =	vadd.f32 v15, v3;
	v15 =	vmul.f32 v16, v16  }
0x39: {  	v0 =	vadd.f32 v2, v0;
	v2 =	vadd.f32 v19, v1;
	v19 =	vmul.f32 v17, v17  }
0x3a: {  	v1 =	vadd.f32 v15, v3;
	v3 =	vmul.f32 v7, v7;
	v15 =	vmul.f32 v12, v12  }
0x3b: {  	v22 =	vmul.f32 $6.553700000e+04, v4;
	v2 =	vadd.f32 v19, v2;
	v19 =	vmul.f32 v8, v8  }
0x3c: {  	v54 =	vmul.f32 v20, v20;
	v3 =	vadd.f32 v15, v3;
	v15 =	vmul.f32 v18, v18  }
0x3d: {  	v23 =	vmul.f32 $6.553700000e+04, v5;
	v24 =	vmul.f32 $6.553700000e+04, v6;
	v19 =	vadd.f32 v21, v19  }
0x3e: {  	v55 =	vmul.f32 $6.553700000e+04, v7;
	v3 =	vadd.f32 v15, v3;
	v15 =	vsub.f32 v22, v4  }
0x3f: {  	v56 =	vmul.f32 $6.553700000e+04, v8;
	v4 =	vadd.f32 v54, v19;
	v19 =	vsub.f32 v23, v5  }
0x40: {  	v57 =	vmul.f32 $6.553700000e+04, v9;
	v5 =	vsub.f32 v22, v15;
	v15 =	vsub.f32 v24, v6  }
0x41: {  	v58 =	vmul.f32 $6.553700000e+04, v11;
	v6 =	vsub.f32 v23, v19;
	v19 =	vsub.f32 v55, v7  }
0x42: {  	v7 =	vsub.f32 v24, v15;
	v15 =	vsub.f32 v56, v8;
	v24 =	vmul.f32 $6.553700000e+04, v10  }
0x43: {  	v59 =	vmul.f32 $6.553700000e+04, v12;
	v8 =	vsub.f32 v55, v19;
	v19 =	vsub.f32 v57, v9  }
0x44: {  	v60 =	vmul.f32 $6.553700000e+04, v13;
	v9 =	vsub.f32 v56, v15;
	v15 =	vsub.f32 v24, v10  }
0x45: {  	v61 =	vmul.f32 $6.553700000e+04, v16;
	v10 =	vsub.f32 v57, v19;
	v19 =	vsub.f32 v58, v11  }
0x46: {  	v62 =	vmul.f32 $6.553700000e+04, v18;
	v11 =	vsub.f32 v24, v15;
	v15 =	vsub.f32 v59, v12  }
0x47: {  	v24 =	vmul.f32 $6.553700000e+04, v14;
	v12 =	vsub.f32 v58, v19;
	v19 =	vsub.f32 v60, v13  }
0x48: {  	v63 =	vmul.f32 $6.553700000e+04, v20;
	v16 =	vsub.f32 v61, v16;
	v13 =	vsub.f32 v59, v15  }
0x49: {  	v15 =	vsub.f32 v24, v14;
	v14 =	vsub.f32 v60, v19;
	v19 =	vmul.f32 $6.553700000e+04, v17  }
0x4a: {  	v26 =	vimm.f32 $+Inf;
	v20 =	vsub.f32 v63, v20;
	v18 =	vsub.f32 v62, v18  }
0x4b: {  	v27 =	vimm.f32 $+Inf;
	v16 =	vsub.f32 v61, v16;
	v17 =	vsub.f32 v19, v17  }
0x4c: {  	v28 =	vimm.f32 $+Inf;
	v18 =	vsub.f32 v62, v18;
	v15 =	vsub.f32 v24, v15  }
0x4d: {  	s23 =	simm.s32 $0x3200;
	s24 =	simm.s32 $0x0;
	v24 =	vimm.f32 $+Inf;
	v17 =	vsub.f32 v19, v17;
	v19 =	vsub.f32 v63, v20  }
.LBB2_2:
0x4e: {  	s25 =	sshra.s32 s24, $0x2  }
0x4f: {  	v20 =	vld [tilespmem:s25+$0x0]  }
0x50: {  	v29 =	vld [tilespmem:s25+$0x1000];
	_ =	sdelay $0x1  }
0x51: {  	v30 =	vld [tilespmem:s25+$0x2000];
	_ =	sdelay $0x1  }
0x52: {  	v21 =	vmul.f32 $6.553700000e+04, v20  }
0x53: {  	v22 =	vmul.f32 $6.553700000e+04, v29  }
0x54: {  	v23 =	vsub.f32 v21, v20  }
0x55: {  	v52 =	vmul.f32 $6.553700000e+04, v30;
	v31 =	vsub.f32 v22, v29  }
0x56: {  	v23 =	vsub.f32 v21, v23  }
0x57: {  	v22 =	vsub.f32 v22, v31;
	v31 =	vsub.f32 v52, v30  }
0x58: {  	(v2sf) =	vpush v23, $0x0  }
0x59: {  	v21 =	vsub.f32 v52, v31  }
0x5a: {  	(v2sf) =	vpush v22, $0x0  }
0x5b: {  	(v2sf) =	vpush v21, $0x0;
	_ =	sdelay $0x2  }
0x5c: {  	(v2sf) =	vpush v23, $0x1;
	_ =	sdelay $0x5  }
0x5d: {  	v20 =	vmul.f32 v20, v20;
	v29 =	vmul.f32 v29, v29;
	_ =	sdelay $0x1  }
0x5e: {  	v20 =	vadd.f32 v29, v20;
	v29 =	vmul.f32 v30, v30  }
0x5f: {  	s28 =	spop (v2sf)  }
0x60: {  	v20 =	vadd.f32 v29, v20;
	s25 =	smul.f32 $-2.000000000e+00, s28  }
0x61: {  	s26 =	spop (v2sf);
	(v2sf) =	vpush v22, $0x1  }
0x62: {  	v53 =	vbroadcast v20, $0x0;
	s26 =	smul.f32 $-2.000000000e+00, s26;
	s28 =	spop (v2sf);
	(v2sf) =	vpush v21, $0x1;
	v31 =	vmul.f32 s25, v5  }
0x63: {  	v43 =	vbroadcast v20, $0x1;
	v29 =	vmul.f32 s25, v6  }
0x64: {  	s28 =	smul.f32 $-2.000000000e+00, s28;
	v33 =	vmul.f32 s25, v8;
	v32 =	vmul.f32 s26, v10;
	v31 =	vadd.f32 v31, v0  }
0x65: {  	v57 =	vmul.f32 s25, v9;
	s29 =	spop (v2sf);
	(v2sf) =	vpush v23, $0x2;
	v34 =	vmul.f32 s26, v11  }
0x66: {  	v35 =	vmul.f32 s26, v12;
	v30 =	vadd.f32 v32, v31;
	v31 =	vmul.f32 s28, v15  }
0x67: {  	v37 =	vmul.f32 s26, v13;
	v29 =	vadd.f32 v29, v1;
	v33 =	vadd.f32 v33, v3  }
0x68: {  	v54 =	vmul.f32 s28, v16;
	v30 =	vadd.f32 v31, v30;
	v31 =	vmul.f32 s25, v7  }
0x69: {  	v56 =	vmul.f32 s28, v18;
	v29 =	vadd.f32 v34, v29;
	v33 =	vadd.f32 v37, v33  }
0x6a: {  	v59 =	vmul.f32 s26, v14;
	v34 =	vadd.f32 v57, v4;
	v31 =	vadd.f32 v31, v2  }
0x6b: {  	v55 =	vmul.f32 s28, v17;
	v29 =	vadd.f32 v54, v29;
	v33 =	vadd.f32 v56, v33  }
0x6c: {  	v60 =	vmul.f32 s28, v19;
	v34 =	vadd.f32 v59, v34;
	s25 =	smul.f32 $-2.000000000e+00, s29;
	v31 =	vadd.f32 v35, v31  }
0x6d: {  	v36 =	vadd.f32 v30, v53;
	v58 =	vadd.f32 v29, v53;
	v29 =	vmin.f32 v30, v29  }
0x6e: {  	v37 =	vadd.f32 v33, v53;
	v61 =	vmul.f32 s25, v6;
	v31 =	vadd.f32 v55, v31  }
0x6f: {  	v44 =	vmul.f32 s25, v8;
	v49 =	vmul.f32 s25, v9;
	v28 =	vmin.f32 v28, v36  }
0x70: {  	v27 =	vmin.f32 v27, v58;
	s30 =	spop (v2sf);
	(v2sf) =	vpush v22, $0x2;
	v30 =	vadd.f32 v31, v53  }
0x71: {  	v29 =	vmin.f32 v29, v31;
	v31 =	vmul.f32 s25, v5;
	s31 =	spop (v2sf);
	(v2sf) =	vpush v21, $0x2  }
0x72: {  	s26 =	smul.f32 $-2.000000000e+00, s30;
	v29 =	vmin.f32 v29, v33;
	v33 =	vadd.f32 v61, v1;
	(v2sf) =	vpush v23, $0x3  }
0x73: {  	v26 =	vmin.f32 v26, v30;
	v30 =	vmin.f32 v24, v37;
	v24 =	vadd.f32 v60, v34  }
0x74: {  	v31 =	vadd.f32 v31, v0;
	v62 =	vmul.f32 s26, v10;
	v63 =	vmul.f32 s26, v11  }
0x75: {  	s28 =	smul.f32 $-2.000000000e+00, s31;
	v42 =	vmul.f32 s26, v12;
	v37 =	vadd.f32 v44, v3;
	v38 =	vmul.f32 s26, v13  }
0x76: {  	s29 =	spop (v2sf);
	v51 =	vmul.f32 s26, v14;
	(v2sf) =	vpush v22, $0x3;
	v34 =	vbroadcast v20, $0x2  }
0x77: {  	v40 =	vmul.f32 s28, v15;
	v41 =	vmul.f32 s28, v16;
	v29 =	vmin.f32 v29, v24  }
0x78: {  	v36 =	vadd.f32 v24, v53;
	v24 =	vadd.f32 v29, v53;
	v29 =	vmul.f32 s25, v7  }
0x79: {  	v45 =	vmul.f32 s28, v17;
	v31 =	vadd.f32 v62, v31;
	v33 =	vadd.f32 v63, v33  }
0x7a: {  	v48 =	vmul.f32 s28, v18;
	v47 =	vadd.f32 v38, v37;
	v29 =	vadd.f32 v29, v2  }
0x7b: {  	v52 =	vmul.f32 s28, v19;
	s25 =	smul.f32 $-2.000000000e+00, s29;
	v31 =	vadd.f32 v40, v31;
	v33 =	vadd.f32 v41, v33  }
0x7c: {  	v36 =	vmin.f32 v25, v36;
	v50 =	vadd.f32 v48, v47;
	v29 =	vadd.f32 v42, v29  }
0x7d: {  	v53 =	vmul.f32 s25, v5;
	v62 =	vmul.f32 s25, v8;
	v46 =	vadd.f32 v31, v43  }
0x7e: {  	v41 =	vmul.f32 s25, v9;
	v25 =	vadd.f32 v33, v43;
	v29 =	vadd.f32 v45, v29  }
0x7f: {  	v31 =	vmin.f32 v31, v33;
	v54 =	vadd.f32 v53, v0;
	v28 =	vmin.f32 v28, v46  }
0x80: {  	v27 =	vmin.f32 v27, v25;
	v46 =	vadd.f32 v41, v4;
	v25 =	vadd.f32 v29, v43;
	s30 =	spop (v2sf)  }
0x81: {  	v29 =	vmin.f32 v31, v29;
	v31 =	vadd.f32 v50, v43;
	(v2sf) =	vpush v21, $0x3;
	s26 =	smul.f32 $-2.000000000e+00, s30  }
0x82: {  	v29 =	vmin.f32 v29, v50;
	v26 =	vmin.f32 v26, v25;
	v25 =	vadd.f32 v49, v4  }
0x83: {  	v30 =	vmin.f32 v30, v31;
	v31 =	vmul.f32 s25, v6;
	s31 =	spop (v2sf);
	v55 =	vmul.f32 s26, v10  }
0x84: {  	s28 =	smul.f32 $-2.000000000e+00, s31;
	v25 =	vadd.f32 v51, v25;
	v56 =	vmul.f32 s26, v11;
	v60 =	vmul.f32 s26, v12  }
0x85: {  	s29 =	spop (v2sf);
	v31 =	vadd.f32 v31, v1;
	v44 =	vmul.f32 s26, v13;
	v47 =	vmul.f32 s26, v14  }
0x86: {  	s30 =	spop (v2sf);
	(v2sf) =	vpush v23, $0x4;
	v58 =	vmul.f32 s28, v15;
	v59 =	vmul.f32 s28, v16  }
0x87: {  	v63 =	vmul.f32 s28, v17;
	v45 =	vmul.f32 s28, v18;
	v25 =	vadd.f32 v52, v25  }
0x88: {  	v50 =	vmul.f32 s28, v19;
	v33 =	vadd.f32 v55, v54;
	v31 =	vadd.f32 v56, v31  }
0x89: {  	s26 =	smul.f32 $-2.000000000e+00, s30;
	v57 =	vadd.f32 v25, v43;
	v25 =	vmin.f32 v29, v25;
	v29 =	vmul.f32 s25, v7  }
0x8a: {  	v49 =	vadd.f32 v47, v46;
	v56 =	vbroadcast v20, $0x3;
	v61 =	vadd.f32 v58, v33  }
0x8b: {  	v53 =	vmul.f32 s26, v10;
	v31 =	vadd.f32 v59, v31;
	v29 =	vadd.f32 v29, v2  }
0x8c: {  	v33 =	vadd.f32 v62, v3;
	v35 =	vadd.f32 v50, v49;
	v58 =	vmul.f32 s26, v11  }
0x8d: {  	s25 =	smul.f32 $-2.000000000e+00, s29;
	v59 =	vmul.f32 s26, v12;
	v25 =	vadd.f32 v25, v43;
	v29 =	vadd.f32 v60, v29  }
0x8e: {  	v39 =	vadd.f32 v61, v34;
	v40 =	vadd.f32 v31, v34;
	v36 =	vmin.f32 v36, v57  }
0x8f: {  	v33 =	vadd.f32 v44, v33;
	v51 =	vmul.f32 s25, v5;
	v29 =	vadd.f32 v63, v29  }
0x90: {  	v31 =	vmin.f32 v61, v31;
	v55 =	vmul.f32 s25, v7;
	v57 =	vmul.f32 s25, v8  }
0x91: {  	v61 =	vmul.f32 s26, v13;
	v33 =	vadd.f32 v45, v33;
	v48 =	vadd.f32 v29, v34  }
0x92: {  	v44 =	vmul.f32 s25, v9;
	v32 =	vadd.f32 v51, v0;
	s31 =	spop (v2sf);
	(v2sf) =	vpush v22, $0x4  }
0x93: {  	v28 =	vmin.f32 v28, v39;
	v52 =	vmin.f32 v26, v48;
	v26 =	vadd.f32 v33, v34  }
0x94: {  	v29 =	vmin.f32 v31, v29;
	v31 =	vadd.f32 v53, v32;
	v32 =	vadd.f32 v55, v2  }
0x95: {  	(v2sf) =	vpush v21, $0x4;
	v30 =	vmin.f32 v30, v26;
	v26 =	vadd.f32 v35, v34  }
0x96: {  	v27 =	vmin.f32 v27, v40;
	v45 =	vmul.f32 s26, v14;
	s28 =	smul.f32 $-2.000000000e+00, s31;
	v29 =	vmin.f32 v29, v33  }
0x97: {  	v32 =	vadd.f32 v59, v32;
	v33 =	vmin.f32 v36, v26;
	v26 =	vmul.f32 s25, v6  }
0x98: {  	v54 =	vmul.f32 s28, v15;
	v62 =	vmul.f32 s28, v17;
	s29 =	spop (v2sf);
	(v2sf) =	vpush v23, $0x5  }
0x99: {  	v29 =	vmin.f32 v29, v35;
	v36 =	vadd.f32 v57, v3;
	v26 =	vadd.f32 v26, v1  }
0x9a: {  	v42 =	vmul.f32 s28, v16;
	v31 =	vadd.f32 v54, v31;
	v32 =	vadd.f32 v62, v32  }
0x9b: {  	v63 =	vmul.f32 s28, v18;
	s25 =	smul.f32 $-2.000000000e+00, s29;
	v36 =	vadd.f32 v61, v36;
	v37 =	vadd.f32 v58, v26  }
0x9c: {  	v47 =	vmul.f32 s28, v19;
	v60 =	vadd.f32 v31, v56;
	v26 =	vadd.f32 v29, v34  }
0x9d: {  	v48 =	vmul.f32 s25, v5;
	v36 =	vadd.f32 v63, v36;
	v29 =	vadd.f32 v42, v37  }
0x9e: {  	v49 =	vmul.f32 s25, v6;
	v34 =	vadd.f32 v44, v4;
	v63 =	vmul.f32 s25, v9  }
0x9f: {  	v28 =	vmin.f32 v28, v60;
	v46 =	vadd.f32 v36, v56;
	v37 =	vadd.f32 v29, v56  }
0xa0: {  	v34 =	vadd.f32 v45, v34;
	v41 =	vadd.f32 v63, v4;
	v29 =	vmin.f32 v31, v29  }
0xa1: {  	v31 =	vadd.f32 v32, v56;
	s30 =	spop (v2sf);
	(v2sf) =	vpush v22, $0x5;
	v37 =	vmin.f32 v27, v37  }
0xa2: {  	v27 =	vmin.f32 v29, v32;
	v29 =	vmin.f32 v30, v46;
	v30 =	vadd.f32 v47, v34  }
0xa3: {  	v31 =	vmin.f32 v52, v31;
	v32 =	vadd.f32 v48, v0;
	v34 =	vadd.f32 v49, v1  }
0xa4: {  	s26 =	smul.f32 $-2.000000000e+00, s30;
	s31 =	spop (v2sf);
	(v2sf) =	vpush v21, $0x5;
	v52 =	vmul.f32 s25, v7;
	v27 =	vmin.f32 v27, v36  }
0xa5: {  	v36 =	vbroadcast v20, $0x4;
	(v2sf) =	vpush v23, $0x6;
	v27 =	vmin.f32 v27, v30  }
0xa6: {  	s28 =	smul.f32 $-2.000000000e+00, s31;
	v50 =	vmul.f32 s26, v10;
	v51 =	vmul.f32 s26, v11;
	v30 =	vadd.f32 v30, v56  }
0xa7: {  	v35 =	vadd.f32 v52, v2;
	v55 =	vmul.f32 s26, v12;
	v59 =	vmul.f32 s26, v13  }
0xa8: {  	s29 =	spop (v2sf);
	v42 =	vmul.f32 s26, v14;
	(v2sf) =	vpush v22, $0x6;
	v53 =	vmul.f32 s28, v15  }
0xa9: {  	v27 =	vadd.f32 v27, v56;
	v54 =	vmul.f32 s28, v16;
	v56 =	vmul.f32 s25, v8  }
0xaa: {  	v57 =	vmul.f32 s28, v17;
	v61 =	vmul.f32 s28, v18;
	s25 =	smul.f32 $-2.000000000e+00, s29;
	v32 =	vadd.f32 v50, v32  }
0xab: {  	v44 =	vmul.f32 s28, v19;
	v34 =	vadd.f32 v51, v34;
	v35 =	vadd.f32 v55, v35  }
0xac: {  	v30 =	vmin.f32 v33, v30;
	v40 =	vadd.f32 v56, v3;
	v45 =	vmul.f32 s25, v5  }
0xad: {  	v46 =	vmul.f32 s25, v6;
	v32 =	vadd.f32 v53, v32;
	v34 =	vadd.f32 v54, v34  }
0xae: {  	v52 =	vmul.f32 s25, v7;
	v35 =	vadd.f32 v57, v35;
	v48 =	vadd.f32 v45, v0  }
0xaf: {  	v56 =	vmul.f32 s25, v8;
	v58 =	vadd.f32 v32, v36;
	v60 =	vadd.f32 v34, v36  }
0xb0: {  	v62 =	vadd.f32 v35, v36;
	v32 =	vmin.f32 v32, v34;
	v34 =	vadd.f32 v42, v41  }
0xb1: {  	v32 =	vmin.f32 v32, v35;
	v38 =	vmin.f32 v28, v58;
	v28 =	vadd.f32 v59, v40  }
0xb2: {  	v35 =	vadd.f32 v46, v1;
	v47 =	vadd.f32 v44, v34;
	v44 =	vmul.f32 s25, v9  }
0xb3: {  	v33 =	vmin.f32 v37, v60;
	v31 =	vmin.f32 v31, v62;
	v28 =	vadd.f32 v61, v28  }
0xb4: {  	v37 =	vbroadcast v20, $0x5;
	v51 =	vadd.f32 v47, v36;
	v61 =	vadd.f32 v44, v4;
	s30 =	spop (v2sf)  }
0xb5: {  	v43 =	vadd.f32 v28, v36;
	(v2sf) =	vpush v21, $0x6;
	v28 =	vmin.f32 v32, v28;
	s26 =	smul.f32 $-2.000000000e+00, s30  }
0xb6: {  	v32 =	vadd.f32 v52, v2;
	v30 =	vmin.f32 v30, v51;
	s31 =	spop (v2sf);
	v28 =	vmin.f32 v28, v47  }
0xb7: {  	v29 =	vmin.f32 v29, v43;
	s28 =	smul.f32 $-2.000000000e+00, s31;
	v49 =	vmul.f32 s26, v10;
	v50 =	vmul.f32 s26, v11  }
0xb8: {  	v28 =	vadd.f32 v28, v36;
	v55 =	vmul.f32 s26, v12;
	v58 =	vmul.f32 s26, v13  }
0xb9: {  	v36 =	vadd.f32 v56, v3;
	s29 =	spop (v2sf);
	v62 =	vmul.f32 s26, v14;
	v53 =	vmul.f32 s28, v15  }
0xba: {  	s30 =	spop (v2sf);
	(v2sf) =	vpush v23, $0x7;
	v54 =	vmul.f32 s28, v16;
	v57 =	vmul.f32 s28, v17  }
0xbb: {  	s25 =	smul.f32 $-2.000000000e+00, s29;
	v60 =	vmul.f32 s28, v18;
	v34 =	vadd.f32 v49, v48;
	v35 =	vadd.f32 v50, v35  }
0xbc: {  	v46 =	vmul.f32 s28, v19;
	s26 =	smul.f32 $-2.000000000e+00, s30;
	v32 =	vadd.f32 v55, v32;
	v36 =	vadd.f32 v58, v36  }
0xbd: {  	v45 =	vadd.f32 v62, v61;
	v47 =	vmul.f32 s25, v5;
	v55 =	vmul.f32 s25, v8  }
0xbe: {  	v62 =	vmul.f32 s25, v9;
	v49 =	vmul.f32 s26, v10;
	v34 =	vadd.f32 v53, v34  }
0xbf: {  	v56 =	vmul.f32 s26, v11;
	v35 =	vadd.f32 v54, v35;
	v36 =	vadd.f32 v60, v36  }
0xc0: {  	v32 =	vadd.f32 v57, v32;
	v39 =	vadd.f32 v46, v45;
	v53 =	vmul.f32 s25, v7  }
0xc1: {  	v54 =	vbroadcast v20, $0x6;
	v59 =	vadd.f32 v34, v37;
	v48 =	vadd.f32 v36, v37  }
0xc2: {  	v43 =	vadd.f32 v35, v37;
	v63 =	vadd.f32 v32, v37;
	v34 =	vmin.f32 v34, v35  }
0xc3: {  	v32 =	vmin.f32 v34, v32;
	v50 =	vmin.f32 v29, v48;
	v29 =	vadd.f32 v39, v37  }
0xc4: {  	v35 =	vadd.f32 v47, v0;
	v38 =	vmin.f32 v38, v59;
	v32 =	vmin.f32 v32, v36  }
0xc5: {  	v59 =	vmul.f32 s26, v13;
	v40 =	vmin.f32 v30, v29;
	v29 =	vmul.f32 s25, v6  }
0xc6: {  	v30 =	vmin.f32 v32, v39;
	v39 =	vadd.f32 v55, v3;
	s31 =	spop (v2sf);
	(v2sf) =	vpush v22, $0x7  }
0xc7: {  	v57 =	vmul.f32 s26, v12;
	v33 =	vmin.f32 v33, v43;
	v29 =	vadd.f32 v29, v1  }
0xc8: {  	v31 =	vmin.f32 v31, v63;
	v35 =	vadd.f32 v49, v35;
	v39 =	vadd.f32 v59, v39;
	s28 =	smul.f32 $-2.000000000e+00, s31  }
0xc9: {  	v63 =	vmul.f32 s26, v14;
	(v2sf) =	vpush v21, $0x7;
	v41 =	vadd.f32 v56, v29  }
0xca: {  	v29 =	vadd.f32 v30, v37;
	v37 =	vadd.f32 v62, v4;
	v51 =	vmul.f32 s28, v15  }
0xcb: {  	v45 =	vmul.f32 s28, v16;
	v61 =	vmul.f32 s28, v18;
	s29 =	spop (v2sf);
	(v2sf) =	vpush v23, $0x8  }
0xcc: {  	v47 =	vmul.f32 s28, v19;
	v37 =	vadd.f32 v63, v37;
	s25 =	smul.f32 $-2.000000000e+00, s29;
	v52 =	vadd.f32 v51, v35  }
0xcd: {  	v60 =	vmul.f32 s28, v17;
	v35 =	vadd.f32 v53, v2;
	v30 =	vadd.f32 v45, v41  }
0xce: {  	v39 =	vadd.f32 v61, v39;
	v48 =	vadd.f32 v47, v37;
	v49 =	vmul.f32 s25, v5  }
0xcf: {  	v53 =	vmul.f32 s25, v7;
	v58 =	vadd.f32 v52, v54;
	v35 =	vadd.f32 v57, v35  }
0xd0: {  	v41 =	vadd.f32 v30, v54;
	v30 =	vmin.f32 v52, v30;
	v46 =	vadd.f32 v39, v54  }
0xd1: {  	v57 =	vmul.f32 s25, v8;
	v34 =	vadd.f32 v48, v54;
	v36 =	vadd.f32 v53, v2  }
0xd2: {  	v38 =	vmin.f32 v38, v58;
	v35 =	vadd.f32 v60, v35;
	v33 =	vmin.f32 v33, v41  }
0xd3: {  	v32 =	vmin.f32 v50, v46;
	v50 =	vmul.f32 s25, v6;
	v43 =	vadd.f32 v57, v3  }
0xd4: {  	v46 =	vmul.f32 s25, v9;
	v41 =	vbroadcast v20, $0x8;
	v34 =	vmin.f32 v40, v34  }
0xd5: {  	v45 =	vadd.f32 v35, v54;
	v30 =	vmin.f32 v30, v35;
	v35 =	vadd.f32 v49, v0;
	s30 =	spop (v2sf)  }
0xd6: {  	v37 =	vadd.f32 v50, v1;
	v30 =	vmin.f32 v30, v39;
	(v2sf) =	vpush v22, $0x8;
	s26 =	smul.f32 $-2.000000000e+00, s30  }
0xd7: {  	v39 =	vbroadcast v20, $0x7;
	v31 =	vmin.f32 v31, v45;
	v30 =	vmin.f32 v30, v48  }
0xd8: {  	v30 =	vadd.f32 v30, v54;
	s31 =	spop (v2sf);
	(v2sf) =	vpush v21, $0x8;
	v51 =	vmul.f32 s26, v10  }
0xd9: {  	s28 =	smul.f32 $-2.000000000e+00, s31;
	(v2sf) =	vpush v23, $0x9;
	v52 =	vmul.f32 s26, v11;
	v56 =	vmul.f32 s26, v12  }
0xda: {  	v60 =	vmul.f32 s26, v13;
	s29 =	spop (v2sf);
	v48 =	vmul.f32 s26, v14;
	(v2sf) =	vpush v22, $0x9  }
0xdb: {  	v54 =	vmul.f32 s28, v15;
	v58 =	vmul.f32 s28, v17;
	v36 =	vadd.f32 v56, v36  }
0xdc: {  	v55 =	vmul.f32 s28, v16;
	v63 =	vmul.f32 s28, v18;
	s25 =	smul.f32 $-2.000000000e+00, s29;
	v35 =	vadd.f32 v51, v35  }
0xdd: {  	v50 =	vmul.f32 s28, v19;
	v37 =	vadd.f32 v52, v37;
	v36 =	vadd.f32 v58, v36  }
0xde: {  	v62 =	vadd.f32 v60, v43;
	v51 =	vmul.f32 s25, v5;
	v35 =	vadd.f32 v54, v35  }
0xdf: {  	v52 =	vmul.f32 s25, v6;
	v37 =	vadd.f32 v55, v37;
	v45 =	vadd.f32 v36, v39  }
0xe0: {  	v57 =	vmul.f32 s25, v7;
	v47 =	vadd.f32 v63, v62;
	v53 =	vadd.f32 v51, v0  }
0xe1: {  	v59 =	vadd.f32 v35, v39;
	v40 =	vmin.f32 v31, v45;
	v31 =	vadd.f32 v46, v4  }
0xe2: {  	v61 =	vadd.f32 v37, v39;
	v35 =	vmin.f32 v35, v37;
	v49 =	vadd.f32 v47, v39  }
0xe3: {  	v35 =	vmin.f32 v35, v36;
	v36 =	vadd.f32 v52, v1;
	v31 =	vadd.f32 v48, v31  }
0xe4: {  	v38 =	vmin.f32 v38, v59;
	v35 =	vmin.f32 v35, v47;
	v47 =	vmul.f32 s25, v9  }
0xe5: {  	v33 =	vmin.f32 v33, v61;
	v32 =	vmin.f32 v32, v49;
	s30 =	spop (v2sf);
	v31 =	vadd.f32 v50, v31  }
0xe6: {  	v61 =	vmul.f32 s25, v8;
	(v2sf) =	vpush v21, $0x9;
	v50 =	vadd.f32 v47, v4;
	s26 =	smul.f32 $-2.000000000e+00, s30  }
0xe7: {  	s31 =	spop (v2sf);
	v56 =	vadd.f32 v31, v39;
	v31 =	vmin.f32 v35, v31;
	v35 =	vadd.f32 v57, v2  }
0xe8: {  	s28 =	smul.f32 $-2.000000000e+00, s31;
	s29 =	spop (v2sf);
	(v2sf) =	vpush v23, $0xA;
	v54 =	vmul.f32 s26, v10;
	v55 =	vmul.f32 s26, v11  }
0xe9: {  	v60 =	vmul.f32 s26, v12;
	v31 =	vadd.f32 v31, v39;
	v63 =	vmul.f32 s26, v13  }
0xea: {  	v39 =	vadd.f32 v61, v3;
	v51 =	vmul.f32 s26, v14;
	v58 =	vmul.f32 s28, v15  }
0xeb: {  	(v2sf) =	vpush v22, $0xA;
	v59 =	vmul.f32 s28, v16;
	v62 =	vmul.f32 s28, v17  }
0xec: {  	s25 =	smul.f32 $-2.000000000e+00, s29;
	s30 =	spop (v2sf);
	v34 =	vmin.f32 v34, v56;
	(v2sf) =	vpush v21, $0xA;
	v37 =	vadd.f32 v54, v53  }
0xed: {  	v49 =	vmul.f32 s28, v18;
	v36 =	vadd.f32 v55, v36;
	v35 =	vadd.f32 v60, v35  }
0xee: {  	v39 =	vadd.f32 v63, v39;
	v54 =	vmul.f32 s28, v19;
	v55 =	vmul.f32 s25, v5  }
0xef: {  	s26 =	smul.f32 $-2.000000000e+00, s30;
	v53 =	vadd.f32 v51, v50;
	v60 =	vmul.f32 s25, v6;
	v61 =	vmul.f32 s25, v7  }
0xf0: {  	v51 =	vmul.f32 s25, v8;
	v37 =	vadd.f32 v58, v37;
	v36 =	vadd.f32 v59, v36  }
0xf1: {  	v57 =	vmul.f32 s26, v10;
	v35 =	vadd.f32 v62, v35;
	v39 =	vadd.f32 v49, v39  }
0xf2: {  	v63 =	vmul.f32 s26, v11;
	v42 =	vadd.f32 v54, v53;
	v62 =	vadd.f32 v60, v1  }
0xf3: {  	v49 =	vmul.f32 s26, v12;
	v44 =	vadd.f32 v51, v3;
	v48 =	vadd.f32 v37, v41  }
0xf4: {  	v53 =	vmul.f32 s25, v9;
	v46 =	vadd.f32 v36, v41;
	v52 =	vadd.f32 v35, v41  }
0xf5: {  	v36 =	vmin.f32 v37, v36;
	v56 =	vadd.f32 v39, v41;
	v37 =	vadd.f32 v55, v0  }
0xf6: {  	v58 =	vadd.f32 v42, v41;
	v43 =	vadd.f32 v63, v62;
	v55 =	vmul.f32 s26, v13  }
0xf7: {  	v35 =	vmin.f32 v36, v35;
	v38 =	vmin.f32 v38, v48;
	v33 =	vmin.f32 v33, v46  }
0xf8: {  	v40 =	vmin.f32 v40, v52;
	v36 =	vmin.f32 v32, v56;
	v37 =	vadd.f32 v57, v37  }
0xf9: {  	v35 =	vmin.f32 v35, v39;
	v48 =	vadd.f32 v61, v2;
	v39 =	vadd.f32 v53, v4  }
0xfa: {  	v56 =	vmul.f32 s26, v14;
	v44 =	vadd.f32 v55, v44;
	v35 =	vmin.f32 v35, v42;
	s31 =	spop (v2sf)  }
0xfb: {  	v34 =	vmin.f32 v34, v58;
	v32 =	vadd.f32 v35, v41;
	v35 =	vadd.f32 v49, v48;
	s28 =	smul.f32 $-2.000000000e+00, s31  }
0xfc: {  	v42 =	vbroadcast v20, $0x9;
	v39 =	vadd.f32 v56, v39;
	(v2sf) =	vpush v23, $0xB;
	s29 =	spop (v2sf)  }
0xfd: {  	v59 =	vmul.f32 s28, v15;
	v52 =	vmul.f32 s28, v16;
	s30 =	spop (v2sf);
	(v2sf) =	vpush v22, $0xB  }
0xfe: {  	v54 =	vmul.f32 s28, v17;
	v57 =	vmul.f32 s28, v18;
	s25 =	smul.f32 $-2.000000000e+00, s29;
	s31 =	spop (v2sf);
	(v2sf) =	vpush v21, $0xB  }
0xff: {  	s26 =	smul.f32 $-2.000000000e+00, s30;
	v37 =	vadd.f32 v59, v37;
	v43 =	vadd.f32 v52, v43;
	v59 =	vmul.f32 s28, v19  }
0x100: {  	v35 =	vadd.f32 v54, v35;
	v47 =	vmul.f32 s25, v5;
	v53 =	vmul.f32 s25, v7  }
0x101: {  	v44 =	vadd.f32 v57, v44;
	v54 =	vmul.f32 s25, v8;
	v49 =	vmul.f32 s26, v10  }
0x102: {  	(v2sf) =	vpush v23, $0xC;
	v52 =	vmul.f32 s26, v11;
	v56 =	vmul.f32 s26, v12  }
0x103: {  	s28 =	smul.f32 $-2.000000000e+00, s31;
	v57 =	vmul.f32 s26, v13;
	v50 =	vadd.f32 v37, v42;
	v58 =	vadd.f32 v43, v42  }
0x104: {  	v60 =	vadd.f32 v35, v42;
	v61 =	vmin.f32 v37, v43;
	v62 =	vadd.f32 v59, v39  }
0x105: {  	v63 =	vadd.f32 v44, v42;
	v48 =	vadd.f32 v47, v0;
	v51 =	vmul.f32 s28, v15  }
0x106: {  	v43 =	vadd.f32 v54, v3;
	v59 =	vmul.f32 s25, v9;
	v38 =	vmin.f32 v38, v50  }
0x107: {  	v46 =	vmin.f32 v33, v58;
	v39 =	vmin.f32 v40, v60;
	v33 =	vmin.f32 v61, v35  }
0x108: {  	v45 =	vadd.f32 v62, v42;
	v36 =	vmin.f32 v36, v63;
	v50 =	vmul.f32 s25, v6  }
0x109: {  	v35 =	vadd.f32 v49, v48;
	v40 =	vbroadcast v20, $0xA;
	v43 =	vadd.f32 v57, v43  }
0x10a: {  	v61 =	vmul.f32 s28, v18;
	v41 =	vadd.f32 v59, v4;
	v48 =	vmul.f32 s26, v14  }
0x10b: {  	v33 =	vmin.f32 v33, v44;
	v37 =	vadd.f32 v50, v1;
	v35 =	vadd.f32 v51, v35  }
0x10c: {  	v33 =	vmin.f32 v33, v62;
	v43 =	vadd.f32 v61, v43;
	v41 =	vadd.f32 v48, v41  }
0x10d: {  	v63 =	vmul.f32 s28, v19;
	v33 =	vadd.f32 v33, v42;
	v42 =	vadd.f32 v53, v2  }
0x10e: {  	v55 =	vmul.f32 s28, v16;
	v37 =	vadd.f32 v52, v37;
	v58 =	vadd.f32 v35, v40  }
0x10f: {  	v60 =	vmul.f32 s28, v17;
	v49 =	vadd.f32 v43, v40;
	v41 =	vadd.f32 v63, v41  }
0x110: {  	v34 =	vmin.f32 v34, v45;
	v42 =	vadd.f32 v56, v42;
	v37 =	vadd.f32 v55, v37;
	s29 =	spop (v2sf)  }
0x111: {  	v38 =	vmin.f32 v38, v58;
	(v2sf) =	vpush v22, $0xC;
	v50 =	vadd.f32 v41, v40;
	s25 =	smul.f32 $-2.000000000e+00, s29  }
0x112: {  	v36 =	vmin.f32 v36, v49;
	v42 =	vadd.f32 v60, v42;
	v62 =	vadd.f32 v37, v40  }
0x113: {  	v35 =	vmin.f32 v35, v37;
	v37 =	vmin.f32 v34, v50;
	v51 =	vmul.f32 s25, v5  }
0x114: {  	v48 =	vadd.f32 v42, v40;
	v52 =	vmul.f32 s25, v6;
	v60 =	vmul.f32 s25, v7  }
0x115: {  	v35 =	vmin.f32 v35, v42;
	s30 =	spop (v2sf);
	v61 =	vmul.f32 s25, v8;
	v49 =	vmul.f32 s25, v9  }
0x116: {  	v45 =	vmin.f32 v46, v62;
	v35 =	vmin.f32 v35, v43;
	s31 =	spop (v2sf);
	(v2sf) =	vpush v21, $0xC  }
0x117: {  	s26 =	smul.f32 $-2.000000000e+00, s30;
	v39 =	vmin.f32 v39, v48;
	v42 =	vadd.f32 v51, v0;
	v54 =	vmin.f32 v35, v41  }
0x118: {  	s28 =	smul.f32 $-2.000000000e+00, s31;
	v55 =	vadd.f32 v52, v1;
	v62 =	vadd.f32 v60, v2;
	v48 =	vbroadcast v20, $0xC  }
0x119: {  	v44 =	vadd.f32 v61, v3;
	v53 =	vmul.f32 s26, v10;
	v56 =	vmul.f32 s26, v11  }
0x11a: {  	s29 =	spop (v2sf);
	(v2sf) =	vpush v23, $0xD;
	v63 =	vmul.f32 s26, v12;
	v58 =	vmul.f32 s28, v15  }
0x11b: {  	v34 =	vadd.f32 v54, v40;
	v59 =	vmul.f32 s28, v16;
	v61 =	vmul.f32 s28, v19  }
0x11c: {  	v57 =	vadd.f32 v53, v42;
	v35 =	vadd.f32 v56, v55;
	v42 =	vbroadcast v20, $0xB  }
0x11d: {  	s25 =	smul.f32 $-2.000000000e+00, s29;
	v53 =	vmul.f32 s26, v13;
	v41 =	vadd.f32 v63, v62;
	v55 =	vmul.f32 s28, v17  }
0x11e: {  	v56 =	vmul.f32 s28, v18;
	v40 =	vadd.f32 v58, v57;
	v35 =	vadd.f32 v59, v35  }
0x11f: {  	v62 =	vmul.f32 s25, v5;
	v44 =	vadd.f32 v53, v44;
	v41 =	vadd.f32 v55, v41  }
0x120: {  	v58 =	vadd.f32 v49, v4;
	v59 =	vmul.f32 s26, v14;
	v52 =	vadd.f32 v40, v42  }
0x121: {  	v53 =	vmul.f32 s25, v6;
	v54 =	vadd.f32 v35, v42;
	v57 =	vadd.f32 v56, v44  }
0x122: {  	v55 =	vmul.f32 s25, v7;
	v60 =	vadd.f32 v41, v42;
	v44 =	vadd.f32 v59, v58  }
0x123: {  	v35 =	vmin.f32 v40, v35;
	v40 =	vadd.f32 v62, v0;
	v56 =	vadd.f32 v53, v1  }
0x124: {  	v58 =	vadd.f32 v55, v2;
	v62 =	vmul.f32 s25, v8;
	v35 =	vmin.f32 v35, v41  }
0x125: {  	v38 =	vmin.f32 v38, v52;
	v45 =	vmin.f32 v45, v54;
	v63 =	vadd.f32 v61, v44  }
0x126: {  	v47 =	vadd.f32 v57, v42;
	v39 =	vmin.f32 v39, v60;
	v35 =	vmin.f32 v35, v57;
	s30 =	spop (v2sf)  }
0x127: {  	v49 =	vadd.f32 v62, v3;
	(v2sf) =	vpush v22, $0xD;
	s26 =	smul.f32 $-2.000000000e+00, s30;
	v35 =	vmin.f32 v35, v63  }
0x128: {  	v52 =	vadd.f32 v63, v42;
	v35 =	vadd.f32 v35, v42;
	v42 =	vbroadcast v20, $0xE  }
0x129: {  	v36 =	vmin.f32 v36, v47;
	v51 =	vmul.f32 s26, v10;
	v57 =	vmul.f32 s26, v11  }
0x12a: {  	v37 =	vmin.f32 v37, v52;
	v50 =	vmul.f32 s26, v13;
	s31 =	spop (v2sf);
	(v2sf) =	vpush v21, $0xD  }
0x12b: {  	v59 =	vmul.f32 s26, v12;
	s28 =	smul.f32 $-2.000000000e+00, s31;
	v40 =	vadd.f32 v51, v40;
	v43 =	vadd.f32 v57, v56  }
0x12c: {  	v46 =	vadd.f32 v50, v49;
	v57 =	vmul.f32 s26, v14;
	v50 =	vbroadcast v20, $0xD  }
0x12d: {  	v44 =	vadd.f32 v59, v58;
	v54 =	vmul.f32 s28, v15;
	v60 =	vmul.f32 s28, v16  }
0x12e: {  	s29 =	spop (v2sf);
	(v2sf) =	vpush v23, $0xE;
	v61 =	vmul.f32 s28, v17;
	v53 =	vmul.f32 s28, v18  }
0x12f: {  	v20 =	vbroadcast v20, $0xF;
	v40 =	vadd.f32 v54, v40;
	v43 =	vadd.f32 v60, v43  }
0x130: {  	v44 =	vadd.f32 v61, v44;
	v54 =	vmul.f32 s25, v9;
	v55 =	vadd.f32 v53, v46  }
0x131: {  	s25 =	smul.f32 $-2.000000000e+00, s29;
	v60 =	vmul.f32 s28, v19;
	v63 =	vadd.f32 v40, v48;
	v51 =	vadd.f32 v43, v48  }
0x132: {  	v52 =	vadd.f32 v44, v48;
	v40 =	vmin.f32 v40, v43;
	v56 =	vadd.f32 v54, v4  }
0x133: {  	v58 =	vadd.f32 v55, v48;
	v59 =	vmul.f32 s25, v5;
	v54 =	vmul.f32 s25, v7  }
0x134: {  	v40 =	vmin.f32 v40, v44;
	v38 =	vmin.f32 v38, v63;
	v43 =	vadd.f32 v57, v56  }
0x135: {  	v41 =	vmin.f32 v45, v51;
	v39 =	vmin.f32 v39, v52;
	v44 =	vmin.f32 v36, v58  }
0x136: {  	v61 =	vadd.f32 v59, v0;
	v52 =	vmul.f32 s25, v6;
	s30 =	spop (v2sf);
	v63 =	vadd.f32 v60, v43  }
0x137: {  	v40 =	vmin.f32 v40, v55;
	v57 =	vadd.f32 v54, v2;
	(v2sf) =	vpush v22, $0xE;
	s26 =	smul.f32 $-2.000000000e+00, s30  }
0x138: {  	v43 =	vadd.f32 v52, v1;
	v52 =	vmul.f32 s25, v8;
	v55 =	vadd.f32 v63, v48  }
0x139: {  	(v2sf) =	vpush v21, $0xE;
	v62 =	vmul.f32 s26, v10;
	v56 =	vmul.f32 s26, v11;
	s31 =	spop (v2sf)  }
0x13a: {  	v58 =	vmul.f32 s26, v12;
	v37 =	vmin.f32 v37, v55;
	(v2sf) =	vpush v23, $0xF;
	s28 =	smul.f32 $-2.000000000e+00, s31  }
0x13b: {  	v55 =	vmul.f32 s25, v9;
	v36 =	vadd.f32 v62, v61;
	v43 =	vadd.f32 v56, v43  }
0x13c: {  	v46 =	vadd.f32 v58, v57;
	v53 =	vmul.f32 s28, v15;
	v59 =	vmul.f32 s28, v16  }
0x13d: {  	v61 =	vmin.f32 v40, v63;
	s29 =	spop (v2sf);
	(v2sf) =	vpush v22, $0xF;
	v60 =	vmul.f32 s28, v17  }
0x13e: {  	v56 =	vmul.f32 s26, v13;
	s25 =	smul.f32 $-2.000000000e+00, s29;
	v45 =	vadd.f32 v53, v36;
	v63 =	vadd.f32 v59, v43  }
0x13f: {  	v57 =	vmul.f32 s26, v14;
	v36 =	vadd.f32 v61, v48;
	v43 =	vadd.f32 v60, v46  }
0x140: {  	v46 =	vadd.f32 v52, v3;
	v60 =	vadd.f32 v55, v4;
	v61 =	vmul.f32 s25, v5  }
0x141: {  	v52 =	vmul.f32 s25, v6;
	v62 =	vadd.f32 v45, v50;
	v53 =	vadd.f32 v63, v50  }
0x142: {  	v54 =	vadd.f32 v43, v50;
	v58 =	vmin.f32 v45, v63;
	v59 =	vadd.f32 v56, v46  }
0x143: {  	v63 =	vmul.f32 s28, v19;
	v48 =	vadd.f32 v57, v60;
	v49 =	vadd.f32 v61, v0  }
0x144: {  	v61 =	vmul.f32 s25, v9;
	v38 =	vmin.f32 v38, v62;
	v62 =	vmul.f32 s28, v18  }
0x145: {  	v60 =	vmul.f32 s25, v8;
	v40 =	vmin.f32 v58, v43;
	v43 =	vadd.f32 v52, v1  }
0x146: {  	v23 =	vmin.f32 v39, v54;
	v46 =	vadd.f32 v61, v4;
	s30 =	spop (v2sf);
	v39 =	vadd.f32 v62, v59  }
0x147: {  	v22 =	vmin.f32 v41, v53;
	(v2sf) =	vpush v21, $0xF;
	v21 =	vadd.f32 v63, v48;
	s26 =	smul.f32 $-2.000000000e+00, s30  }
0x148: {  	v59 =	vmul.f32 s25, v7;
	s31 =	spop (v2sf);
	v45 =	vadd.f32 v39, v50;
	v39 =	vmin.f32 v40, v39  }
0x149: {  	s28 =	smul.f32 $-2.000000000e+00, s31;
	v55 =	vadd.f32 v21, v50;
	v51 =	vmul.f32 s26, v10;
	v54 =	vmul.f32 s26, v11  }
0x14a: {  	v21 =	vmin.f32 v39, v21;
	v63 =	vmul.f32 s26, v12;
	v52 =	vmul.f32 s26, v13  }
0x14b: {  	v53 =	vmul.f32 s28, v15;
	v56 =	vmul.f32 s28, v16;
	v41 =	vadd.f32 v51, v49  }
0x14c: {  	v44 =	vmin.f32 v44, v45;
	v21 =	vadd.f32 v21, v50;
	v43 =	vadd.f32 v54, v43  }
0x14d: {  	v37 =	vmin.f32 v37, v55;
	s29 =	spop (v2sf);
	v54 =	vadd.f32 v60, v3;
	v41 =	vadd.f32 v53, v41  }
0x14e: {  	s25 =	smul.f32 $-2.000000000e+00, s29;
	v58 =	vadd.f32 v56, v43;
	v43 =	vadd.f32 v59, v2;
	v53 =	vmul.f32 s26, v14  }
0x14f: {  	s30 =	spop (v2sf);
	v56 =	vmul.f32 s28, v17;
	v40 =	vadd.f32 v52, v54;
	v59 =	vmul.f32 s28, v19  }
0x150: {  	s26 =	smul.f32 $-2.000000000e+00, s30;
	v61 =	vmul.f32 s25, v6;
	v54 =	vmul.f32 s25, v8;
	v57 =	vadd.f32 v41, v42  }
0x151: {  	v62 =	vadd.f32 v58, v42;
	v39 =	vmin.f32 v41, v58;
	v55 =	vadd.f32 v63, v43  }
0x152: {  	v58 =	vmul.f32 s28, v18;
	v60 =	vmul.f32 s26, v10;
	v46 =	vadd.f32 v53, v46  }
0x153: {  	v43 =	vadd.f32 v61, v1;
	v63 =	vmul.f32 s26, v11;
	v53 =	vmul.f32 s26, v12  }
0x154: {  	[tilespmem:s23+$0xFFFFFFD0] =	vst v29;
	v29 =	vmul.f32 s26, v14;
	v38 =	vmin.f32 v38, v57;
	v22 =	vmin.f32 v22, v62  }
0x155: {  	[tilespmem:s23+$0xFFFFFF90] =	vst v25;
	v57 =	vmul.f32 s25, v5;
	v41 =	vadd.f32 v56, v55;
	v40 =	vadd.f32 v58, v40  }
0x156: {  	[tilespmem:s23+$0xFFFFFFA0] =	vst v26;
	v62 =	vmul.f32 s25, v7;
	v25 =	vadd.f32 v59, v46;
	v26 =	vadd.f32 v63, v43;
	s31 =	spop (v2sf)  }
0x157: {  	v56 =	vmul.f32 s25, v9;
	v43 =	vadd.f32 v54, v3;
	v45 =	vadd.f32 v57, v0;
	s28 =	smul.f32 $-2.000000000e+00, s31  }
0x158: {  	[tilespmem:s23+$0xFFFFFFF0] =	vst v31;
	v52 =	vadd.f32 v62, v2;
	v57 =	vmul.f32 s26, v13;
	v31 =	vmin.f32 v39, v41  }
0x159: {  	[tilespmem:s23+$0xFFFFFFB0] =	vst v27;
	v59 =	vadd.f32 v41, v42;
	v45 =	vadd.f32 v60, v45;
	v27 =	vmul.f32 s28, v16  }
0x15a: {  	[tilespmem:s23+$0xFFFFFFE0] =	vst v30;
	v31 =	vmin.f32 v31, v40;
	v55 =	vadd.f32 v53, v52;
	v30 =	vadd.f32 v57, v43  }
0x15b: {  	[tilespmem:s23+$0xFFFFFF80] =	vst v24;
	v24 =	vmul.f32 s28, v15;
	v26 =	vadd.f32 v27, v26;
	v27 =	vadd.f32 v56, v4  }
0x15c: {  	[tilespmem:s23+$0xFFFFFFC0] =	vst v28;
	v60 =	vadd.f32 v40, v42;
	v28 =	vmul.f32 s28, v17;
	v58 =	vmul.f32 s28, v18  }
0x15d: {  	v24 =	vadd.f32 v24, v45;
	v27 =	vadd.f32 v29, v27;
	v29 =	vmul.f32 s28, v19  }
0x15e: {  	[tilespmem:s23+$0x0] =	vst v32;
	v31 =	vmin.f32 v31, v25;
	v25 =	vadd.f32 v25, v42;
	v28 =	vadd.f32 v28, v55  }
0x15f: {  	[tilespmem:s23+$0x10] =	vst v33;
	v30 =	vadd.f32 v58, v30;
	v27 =	vadd.f32 v29, v27;
	v29 =	vmin.f32 v24, v26  }
0x160: {  	p0 =	sne.s32 s24, $0x3FC0;
	[tilespmem:s23+$0x20] =	vst v34;
	v61 =	vmin.f32 v23, v59;
	v31 =	vadd.f32 v31, v42;
	v29 =	vmin.f32 v29, v28  }
.Ltmp0:
0x161: {  	[tilespmem:s23+$0x30] =	vst v35;
	v62 =	vadd.f32 v28, v20;
	v24 =	vadd.f32 v24, v20;
	v29 =	vmin.f32 v29, v30;
	(pc) =	sbr.rel @p0 .LBB2_2-.Ltmp0, $4  }
0x162: {  	[tilespmem:s23+$0x40] =	vst v36;
	v26 =	vadd.f32 v26, v20;
	v30 =	vadd.f32 v30, v20;
	v29 =	vmin.f32 v29, v27  }
0x163: {  	[tilespmem:s23+$0x50] =	vst v21;
	v63 =	vmin.f32 v44, v60;
	v29 =	vadd.f32 v29, v20;
	v20 =	vadd.f32 v27, v20  }
0x164: {  	v25 =	vmin.f32 v37, v25;
	[tilespmem:s23+$0x60] =	vst v31;
	v28 =	vmin.f32 v38, v24;
	v27 =	vmin.f32 v22, v26  }
0x165: {  	s24 =	sadd.s32 $0x40, s24;
	v26 =	vmin.f32 v61, v62;
	v24 =	vmin.f32 v63, v30;
	[tilespmem:s23+$0x70] =	vst v29;
	v25 =	vmin.f32 v25, v20;
	s23 =	sadd.s32 $0x100, s23  }
0x166: {  	[tilespmem:$0x13180] =	vst v28  }
0x167: {  	[tilespmem:$0x13190] =	vst v27  }
0x168: {  	[tilespmem:$0x131A0] =	vst v26  }
0x169: {  	[tilespmem:$0x131B0] =	vst v24  }
0x16a: {  	[tilespmem:$0x131C0] =	vst v25  }
0x16b: {  	[hbm4b:s9+s18] =	stream.strided.scatter [tilespmem:s20], [sflag:$0x1], $0x10000, s19, s18, $0x38;
	[tilespmem:$0x13200] =	vst v63  }
0x16c: {  	s22 =	sadd.s32 $0x1, s22;
	_ =	swait.ge [sflag:s12], $0x10000  }
0x16d: {  	p0 =	sne.s32 s22, s11;
	[sflag:s12] =	ssyncset.done $0x0  }
.Ltmp1:
0x16e: {  	[sflag:s12] =	ssyncadd.s32 $0xFFFF0000;
	(pc) =	sbr.rel @p0 .LBB2_1-.Ltmp1, $4  }
0x16f: {  	[hbm4b:s10+s2] =	stream.linear.scatter [tilespmem:s21], [sflag:$0x1], $0x50, $0x38;
	[tilespmem:$0x13200] =	vst v63  }
0x170: {  	_ =	swait.ge [sflag:s12], $0x50  }
0x171: {  	[sflag:s12] =	ssyncset.done $0x0  }
0x172: {  	[sflag:s12] =	ssyncadd.s32 $0xFFFFFFB0  }
0x173: {  	_ =	sfence.sel $0x180000  }
0x174: {  	[bflag:$0x0] =	sbarrier.arrive $0xFFFF  }
0x175: {  	p0 =	sne.s32 s0, $0x0;
	_ =	strace $0x90000047  }
0x176: {  	s0 =	sadd.s32 @!p0 $0x100000, s1;
	[bflag:$0x2] =	sbarrier.arrive $0xFFFF  }
0x177: {  	[sflag:s0] =	ssyncadd.tile.s32 @!p0 $0x1;
	_ =	shalt  }
.Lfunc_end2:
_tile_overlayer_lowered:
.L_overlay_start_2:
0x178: {  	(tag) =	ssettag $0x2  }
0x179: {  	s0 =	rddreg [dreg:$0x0];
	s2 =	stileid.u32  }
0x17a: {  	s1 =	rddreg [dreg:$0x1];
	p0 =	sne.s32 s2, $0x0  }
0x17b: {  	s3 =	rddreg [dreg:$0x2];
	[bflag:$0x3] =	sbarrier.arrive $0xFFFF;
	s2 =	simm.s32 @!p0 $0x1C01  }
0x17c: {  	[timem:s3], [sflag:s2] =	dma.local @!p0 [hbm:s0], s1  }
0x17d: {  	s0 =	simm.s32 @!p0 $0x1  }
0x17e: {  	_ =	swait.ge @!p0 [sflag:s0], s1  }
0x17f: {  	s1 =	ssub.s32 @!p0 $0x0, s1;
	[sflag:s0] =	ssyncset.done @!p0 $0x0  }
0x180: {  	[sflag:s0] =	ssyncadd.s32 @!p0 s1  }
0x181: {  	[bflag:$0x3] =	sbarrier.arrive $0xFFFF  }
0x182: {  	_ =	shalt  }

</sc_bundles>
